<compile_context>
chip_gen: v7x
topology: tpu7x:2x2x1
jax: 0.10.2.dev20260603
libtpu: 0.0.44.dev20260713+nightly
codegen_flags: <defaults>
</compile_context>

<pallas_src>
import jax
import jax.numpy as jnp
from jax import lax
from jax.experimental import pallas as pl
from jax.experimental.pallas import tpu as pltpu
from jax.experimental.pallas import tpu_sc as plsc

N_NODES = 10000
N_EDGES = 160000
N_SPEC = 4
N_TILES = 32
EDGES_PER_TILE = 5120
CHUNK = 128
N_CHUNKS = EDGES_PER_TILE // CHUNK
GROUPS = CHUNK // 16
E_PAD = N_TILES * EDGES_PER_TILE

NROWS = 10240
ACC_ROWS = NROWS * N_SPEC
ROWS_PER_TILE = ACC_ROWS // 16
NT_COLS = 8
TCOLS = 24

CUTOFF = 5.0
NU = 0.1
MP = 0.1

SH0 = 0.28209479177387814 * NU
SH1 = 0.4886025119029199 * NU
SH2A = 1.0925484305920792 * NU
SH2C = 0.31539156525252005 * NU
SH2E = 0.5462742152960396 * NU

RC_53 = 5.0 / 3.0
RC_103 = 10.0 / 3.0
RC_25 = 2.5
RC_5 = 5.0


def _sc_body(nt_hbm, cen_hbm, nbr_hbm, out_hbm,
             cen_v, nbr_v, ndc0, ndn0, ndc1, ndn1, msg0, msg1, idx0, idx1,
             acc_s, sg0, sg1, ss0, ss1):
    cid = lax.axis_index("c")
    sid = lax.axis_index("s")
    wid = sid * 2 + cid
    bufs = ((ndc0, ndn0, msg0, idx0, sg0, ss0),
            (ndc1, ndn1, msg1, idx1, sg1, ss1))

    pltpu.sync_copy(cen_hbm.at[wid], cen_v)
    pltpu.sync_copy(nbr_hbm.at[wid], nbr_v)

    zero16 = jnp.zeros((16,), jnp.float32)

    def _zrow(rr, carry):
        msg0[rr, pl.ds(0, 16)] = zero16
        msg0[rr, pl.ds(TCOLS - 16, 16)] = zero16
        msg1[rr, pl.ds(0, 16)] = zero16
        msg1[rr, pl.ds(TCOLS - 16, 16)] = zero16
        return carry

    lax.fori_loop(0, CHUNK, _zrow, 0)
    for z in range(ROWS_PER_TILE // CHUNK):
        pltpu.sync_copy(
            msg0, acc_s.at[pl.ds(sid * ROWS_PER_TILE + z * CHUNK, CHUNK)])
    plsc.subcore_barrier()

    lane = lax.iota(jnp.int32, 16)

    def _start_gathers(g, p):
        ndc_v, ndn_v, _, _, sg, _ = bufs[p]
        pltpu.async_copy(nt_hbm.at[cen_v.at[g]], ndc_v, sg)
        pltpu.async_copy(nt_hbm.at[nbr_v.at[g]], ndn_v, sg)

    def _wait_gathers(p):
        ndc_v, ndn_v, _, _, sg, _ = bufs[p]
        pltpu.make_async_copy(nt_hbm.at[cen_v.at[0]], ndc_v, sg).wait()
        pltpu.make_async_copy(nt_hbm.at[nbr_v.at[0]], ndn_v, sg).wait()

    def _start_scatter(p):
        _, _, msg_v, idx_v, _, ss = bufs[p]
        pltpu.async_copy(msg_v, acc_s.at[idx_v], ss, add=True)

    def _wait_scatter(p):
        _, _, msg_v, idx_v, _, ss = bufs[p]
        pltpu.make_async_copy(msg_v, acc_s.at[idx_v], ss).wait()

    def _compute_chunk(g, ndc_v, ndn_v, msg_v, idx_v):
        def grp(j, carry):
            row16 = lane + j * 16
            gv = jnp.full((16,), g, jnp.int32)
            c0 = jnp.zeros((16,), jnp.int32)
            cen16 = plsc.load_gather(cen_v, [gv, row16])
            pcx = plsc.load_gather(ndc_v, [row16, c0])
            pcy = plsc.load_gather(ndc_v, [row16, c0 + 1])
            pcz = plsc.load_gather(ndc_v, [row16, c0 + 2])
            pnx = plsc.load_gather(ndn_v, [row16, c0])
            pny = plsc.load_gather(ndn_v, [row16, c0 + 1])
            pnz = plsc.load_gather(ndn_v, [row16, c0 + 2])
            spf = plsc.load_gather(ndn_v, [row16, c0 + 3])

            vx = pnx - pcx
            vy = pny - pcy
            vz = pnz - pcz
            s = vx * vx + vy * vy + vz * vz + 1e-12

            bits = plsc.bitcast(s, jnp.int32)
            y = plsc.bitcast(jnp.int32(0x5F3759DF) - (bits >> 1),
                             jnp.float32)
            hs = 0.5 * s
            for _ in range(3):
                y = y * (1.5 - hs * y * y)
            r = s * y
            ux = vx * y
            uy = vy * y
            uz = vz * y

            xc = jnp.minimum(r * (1.0 / CUTOFF), 1.0)
            u = xc - 0.5
            t = u * u
            sinpu = u * (3.141592653589793 + t * (-5.16771278004997
                    + t * (2.5501640398773455 + t * (-0.5992645293207921
                    + t * (0.08214588661112823
                    + t * -0.007370430945714351)))))
            fc = 0.5 - 0.5 * sinpu

            g0 = jnp.exp(-(r * r)) * fc
            g53 = jnp.exp(-((r - RC_53) * (r - RC_53))) * fc
            g103 = jnp.exp(-((r - RC_103) * (r - RC_103))) * fc
            g25 = jnp.exp(-((r - RC_25) * (r - RC_25))) * fc
            g5 = jnp.exp(-((r - RC_5) * (r - RC_5))) * fc

            sh1 = (uy * SH1, uz * SH1, ux * SH1)
            sh2 = (ux * uy * SH2A, uy * uz * SH2A,
                   (3.0 * uz * uz - 1.0) * SH2C,
                   ux * uz * SH2A, (ux * ux - uy * uy) * SH2E)

            terms = [g0 * SH0, g53 * SH0, g103 * SH0, g5 * SH0]
            rb1 = (g0, g25, g5)
            for m in range(3):
                for n in range(3):
                    terms.append(sh1[m] * rb1[n])
            rb2 = (g0, g5)
            for m in range(5):
                for n in range(2):
                    terms.append(sh2[m] * rb2[n])

            for k, val in enumerate(terms):
                col = jnp.full((16,), k, jnp.int32)
                plsc.store_scatter(msg_v, [row16, col], val)

            idx_v[pl.ds(j * 16, 16)] = cen16 * N_SPEC + spf.astype(jnp.int32)
            return carry

        lax.fori_loop(0, GROUPS, grp, 0)

    _start_gathers(0, 0)

    def _phase(g, p):
        @pl.when(g + 1 < N_CHUNKS)
        def _():
            _start_gathers(g + 1, 1 - p)

        @pl.when(g >= 2)
        def _():
            _wait_scatter(p)

        _wait_gathers(p)
        _compute_chunk(g, bufs[p][0], bufs[p][1], bufs[p][2], bufs[p][3])
        _start_scatter(p)

    def _pipe(g2, carry):
        _phase(g2 * 2, 0)
        _phase(g2 * 2 + 1, 1)
        return carry

    lax.fori_loop(0, N_CHUNKS // 2, _pipe, 0)
    _wait_scatter(0)
    _wait_scatter(1)

    plsc.subcore_barrier()
    rows = pl.ds(sid * ROWS_PER_TILE, ROWS_PER_TILE)
    pltpu.sync_copy(acc_s.at[rows], out_hbm.at[cid, rows, :])


def _sc_call(node_tab, centers, neighbors):
    mesh = plsc.VectorSubcoreMesh(core_axis_name="c", subcore_axis_name="s")
    return pl.kernel(
        _sc_body,
        out_type=jax.ShapeDtypeStruct((2, ACC_ROWS, TCOLS), jnp.float32),
        mesh=mesh,
        compiler_params=pltpu.CompilerParams(
            needs_layout_passes=False, use_tc_tiling_on_sc=False),
        scratch_types=[
            pltpu.VMEM((N_CHUNKS, CHUNK), jnp.int32),
            pltpu.VMEM((N_CHUNKS, CHUNK), jnp.int32),
            pltpu.VMEM((CHUNK, NT_COLS), jnp.float32),
            pltpu.VMEM((CHUNK, NT_COLS), jnp.float32),
            pltpu.VMEM((CHUNK, NT_COLS), jnp.float32),
            pltpu.VMEM((CHUNK, NT_COLS), jnp.float32),
            pltpu.VMEM((CHUNK, TCOLS), jnp.float32),
            pltpu.VMEM((CHUNK, TCOLS), jnp.float32),
            pltpu.VMEM((CHUNK,), jnp.int32),
            pltpu.VMEM((CHUNK,), jnp.int32),
            pltpu.VMEM_SHARED((ACC_ROWS, TCOLS), jnp.float32),
            pltpu.SemaphoreType.DMA,
            pltpu.SemaphoreType.DMA,
            pltpu.SemaphoreType.DMA,
            pltpu.SemaphoreType.DMA,
        ],
    )(node_tab, centers, neighbors)


def _tc_body(p_ref, w_ref, w1_ref, b1_ref, w2_ref, b2_ref, o_ref):
    a = p_ref[0] + p_ref[1]
    feat = jnp.dot(a, w_ref[...], preferred_element_type=jnp.float32,
                   precision=jax.lax.Precision.HIGHEST) * MP
    sq = feat * feat
    inv0 = sq[:, 0:32]
    inv1 = sq[:, 32:56] + sq[:, 56:80] + sq[:, 80:104]
    inv2 = (sq[:, 104:120] + sq[:, 120:136] + sq[:, 136:152]
            + sq[:, 152:168] + sq[:, 168:184])
    inv = jnp.concatenate([inv0, inv1, inv2], axis=1)
    h = jnp.maximum(
        jnp.dot(inv, w1_ref[...], preferred_element_type=jnp.float32)
        + b1_ref[...], 0.0)
    o_ref[...] = (jnp.dot(h, w2_ref[...], preferred_element_type=jnp.float32)
                  + b2_ref[...])


def _tc_head(p, W, W1, b1, W2, b2):
    blk = 1000
    return pl.pallas_call(
        _tc_body,
        grid=(N_NODES // blk,),
        in_specs=[
            pl.BlockSpec((2, blk, N_SPEC * TCOLS), lambda i: (0, i, 0)),
            pl.BlockSpec((N_SPEC * TCOLS, 184), lambda i: (0, 0)),
            pl.BlockSpec((72, 64), lambda i: (0, 0)),
            pl.BlockSpec((1, 64), lambda i: (0, 0)),
            pl.BlockSpec((64, 1), lambda i: (0, 0)),
            pl.BlockSpec((1, 1), lambda i: (0, 0)),
        ],
        out_specs=pl.BlockSpec((blk, 1), lambda i: (i, 0)),
        out_shape=jax.ShapeDtypeStruct((N_NODES, 1), jnp.float32),
    )(p, W, W1, b1, W2, b2)


def _term_onehot():
    import numpy as np
    oh = np.zeros((TCOLS, 8, 184), np.float32)
    k = 0
    for l, (nl, base) in enumerate(((4, 0), (3, 32), (2, 104))):
        for m in range(2 * l + 1):
            for n in range(nl):
                for c in range(8):
                    oh[k, c, base + m * 8 * nl + c * nl + n] = 1.0
                k += 1
    return jnp.asarray(oh)


def kernel(positions, embeddings, W1, b1, W2, b2, species, pairs):
    pp = jnp.pad(pairs.astype(jnp.int32), ((0, E_PAD - N_EDGES), (0, 0)),
                 constant_values=N_NODES)
    centers = pp[:, 0].reshape(N_TILES, N_CHUNKS, CHUNK)
    neighbors = pp[:, 1].reshape(N_TILES, N_CHUNKS, CHUNK)

    node_tab = jnp.pad(
        jnp.concatenate(
            [positions, species.astype(jnp.float32)[:, None]], axis=1),
        ((0, NROWS - N_NODES), (0, NT_COLS - 4)))

    p = _sc_call(node_tab, centers, neighbors)
    p = p.reshape(2, NROWS, N_SPEC * TCOLS)
    W = jnp.einsum('sc,kcj->skj', embeddings, _term_onehot(),
                   precision=jax.lax.Precision.HIGHEST)
    W = W.reshape(N_SPEC * TCOLS, 184)
    return _tc_head(p, W, W1, b1.reshape(1, 64), W2, b2.reshape(1, 1))

# --- scband reference (transcript-rebuilt; emitter-appended) ---
"""Pipeline reference for scband-base-model-2654289789315 (READ-ONLY COPY).

The authoritative reference and input builder live on the scoring server;
editing this copy changes nothing except your own understanding.
"""

import jax, jax.numpy as jnp
import numpy as np

L_MAX = 2
N_MAX = [4, 3, 2]
N_CHANNELS = 8
K_L = [N_CHANNELS * n for n in N_MAX]
K_TOT = sum(K_L)
CUTOFF = 5.0
N_SPECIES = 4
N_NODES = 10000
N_EDGES = 160000
NU_SCALING = 0.1
MP_SCALING = 0.1
D_HEAD = 64


def _sph(unit):
    # real spherical harmonics l = 0, 1, 2 (sphericart-style ordering)
    x, y, z = unit[:, 0], unit[:, 1], unit[:, 2]
    sh0 = jnp.full((unit.shape[0], 1), 0.28209479177387814, dtype=unit.dtype)
    sh1 = jnp.stack([y, z, x], axis=1) * 0.4886025119029199
    sh2 = jnp.stack([
        x * y * 1.0925484305920792,
        y * z * 1.0925484305920792,
        (3.0 * z * z - 1.0) * 0.31539156525252005,
        x * z * 1.0925484305920792,
        (x * x - y * y) * 0.5462742152960396,
    ], axis=1)
    return [sh0, sh1, sh2]


def _radial(r):
    # Gaussian radial basis per l with smooth cosine cutoff
    fc = 0.5 * (jnp.cos(jnp.pi * jnp.clip(r / CUTOFF, 0.0, 1.0)) + 1.0)
    outs = []
    for l in range(L_MAX + 1):
        n = N_MAX[l]
        centers = jnp.linspace(0.0, CUTOFF, n, dtype=r.dtype)
        rb = jnp.exp(-((r[:, None] - centers[None, :]) ** 2))
        outs.append(rb * fc[:, None])
    return outs


def setup_inputs(seed: int = 0) -> dict:
    key = jax.random.key(seed)
    ks = jax.random.split(key, 8)
    positions = jax.random.normal(ks[0], (N_NODES, 3), dtype=jnp.float32) * 5.0
    species = jax.random.randint(ks[1], (N_NODES,), 0, N_SPECIES)
    pairs = jax.random.randint(ks[2], (N_EDGES, 2), 0, N_NODES)
    embeddings = jax.random.normal(ks[3], (N_SPECIES, N_CHANNELS), dtype=jnp.float32)
    W1 = jax.random.normal(ks[4], (K_TOT, D_HEAD), dtype=jnp.float32) / jnp.sqrt(float(K_TOT))
    b1 = jnp.zeros((D_HEAD,), dtype=jnp.float32)
    W2 = jax.random.normal(ks[5], (D_HEAD, 1), dtype=jnp.float32) / jnp.sqrt(float(D_HEAD))
    b2 = jnp.zeros((1,), dtype=jnp.float32)
    return {
        "positions": positions,
        "embeddings": embeddings,
        "W1": W1,
        "b1": b1,
        "W2": W2,
        "b2": b2,
        "species": species,
        "pairs": pairs,
    }


def reference(positions, embeddings, W1, b1, W2, b2, species, pairs):
    centers = pairs[:, 0]
    neighbors = pairs[:, 1]
    # precomputer: pairwise vectors, distances, spherical harmonics, radial basis
    vec = positions[neighbors] - positions[centers]
    r = jnp.sqrt(jnp.sum(vec * vec, axis=1) + 1e-12)
    unit = vec / r[:, None]
    sh = [s * NU_SCALING for s in _sph(unit)]
    rb = _radial(r)
    # center embeddings (species -> element channels)
    emb = embeddings[species]            # [N, C]
    emb_nb = emb[neighbors]              # [E, C]
    # invariant message passing: gather neighbor embedding, outer with sh x radial,
    # scatter-add to centers
    invariants = []
    for l in range(L_MAX + 1):
        msg = (sh[l][:, :, None, None]
               * rb[l][:, None, None, :]
               * emb_nb[:, None, :, None])          # [E, 2l+1, C, n_max_l]
        msg = msg.reshape(msg.shape[0], 2 * l + 1, K_L[l])
        feat = jax.ops.segment_sum(msg, centers, num_segments=N_NODES) * MP_SCALING
        # nu=2 CG-style invariant contraction over m
        invariants.append(jnp.sum(feat * feat, axis=1))  # [N, k_l]
    inv = jnp.concatenate(invariants, axis=-1)           # [N, K_TOT]
    # per-atom head (MLP) and last layer
    h = jax.nn.relu(inv @ W1 + b1)
    out = h @ W2 + b2                                     # [N, 1]
    return out

if __name__ == "__main__":
    import jax
    _d = setup_inputs()
    print(jax.jit(kernel)(*tuple(_d.values())))

</pallas_src>

<mosaic_0001>
#map = affine_map<(d0, d1) -> (0, 0)>
#map1 = affine_map<(d0, d1) -> (0, 0, 0)>
module attributes {stable_mosaic.version = 14 : i64} {
  func.func @_sc_body(%arg0: i32, %arg1: i32, %arg2: memref<10240x8xf32, #tpu.memory_space<hbm>>, %arg3: memref<32x40x128xi32, #tpu.memory_space<hbm>>, %arg4: memref<32x40x128xi32, #tpu.memory_space<hbm>>, %arg5: memref<2x40960x24xf32, #tpu.memory_space<hbm>>, %arg6: memref<40x128xi32, #tpu.memory_space<vmem>>, %arg7: memref<40x128xi32, #tpu.memory_space<vmem>>, %arg8: memref<128x8xf32, #tpu.memory_space<vmem>>, %arg9: memref<128x8xf32, #tpu.memory_space<vmem>>, %arg10: memref<128x8xf32, #tpu.memory_space<vmem>>, %arg11: memref<128x8xf32, #tpu.memory_space<vmem>>, %arg12: memref<128x24xf32, #tpu.memory_space<vmem>>, %arg13: memref<128x24xf32, #tpu.memory_space<vmem>>, %arg14: memref<128xi32, #tpu.memory_space<vmem>>, %arg15: memref<128xi32, #tpu.memory_space<vmem>>, %arg16: memref<40960x24xf32, #tpu.memory_space<vmem_shared>>, %arg17: memref<!tpu.dma_semaphore, #tpu.memory_space<semaphore_mem>>, %arg18: memref<!tpu.dma_semaphore, #tpu.memory_space<semaphore_mem>>, %arg19: memref<!tpu.dma_semaphore, #tpu.memory_space<semaphore_mem>>, %arg20: memref<!tpu.dma_semaphore, #tpu.memory_space<semaphore_mem>>) attributes {dimension_semantics = [#tpu.dimension_semantics<core_parallel>, #tpu.dimension_semantics<subcore_parallel>], iteration_bounds = array<i64: 2, 16>, scalar_prefetch = 0 : i64, scratch_operands = 15 : i64, tpu.core_type = #tpu.core_type<sc_vector_subcore>, window_params = [{transform_indices = #map}, {transform_indices = #map1}, {transform_indices = #map1}, {transform_indices = #map1}]} {
    %mul3A = arith.constant 2 : i32
    %mul3A_0 = arith.muli %arg1, %mul3A : i32
    %add3A = arith.addi %mul3A_0, %arg0 : i32
    "tpu.region"() ({
      %run_scoped3A = tpu.sem_alloc : memref<!tpu.dma_semaphore, #tpu.memory_space<semaphore_mem>>
      %dma_start3A_114 = arith.constant 0 : i32
      %dma_start3A_115 = arith.constant 0 : i32
      %dma_start3A_116 = tpu.memref_slice %arg3[%add3A, %dma_start3A_114, %dma_start3A_115] : memref<32x40x128xi32, #tpu.memory_space<hbm>> -> memref<1x40x128xi32, #tpu.memory_space<hbm>>
      %dma_start3A_117 = tpu.memref_squeeze %dma_start3A_116 : memref<1x40x128xi32, #tpu.memory_space<hbm>> -> memref<40x128xi32, #tpu.memory_space<hbm>>
      %dma_start3A_118 = arith.constant 0 : i32
      %dma_start3A_119 = arith.constant 0 : i32
      %dma_start3A_120 = tpu.memref_slice %arg3[%add3A, %dma_start3A_118, %dma_start3A_119] : memref<32x40x128xi32, #tpu.memory_space<hbm>> -> memref<1x40x128xi32, #tpu.memory_space<hbm>>
      %dma_start3A_121 = tpu.memref_squeeze %dma_start3A_120 : memref<1x40x128xi32, #tpu.memory_space<hbm>> -> memref<40x128xi32, #tpu.memory_space<hbm>>
      tpu.enqueue_dma source(%dma_start3A_121 : memref<40x128xi32, #tpu.memory_space<hbm>>) target(%arg6 : memref<40x128xi32, #tpu.memory_space<vmem>>) target_semaphore(%run_scoped3A : memref<!tpu.dma_semaphore, #tpu.memory_space<semaphore_mem>>)
      %dma_wait3A_122 = arith.constant 0 : i32
      %dma_wait3A_123 = arith.constant 0 : i32
      %dma_wait3A_124 = tpu.memref_slice %arg3[%add3A, %dma_wait3A_122, %dma_wait3A_123] : memref<32x40x128xi32, #tpu.memory_space<hbm>> -> memref<1x40x128xi32, #tpu.memory_space<hbm>>
      %dma_wait3A_125 = tpu.memref_squeeze %dma_wait3A_124 : memref<1x40x128xi32, #tpu.memory_space<hbm>> -> memref<40x128xi32, #tpu.memory_space<hbm>>
      %dma_wait3A_126 = arith.constant 0 : i32
      %dma_wait3A_127 = arith.constant 0 : i32
      %dma_wait3A_128 = tpu.memref_slice %arg3[%add3A, %dma_wait3A_126, %dma_wait3A_127] : memref<32x40x128xi32, #tpu.memory_space<hbm>> -> memref<1x40x128xi32, #tpu.memory_space<hbm>>
      %dma_wait3A_129 = tpu.memref_squeeze %dma_wait3A_128 : memref<1x40x128xi32, #tpu.memory_space<hbm>> -> memref<40x128xi32, #tpu.memory_space<hbm>>
      tpu.wait_dma2 semaphore(%run_scoped3A : memref<!tpu.dma_semaphore, #tpu.memory_space<semaphore_mem>>) src(%dma_wait3A_129 : memref<40x128xi32, #tpu.memory_space<hbm>>) dst(%arg6 : memref<40x128xi32, #tpu.memory_space<vmem>>)
      tpu.yield
    }) : () -> ()
    "tpu.region"() ({
      %run_scoped3A = tpu.sem_alloc : memref<!tpu.dma_semaphore, #tpu.memory_space<semaphore_mem>>
      %dma_start3A_114 = arith.constant 0 : i32
      %dma_start3A_115 = arith.constant 0 : i32
      %dma_start3A_116 = tpu.memref_slice %arg4[%add3A, %dma_start3A_114, %dma_start3A_115] : memref<32x40x128xi32, #tpu.memory_space<hbm>> -> memref<1x40x128xi32, #tpu.memory_space<hbm>>
      %dma_start3A_117 = tpu.memref_squeeze %dma_start3A_116 : memref<1x40x128xi32, #tpu.memory_space<hbm>> -> memref<40x128xi32, #tpu.memory_space<hbm>>
      %dma_start3A_118 = arith.constant 0 : i32
      %dma_start3A_119 = arith.constant 0 : i32
      %dma_start3A_120 = tpu.memref_slice %arg4[%add3A, %dma_start3A_118, %dma_start3A_119] : memref<32x40x128xi32, #tpu.memory_space<hbm>> -> memref<1x40x128xi32, #tpu.memory_space<hbm>>
      %dma_start3A_121 = tpu.memref_squeeze %dma_start3A_120 : memref<1x40x128xi32, #tpu.memory_space<hbm>> -> memref<40x128xi32, #tpu.memory_space<hbm>>
      tpu.enqueue_dma source(%dma_start3A_121 : memref<40x128xi32, #tpu.memory_space<hbm>>) target(%arg7 : memref<40x128xi32, #tpu.memory_space<vmem>>) target_semaphore(%run_scoped3A : memref<!tpu.dma_semaphore, #tpu.memory_space<semaphore_mem>>)
      %dma_wait3A_122 = arith.constant 0 : i32
      %dma_wait3A_123 = arith.constant 0 : i32
      %dma_wait3A_124 = tpu.memref_slice %arg4[%add3A, %dma_wait3A_122, %dma_wait3A_123] : memref<32x40x128xi32, #tpu.memory_space<hbm>> -> memref<1x40x128xi32, #tpu.memory_space<hbm>>
      %dma_wait3A_125 = tpu.memref_squeeze %dma_wait3A_124 : memref<1x40x128xi32, #tpu.memory_space<hbm>> -> memref<40x128xi32, #tpu.memory_space<hbm>>
      %dma_wait3A_126 = arith.constant 0 : i32
      %dma_wait3A_127 = arith.constant 0 : i32
      %dma_wait3A_128 = tpu.memref_slice %arg4[%add3A, %dma_wait3A_126, %dma_wait3A_127] : memref<32x40x128xi32, #tpu.memory_space<hbm>> -> memref<1x40x128xi32, #tpu.memory_space<hbm>>
      %dma_wait3A_129 = tpu.memref_squeeze %dma_wait3A_128 : memref<1x40x128xi32, #tpu.memory_space<hbm>> -> memref<40x128xi32, #tpu.memory_space<hbm>>
      tpu.wait_dma2 semaphore(%run_scoped3A : memref<!tpu.dma_semaphore, #tpu.memory_space<semaphore_mem>>) src(%dma_wait3A_129 : memref<40x128xi32, #tpu.memory_space<hbm>>) dst(%arg7 : memref<40x128xi32, #tpu.memory_space<vmem>>)
      tpu.yield
    }) : () -> ()
    %broadcast_in_dim3A = arith.constant 0.000000e+00 : f32
    %broadcast_in_dim3A_1 = vector.broadcast %broadcast_in_dim3A : f32 to vector<16xf32>
    %scan3A = arith.constant 0 : i32
    %scan3A_2 = arith.constant 0 : i32
    %scan3A_3 = arith.constant 128 : i32
    %scan3A_4 = arith.addi %scan3A_2, %scan3A_3 : i32
    %scan3A_5 = arith.constant 1 : i32
    scf.for %scan3A_114 = %scan3A_2 to %scan3A_4 step %scan3A_5  : i32 {
      %swap3A = arith.index_cast %scan3A_114 : i32 to index
      %swap3A_115 = arith.constant 0 : index
      %swap3A_116 = tpu.vector_load %arg12[%swap3A, %swap3A_115] {strides = array<i32>} : memref<128x24xf32, #tpu.memory_space<vmem>>, vector<16xf32>,
      tpu.vector_store %arg12[%swap3A, %swap3A_115], %broadcast_in_dim3A_1 {strides = array<i32>} : memref<128x24xf32, #tpu.memory_space<vmem>>, vector<16xf32>,
      %swap3A_117 = arith.index_cast %scan3A_114 : i32 to index
      %swap3A_118 = arith.constant 8 : index
      %swap3A_119 = tpu.vector_load %arg12[%swap3A_117, %swap3A_118] {strides = array<i32>} : memref<128x24xf32, #tpu.memory_space<vmem>>, vector<16xf32>,
      tpu.vector_store %arg12[%swap3A_117, %swap3A_118], %broadcast_in_dim3A_1 {strides = array<i32>} : memref<128x24xf32, #tpu.memory_space<vmem>>, vector<16xf32>,
      %swap3A_120 = arith.index_cast %scan3A_114 : i32 to index
      %swap3A_121 = arith.constant 0 : index
      %swap3A_122 = tpu.vector_load %arg13[%swap3A_120, %swap3A_121] {strides = array<i32>} : memref<128x24xf32, #tpu.memory_space<vmem>>, vector<16xf32>,
      tpu.vector_store %arg13[%swap3A_120, %swap3A_121], %broadcast_in_dim3A_1 {strides = array<i32>} : memref<128x24xf32, #tpu.memory_space<vmem>>, vector<16xf32>,
      %swap3A_123 = arith.index_cast %scan3A_114 : i32 to index
      %swap3A_124 = arith.constant 8 : index
      %swap3A_125 = tpu.vector_load %arg13[%swap3A_123, %swap3A_124] {strides = array<i32>} : memref<128x24xf32, #tpu.memory_space<vmem>>, vector<16xf32>,
      tpu.vector_store %arg13[%swap3A_123, %swap3A_124], %broadcast_in_dim3A_1 {strides = array<i32>} : memref<128x24xf32, #tpu.memory_space<vmem>>, vector<16xf32>,
    }
    %scan3A_6 = arith.constant 128 : i32
    %mul3A_7 = arith.constant 2560 : i32
    %mul3A_8 = arith.muli %arg1, %mul3A_7 : i32
    %add3A_9 = arith.constant 0 : i32
    %add3A_10 = arith.addi %mul3A_8, %add3A_9 : i32
    "tpu.region"() ({
      %run_scoped3A = tpu.sem_alloc : memref<!tpu.dma_semaphore, #tpu.memory_space<semaphore_mem>>
      %dma_start3A_114 = arith.constant 0 : i32
      %dma_start3A_115 = tpu.memref_slice %arg16[%add3A_10, %dma_start3A_114] : memref<40960x24xf32, #tpu.memory_space<vmem_shared>> -> memref<128x24xf32, #tpu.memory_space<vmem_shared>>
      %dma_start3A_116 = arith.constant 0 : i32
      %dma_start3A_117 = tpu.memref_slice %arg16[%add3A_10, %dma_start3A_116] : memref<40960x24xf32, #tpu.memory_space<vmem_shared>> -> memref<128x24xf32, #tpu.memory_space<vmem_shared>>
      tpu.enqueue_dma source(%arg12 : memref<128x24xf32, #tpu.memory_space<vmem>>) target(%dma_start3A_117 : memref<128x24xf32, #tpu.memory_space<vmem_shared>>) target_semaphore(%run_scoped3A : memref<!tpu.dma_semaphore, #tpu.memory_space<semaphore_mem>>)
      %dma_wait3A_118 = arith.constant 0 : i32
      %dma_wait3A_119 = tpu.memref_slice %arg16[%add3A_10, %dma_wait3A_118] : memref<40960x24xf32, #tpu.memory_space<vmem_shared>> -> memref<128x24xf32, #tpu.memory_space<vmem_shared>>
      %dma_wait3A_120 = arith.constant 0 : i32
      %dma_wait3A_121 = tpu.memref_slice %arg16[%add3A_10, %dma_wait3A_120] : memref<40960x24xf32, #tpu.memory_space<vmem_shared>> -> memref<128x24xf32, #tpu.memory_space<vmem_shared>>
      tpu.wait_dma2 semaphore(%run_scoped3A : memref<!tpu.dma_semaphore, #tpu.memory_space<semaphore_mem>>) src(%arg12 : memref<128x24xf32, #tpu.memory_space<vmem>>) dst(%dma_wait3A_121 : memref<128x24xf32, #tpu.memory_space<vmem_shared>>)
      tpu.yield
    }) : () -> ()
    %mul3A_11 = arith.constant 2560 : i32
    %mul3A_12 = arith.muli %arg1, %mul3A_11 : i32
    %add3A_13 = arith.constant 128 : i32
    %add3A_14 = arith.addi %mul3A_12, %add3A_13 : i32
    "tpu.region"() ({
      %run_scoped3A = tpu.sem_alloc : memref<!tpu.dma_semaphore, #tpu.memory_space<semaphore_mem>>
      %dma_start3A_114 = arith.constant 0 : i32
      %dma_start3A_115 = tpu.memref_slice %arg16[%add3A_14, %dma_start3A_114] : memref<40960x24xf32, #tpu.memory_space<vmem_shared>> -> memref<128x24xf32, #tpu.memory_space<vmem_shared>>
      %dma_start3A_116 = arith.constant 0 : i32
      %dma_start3A_117 = tpu.memref_slice %arg16[%add3A_14, %dma_start3A_116] : memref<40960x24xf32, #tpu.memory_space<vmem_shared>> -> memref<128x24xf32, #tpu.memory_space<vmem_shared>>
      tpu.enqueue_dma source(%arg12 : memref<128x24xf32, #tpu.memory_space<vmem>>) target(%dma_start3A_117 : memref<128x24xf32, #tpu.memory_space<vmem_shared>>) target_semaphore(%run_scoped3A : memref<!tpu.dma_semaphore, #tpu.memory_space<semaphore_mem>>)
      %dma_wait3A_118 = arith.constant 0 : i32
      %dma_wait3A_119 = tpu.memref_slice %arg16[%add3A_14, %dma_wait3A_118] : memref<40960x24xf32, #tpu.memory_space<vmem_shared>> -> memref<128x24xf32, #tpu.memory_space<vmem_shared>>
      %dma_wait3A_120 = arith.constant 0 : i32
      %dma_wait3A_121 = tpu.memref_slice %arg16[%add3A_14, %dma_wait3A_120] : memref<40960x24xf32, #tpu.memory_space<vmem_shared>> -> memref<128x24xf32, #tpu.memory_space<vmem_shared>>
      tpu.wait_dma2 semaphore(%run_scoped3A : memref<!tpu.dma_semaphore, #tpu.memory_space<semaphore_mem>>) src(%arg12 : memref<128x24xf32, #tpu.memory_space<vmem>>) dst(%dma_wait3A_121 : memref<128x24xf32, #tpu.memory_space<vmem_shared>>)
      tpu.yield
    }) : () -> ()
    %mul3A_15 = arith.constant 2560 : i32
    %mul3A_16 = arith.muli %arg1, %mul3A_15 : i32
    %add3A_17 = arith.constant 256 : i32
    %add3A_18 = arith.addi %mul3A_16, %add3A_17 : i32
    "tpu.region"() ({
      %run_scoped3A = tpu.sem_alloc : memref<!tpu.dma_semaphore, #tpu.memory_space<semaphore_mem>>
      %dma_start3A_114 = arith.constant 0 : i32
      %dma_start3A_115 = tpu.memref_slice %arg16[%add3A_18, %dma_start3A_114] : memref<40960x24xf32, #tpu.memory_space<vmem_shared>> -> memref<128x24xf32, #tpu.memory_space<vmem_shared>>
      %dma_start3A_116 = arith.constant 0 : i32
      %dma_start3A_117 = tpu.memref_slice %arg16[%add3A_18, %dma_start3A_116] : memref<40960x24xf32, #tpu.memory_space<vmem_shared>> -> memref<128x24xf32, #tpu.memory_space<vmem_shared>>
      tpu.enqueue_dma source(%arg12 : memref<128x24xf32, #tpu.memory_space<vmem>>) target(%dma_start3A_117 : memref<128x24xf32, #tpu.memory_space<vmem_shared>>) target_semaphore(%run_scoped3A : memref<!tpu.dma_semaphore, #tpu.memory_space<semaphore_mem>>)
      %dma_wait3A_118 = arith.constant 0 : i32
      %dma_wait3A_119 = tpu.memref_slice %arg16[%add3A_18, %dma_wait3A_118] : memref<40960x24xf32, #tpu.memory_space<vmem_shared>> -> memref<128x24xf32, #tpu.memory_space<vmem_shared>>
      %dma_wait3A_120 = arith.constant 0 : i32
      %dma_wait3A_121 = tpu.memref_slice %arg16[%add3A_18, %dma_wait3A_120] : memref<40960x24xf32, #tpu.memory_space<vmem_shared>> -> memref<128x24xf32, #tpu.memory_space<vmem_shared>>
      tpu.wait_dma2 semaphore(%run_scoped3A : memref<!tpu.dma_semaphore, #tpu.memory_space<semaphore_mem>>) src(%arg12 : memref<128x24xf32, #tpu.memory_space<vmem>>) dst(%dma_wait3A_121 : memref<128x24xf32, #tpu.memory_space<vmem_shared>>)
      tpu.yield
    }) : () -> ()
    %mul3A_19 = arith.constant 2560 : i32
    %mul3A_20 = arith.muli %arg1, %mul3A_19 : i32
    %add3A_21 = arith.constant 384 : i32
    %add3A_22 = arith.addi %mul3A_20, %add3A_21 : i32
    "tpu.region"() ({
      %run_scoped3A = tpu.sem_alloc : memref<!tpu.dma_semaphore, #tpu.memory_space<semaphore_mem>>
      %dma_start3A_114 = arith.constant 0 : i32
      %dma_start3A_115 = tpu.memref_slice %arg16[%add3A_22, %dma_start3A_114] : memref<40960x24xf32, #tpu.memory_space<vmem_shared>> -> memref<128x24xf32, #tpu.memory_space<vmem_shared>>
      %dma_start3A_116 = arith.constant 0 : i32
      %dma_start3A_117 = tpu.memref_slice %arg16[%add3A_22, %dma_start3A_116] : memref<40960x24xf32, #tpu.memory_space<vmem_shared>> -> memref<128x24xf32, #tpu.memory_space<vmem_shared>>
      tpu.enqueue_dma source(%arg12 : memref<128x24xf32, #tpu.memory_space<vmem>>) target(%dma_start3A_117 : memref<128x24xf32, #tpu.memory_space<vmem_shared>>) target_semaphore(%run_scoped3A : memref<!tpu.dma_semaphore, #tpu.memory_space<semaphore_mem>>)
      %dma_wait3A_118 = arith.constant 0 : i32
      %dma_wait3A_119 = tpu.memref_slice %arg16[%add3A_22, %dma_wait3A_118] : memref<40960x24xf32, #tpu.memory_space<vmem_shared>> -> memref<128x24xf32, #tpu.memory_space<vmem_shared>>
      %dma_wait3A_120 = arith.constant 0 : i32
      %dma_wait3A_121 = tpu.memref_slice %arg16[%add3A_22, %dma_wait3A_120] : memref<40960x24xf32, #tpu.memory_space<vmem_shared>> -> memref<128x24xf32, #tpu.memory_space<vmem_shared>>
      tpu.wait_dma2 semaphore(%run_scoped3A : memref<!tpu.dma_semaphore, #tpu.memory_space<semaphore_mem>>) src(%arg12 : memref<128x24xf32, #tpu.memory_space<vmem>>) dst(%dma_wait3A_121 : memref<128x24xf32, #tpu.memory_space<vmem_shared>>)
      tpu.yield
    }) : () -> ()
    %mul3A_23 = arith.constant 2560 : i32
    %mul3A_24 = arith.muli %arg1, %mul3A_23 : i32
    %add3A_25 = arith.constant 512 : i32
    %add3A_26 = arith.addi %mul3A_24, %add3A_25 : i32
    "tpu.region"() ({
      %run_scoped3A = tpu.sem_alloc : memref<!tpu.dma_semaphore, #tpu.memory_space<semaphore_mem>>
      %dma_start3A_114 = arith.constant 0 : i32
      %dma_start3A_115 = tpu.memref_slice %arg16[%add3A_26, %dma_start3A_114] : memref<40960x24xf32, #tpu.memory_space<vmem_shared>> -> memref<128x24xf32, #tpu.memory_space<vmem_shared>>
      %dma_start3A_116 = arith.constant 0 : i32
      %dma_start3A_117 = tpu.memref_slice %arg16[%add3A_26, %dma_start3A_116] : memref<40960x24xf32, #tpu.memory_space<vmem_shared>> -> memref<128x24xf32, #tpu.memory_space<vmem_shared>>
      tpu.enqueue_dma source(%arg12 : memref<128x24xf32, #tpu.memory_space<vmem>>) target(%dma_start3A_117 : memref<128x24xf32, #tpu.memory_space<vmem_shared>>) target_semaphore(%run_scoped3A : memref<!tpu.dma_semaphore, #tpu.memory_space<semaphore_mem>>)
      %dma_wait3A_118 = arith.constant 0 : i32
      %dma_wait3A_119 = tpu.memref_slice %arg16[%add3A_26, %dma_wait3A_118] : memref<40960x24xf32, #tpu.memory_space<vmem_shared>> -> memref<128x24xf32, #tpu.memory_space<vmem_shared>>
      %dma_wait3A_120 = arith.constant 0 : i32
      %dma_wait3A_121 = tpu.memref_slice %arg16[%add3A_26, %dma_wait3A_120] : memref<40960x24xf32, #tpu.memory_space<vmem_shared>> -> memref<128x24xf32, #tpu.memory_space<vmem_shared>>
      tpu.wait_dma2 semaphore(%run_scoped3A : memref<!tpu.dma_semaphore, #tpu.memory_space<semaphore_mem>>) src(%arg12 : memref<128x24xf32, #tpu.memory_space<vmem>>) dst(%dma_wait3A_121 : memref<128x24xf32, #tpu.memory_space<vmem_shared>>)
      tpu.yield
    }) : () -> ()
    %mul3A_27 = arith.constant 2560 : i32
    %mul3A_28 = arith.muli %arg1, %mul3A_27 : i32
    %add3A_29 = arith.constant 640 : i32
    %add3A_30 = arith.addi %mul3A_28, %add3A_29 : i32
    "tpu.region"() ({
      %run_scoped3A = tpu.sem_alloc : memref<!tpu.dma_semaphore, #tpu.memory_space<semaphore_mem>>
      %dma_start3A_114 = arith.constant 0 : i32
      %dma_start3A_115 = tpu.memref_slice %arg16[%add3A_30, %dma_start3A_114] : memref<40960x24xf32, #tpu.memory_space<vmem_shared>> -> memref<128x24xf32, #tpu.memory_space<vmem_shared>>
      %dma_start3A_116 = arith.constant 0 : i32
      %dma_start3A_117 = tpu.memref_slice %arg16[%add3A_30, %dma_start3A_116] : memref<40960x24xf32, #tpu.memory_space<vmem_shared>> -> memref<128x24xf32, #tpu.memory_space<vmem_shared>>
      tpu.enqueue_dma source(%arg12 : memref<128x24xf32, #tpu.memory_space<vmem>>) target(%dma_start3A_117 : memref<128x24xf32, #tpu.memory_space<vmem_shared>>) target_semaphore(%run_scoped3A : memref<!tpu.dma_semaphore, #tpu.memory_space<semaphore_mem>>)
      %dma_wait3A_118 = arith.constant 0 : i32
      %dma_wait3A_119 = tpu.memref_slice %arg16[%add3A_30, %dma_wait3A_118] : memref<40960x24xf32, #tpu.memory_space<vmem_shared>> -> memref<128x24xf32, #tpu.memory_space<vmem_shared>>
      %dma_wait3A_120 = arith.constant 0 : i32
      %dma_wait3A_121 = tpu.memref_slice %arg16[%add3A_30, %dma_wait3A_120] : memref<40960x24xf32, #tpu.memory_space<vmem_shared>> -> memref<128x24xf32, #tpu.memory_space<vmem_shared>>
      tpu.wait_dma2 semaphore(%run_scoped3A : memref<!tpu.dma_semaphore, #tpu.memory_space<semaphore_mem>>) src(%arg12 : memref<128x24xf32, #tpu.memory_space<vmem>>) dst(%dma_wait3A_121 : memref<128x24xf32, #tpu.memory_space<vmem_shared>>)
      tpu.yield
    }) : () -> ()
    %mul3A_31 = arith.constant 2560 : i32
    %mul3A_32 = arith.muli %arg1, %mul3A_31 : i32
    %add3A_33 = arith.constant 768 : i32
    %add3A_34 = arith.addi %mul3A_32, %add3A_33 : i32
    "tpu.region"() ({
      %run_scoped3A = tpu.sem_alloc : memref<!tpu.dma_semaphore, #tpu.memory_space<semaphore_mem>>
      %dma_start3A_114 = arith.constant 0 : i32
      %dma_start3A_115 = tpu.memref_slice %arg16[%add3A_34, %dma_start3A_114] : memref<40960x24xf32, #tpu.memory_space<vmem_shared>> -> memref<128x24xf32, #tpu.memory_space<vmem_shared>>
      %dma_start3A_116 = arith.constant 0 : i32
      %dma_start3A_117 = tpu.memref_slice %arg16[%add3A_34, %dma_start3A_116] : memref<40960x24xf32, #tpu.memory_space<vmem_shared>> -> memref<128x24xf32, #tpu.memory_space<vmem_shared>>
      tpu.enqueue_dma source(%arg12 : memref<128x24xf32, #tpu.memory_space<vmem>>) target(%dma_start3A_117 : memref<128x24xf32, #tpu.memory_space<vmem_shared>>) target_semaphore(%run_scoped3A : memref<!tpu.dma_semaphore, #tpu.memory_space<semaphore_mem>>)
      %dma_wait3A_118 = arith.constant 0 : i32
      %dma_wait3A_119 = tpu.memref_slice %arg16[%add3A_34, %dma_wait3A_118] : memref<40960x24xf32, #tpu.memory_space<vmem_shared>> -> memref<128x24xf32, #tpu.memory_space<vmem_shared>>
      %dma_wait3A_120 = arith.constant 0 : i32
      %dma_wait3A_121 = tpu.memref_slice %arg16[%add3A_34, %dma_wait3A_120] : memref<40960x24xf32, #tpu.memory_space<vmem_shared>> -> memref<128x24xf32, #tpu.memory_space<vmem_shared>>
      tpu.wait_dma2 semaphore(%run_scoped3A : memref<!tpu.dma_semaphore, #tpu.memory_space<semaphore_mem>>) src(%arg12 : memref<128x24xf32, #tpu.memory_space<vmem>>) dst(%dma_wait3A_121 : memref<128x24xf32, #tpu.memory_space<vmem_shared>>)
      tpu.yield
    }) : () -> ()
    %mul3A_35 = arith.constant 2560 : i32
    %mul3A_36 = arith.muli %arg1, %mul3A_35 : i32
    %add3A_37 = arith.constant 896 : i32
    %add3A_38 = arith.addi %mul3A_36, %add3A_37 : i32
    "tpu.region"() ({
      %run_scoped3A = tpu.sem_alloc : memref<!tpu.dma_semaphore, #tpu.memory_space<semaphore_mem>>
      %dma_start3A_114 = arith.constant 0 : i32
      %dma_start3A_115 = tpu.memref_slice %arg16[%add3A_38, %dma_start3A_114] : memref<40960x24xf32, #tpu.memory_space<vmem_shared>> -> memref<128x24xf32, #tpu.memory_space<vmem_shared>>
      %dma_start3A_116 = arith.constant 0 : i32
      %dma_start3A_117 = tpu.memref_slice %arg16[%add3A_38, %dma_start3A_116] : memref<40960x24xf32, #tpu.memory_space<vmem_shared>> -> memref<128x24xf32, #tpu.memory_space<vmem_shared>>
      tpu.enqueue_dma source(%arg12 : memref<128x24xf32, #tpu.memory_space<vmem>>) target(%dma_start3A_117 : memref<128x24xf32, #tpu.memory_space<vmem_shared>>) target_semaphore(%run_scoped3A : memref<!tpu.dma_semaphore, #tpu.memory_space<semaphore_mem>>)
      %dma_wait3A_118 = arith.constant 0 : i32
      %dma_wait3A_119 = tpu.memref_slice %arg16[%add3A_38, %dma_wait3A_118] : memref<40960x24xf32, #tpu.memory_space<vmem_shared>> -> memref<128x24xf32, #tpu.memory_space<vmem_shared>>
      %dma_wait3A_120 = arith.constant 0 : i32
      %dma_wait3A_121 = tpu.memref_slice %arg16[%add3A_38, %dma_wait3A_120] : memref<40960x24xf32, #tpu.memory_space<vmem_shared>> -> memref<128x24xf32, #tpu.memory_space<vmem_shared>>
      tpu.wait_dma2 semaphore(%run_scoped3A : memref<!tpu.dma_semaphore, #tpu.memory_space<semaphore_mem>>) src(%arg12 : memref<128x24xf32, #tpu.memory_space<vmem>>) dst(%dma_wait3A_121 : memref<128x24xf32, #tpu.memory_space<vmem_shared>>)
      tpu.yield
    }) : () -> ()
    %mul3A_39 = arith.constant 2560 : i32
    %mul3A_40 = arith.muli %arg1, %mul3A_39 : i32
    %add3A_41 = arith.constant 1024 : i32
    %add3A_42 = arith.addi %mul3A_40, %add3A_41 : i32
    "tpu.region"() ({
      %run_scoped3A = tpu.sem_alloc : memref<!tpu.dma_semaphore, #tpu.memory_space<semaphore_mem>>
      %dma_start3A_114 = arith.constant 0 : i32
      %dma_start3A_115 = tpu.memref_slice %arg16[%add3A_42, %dma_start3A_114] : memref<40960x24xf32, #tpu.memory_space<vmem_shared>> -> memref<128x24xf32, #tpu.memory_space<vmem_shared>>
      %dma_start3A_116 = arith.constant 0 : i32
      %dma_start3A_117 = tpu.memref_slice %arg16[%add3A_42, %dma_start3A_116] : memref<40960x24xf32, #tpu.memory_space<vmem_shared>> -> memref<128x24xf32, #tpu.memory_space<vmem_shared>>
      tpu.enqueue_dma source(%arg12 : memref<128x24xf32, #tpu.memory_space<vmem>>) target(%dma_start3A_117 : memref<128x24xf32, #tpu.memory_space<vmem_shared>>) target_semaphore(%run_scoped3A : memref<!tpu.dma_semaphore, #tpu.memory_space<semaphore_mem>>)
      %dma_wait3A_118 = arith.constant 0 : i32
      %dma_wait3A_119 = tpu.memref_slice %arg16[%add3A_42, %dma_wait3A_118] : memref<40960x24xf32, #tpu.memory_space<vmem_shared>> -> memref<128x24xf32, #tpu.memory_space<vmem_shared>>
      %dma_wait3A_120 = arith.constant 0 : i32
      %dma_wait3A_121 = tpu.memref_slice %arg16[%add3A_42, %dma_wait3A_120] : memref<40960x24xf32, #tpu.memory_space<vmem_shared>> -> memref<128x24xf32, #tpu.memory_space<vmem_shared>>
      tpu.wait_dma2 semaphore(%run_scoped3A : memref<!tpu.dma_semaphore, #tpu.memory_space<semaphore_mem>>) src(%arg12 : memref<128x24xf32, #tpu.memory_space<vmem>>) dst(%dma_wait3A_121 : memref<128x24xf32, #tpu.memory_space<vmem_shared>>)
      tpu.yield
    }) : () -> ()
    %mul3A_43 = arith.constant 2560 : i32
    %mul3A_44 = arith.muli %arg1, %mul3A_43 : i32
    %add3A_45 = arith.constant 1152 : i32
    %add3A_46 = arith.addi %mul3A_44, %add3A_45 : i32
    "tpu.region"() ({
      %run_scoped3A = tpu.sem_alloc : memref<!tpu.dma_semaphore, #tpu.memory_space<semaphore_mem>>
      %dma_start3A_114 = arith.constant 0 : i32
      %dma_start3A_115 = tpu.memref_slice %arg16[%add3A_46, %dma_start3A_114] : memref<40960x24xf32, #tpu.memory_space<vmem_shared>> -> memref<128x24xf32, #tpu.memory_space<vmem_shared>>
      %dma_start3A_116 = arith.constant 0 : i32
      %dma_start3A_117 = tpu.memref_slice %arg16[%add3A_46, %dma_start3A_116] : memref<40960x24xf32, #tpu.memory_space<vmem_shared>> -> memref<128x24xf32, #tpu.memory_space<vmem_shared>>
      tpu.enqueue_dma source(%arg12 : memref<128x24xf32, #tpu.memory_space<vmem>>) target(%dma_start3A_117 : memref<128x24xf32, #tpu.memory_space<vmem_shared>>) target_semaphore(%run_scoped3A : memref<!tpu.dma_semaphore, #tpu.memory_space<semaphore_mem>>)
      %dma_wait3A_118 = arith.constant 0 : i32
      %dma_wait3A_119 = tpu.memref_slice %arg16[%add3A_46, %dma_wait3A_118] : memref<40960x24xf32, #tpu.memory_space<vmem_shared>> -> memref<128x24xf32, #tpu.memory_space<vmem_shared>>
      %dma_wait3A_120 = arith.constant 0 : i32
      %dma_wait3A_121 = tpu.memref_slice %arg16[%add3A_46, %dma_wait3A_120] : memref<40960x24xf32, #tpu.memory_space<vmem_shared>> -> memref<128x24xf32, #tpu.memory_space<vmem_shared>>
      tpu.wait_dma2 semaphore(%run_scoped3A : memref<!tpu.dma_semaphore, #tpu.memory_space<semaphore_mem>>) src(%arg12 : memref<128x24xf32, #tpu.memory_space<vmem>>) dst(%dma_wait3A_121 : memref<128x24xf32, #tpu.memory_space<vmem_shared>>)
      tpu.yield
    }) : () -> ()
    %mul3A_47 = arith.constant 2560 : i32
    %mul3A_48 = arith.muli %arg1, %mul3A_47 : i32
    %add3A_49 = arith.constant 1280 : i32
    %add3A_50 = arith.addi %mul3A_48, %add3A_49 : i32
    "tpu.region"() ({
      %run_scoped3A = tpu.sem_alloc : memref<!tpu.dma_semaphore, #tpu.memory_space<semaphore_mem>>
      %dma_start3A_114 = arith.constant 0 : i32
      %dma_start3A_115 = tpu.memref_slice %arg16[%add3A_50, %dma_start3A_114] : memref<40960x24xf32, #tpu.memory_space<vmem_shared>> -> memref<128x24xf32, #tpu.memory_space<vmem_shared>>
      %dma_start3A_116 = arith.constant 0 : i32
      %dma_start3A_117 = tpu.memref_slice %arg16[%add3A_50, %dma_start3A_116] : memref<40960x24xf32, #tpu.memory_space<vmem_shared>> -> memref<128x24xf32, #tpu.memory_space<vmem_shared>>
      tpu.enqueue_dma source(%arg12 : memref<128x24xf32, #tpu.memory_space<vmem>>) target(%dma_start3A_117 : memref<128x24xf32, #tpu.memory_space<vmem_shared>>) target_semaphore(%run_scoped3A : memref<!tpu.dma_semaphore, #tpu.memory_space<semaphore_mem>>)
      %dma_wait3A_118 = arith.constant 0 : i32
      %dma_wait3A_119 = tpu.memref_slice %arg16[%add3A_50, %dma_wait3A_118] : memref<40960x24xf32, #tpu.memory_space<vmem_shared>> -> memref<128x24xf32, #tpu.memory_space<vmem_shared>>
      %dma_wait3A_120 = arith.constant 0 : i32
      %dma_wait3A_121 = tpu.memref_slice %arg16[%add3A_50, %dma_wait3A_120] : memref<40960x24xf32, #tpu.memory_space<vmem_shared>> -> memref<128x24xf32, #tpu.memory_space<vmem_shared>>
      tpu.wait_dma2 semaphore(%run_scoped3A : memref<!tpu.dma_semaphore, #tpu.memory_space<semaphore_mem>>) src(%arg12 : memref<128x24xf32, #tpu.memory_space<vmem>>) dst(%dma_wait3A_121 : memref<128x24xf32, #tpu.memory_space<vmem_shared>>)
      tpu.yield
    }) : () -> ()
    %mul3A_51 = arith.constant 2560 : i32
    %mul3A_52 = arith.muli %arg1, %mul3A_51 : i32
    %add3A_53 = arith.constant 1408 : i32
    %add3A_54 = arith.addi %mul3A_52, %add3A_53 : i32
    "tpu.region"() ({
      %run_scoped3A = tpu.sem_alloc : memref<!tpu.dma_semaphore, #tpu.memory_space<semaphore_mem>>
      %dma_start3A_114 = arith.constant 0 : i32
      %dma_start3A_115 = tpu.memref_slice %arg16[%add3A_54, %dma_start3A_114] : memref<40960x24xf32, #tpu.memory_space<vmem_shared>> -> memref<128x24xf32, #tpu.memory_space<vmem_shared>>
      %dma_start3A_116 = arith.constant 0 : i32
      %dma_start3A_117 = tpu.memref_slice %arg16[%add3A_54, %dma_start3A_116] : memref<40960x24xf32, #tpu.memory_space<vmem_shared>> -> memref<128x24xf32, #tpu.memory_space<vmem_shared>>
      tpu.enqueue_dma source(%arg12 : memref<128x24xf32, #tpu.memory_space<vmem>>) target(%dma_start3A_117 : memref<128x24xf32, #tpu.memory_space<vmem_shared>>) target_semaphore(%run_scoped3A : memref<!tpu.dma_semaphore, #tpu.memory_space<semaphore_mem>>)
      %dma_wait3A_118 = arith.constant 0 : i32
      %dma_wait3A_119 = tpu.memref_slice %arg16[%add3A_54, %dma_wait3A_118] : memref<40960x24xf32, #tpu.memory_space<vmem_shared>> -> memref<128x24xf32, #tpu.memory_space<vmem_shared>>
      %dma_wait3A_120 = arith.constant 0 : i32
      %dma_wait3A_121 = tpu.memref_slice %arg16[%add3A_54, %dma_wait3A_120] : memref<40960x24xf32, #tpu.memory_space<vmem_shared>> -> memref<128x24xf32, #tpu.memory_space<vmem_shared>>
      tpu.wait_dma2 semaphore(%run_scoped3A : memref<!tpu.dma_semaphore, #tpu.memory_space<semaphore_mem>>) src(%arg12 : memref<128x24xf32, #tpu.memory_space<vmem>>) dst(%dma_wait3A_121 : memref<128x24xf32, #tpu.memory_space<vmem_shared>>)
      tpu.yield
    }) : () -> ()
    %mul3A_55 = arith.constant 2560 : i32
    %mul3A_56 = arith.muli %arg1, %mul3A_55 : i32
    %add3A_57 = arith.constant 1536 : i32
    %add3A_58 = arith.addi %mul3A_56, %add3A_57 : i32
    "tpu.region"() ({
      %run_scoped3A = tpu.sem_alloc : memref<!tpu.dma_semaphore, #tpu.memory_space<semaphore_mem>>
      %dma_start3A_114 = arith.constant 0 : i32
      %dma_start3A_115 = tpu.memref_slice %arg16[%add3A_58, %dma_start3A_114] : memref<40960x24xf32, #tpu.memory_space<vmem_shared>> -> memref<128x24xf32, #tpu.memory_space<vmem_shared>>
      %dma_start3A_116 = arith.constant 0 : i32
      %dma_start3A_117 = tpu.memref_slice %arg16[%add3A_58, %dma_start3A_116] : memref<40960x24xf32, #tpu.memory_space<vmem_shared>> -> memref<128x24xf32, #tpu.memory_space<vmem_shared>>
      tpu.enqueue_dma source(%arg12 : memref<128x24xf32, #tpu.memory_space<vmem>>) target(%dma_start3A_117 : memref<128x24xf32, #tpu.memory_space<vmem_shared>>) target_semaphore(%run_scoped3A : memref<!tpu.dma_semaphore, #tpu.memory_space<semaphore_mem>>)
      %dma_wait3A_118 = arith.constant 0 : i32
      %dma_wait3A_119 = tpu.memref_slice %arg16[%add3A_58, %dma_wait3A_118] : memref<40960x24xf32, #tpu.memory_space<vmem_shared>> -> memref<128x24xf32, #tpu.memory_space<vmem_shared>>
      %dma_wait3A_120 = arith.constant 0 : i32
      %dma_wait3A_121 = tpu.memref_slice %arg16[%add3A_58, %dma_wait3A_120] : memref<40960x24xf32, #tpu.memory_space<vmem_shared>> -> memref<128x24xf32, #tpu.memory_space<vmem_shared>>
      tpu.wait_dma2 semaphore(%run_scoped3A : memref<!tpu.dma_semaphore, #tpu.memory_space<semaphore_mem>>) src(%arg12 : memref<128x24xf32, #tpu.memory_space<vmem>>) dst(%dma_wait3A_121 : memref<128x24xf32, #tpu.memory_space<vmem_shared>>)
      tpu.yield
    }) : () -> ()
    %mul3A_59 = arith.constant 2560 : i32
    %mul3A_60 = arith.muli %arg1, %mul3A_59 : i32
    %add3A_61 = arith.constant 1664 : i32
    %add3A_62 = arith.addi %mul3A_60, %add3A_61 : i32
    "tpu.region"() ({
      %run_scoped3A = tpu.sem_alloc : memref<!tpu.dma_semaphore, #tpu.memory_space<semaphore_mem>>
      %dma_start3A_114 = arith.constant 0 : i32
      %dma_start3A_115 = tpu.memref_slice %arg16[%add3A_62, %dma_start3A_114] : memref<40960x24xf32, #tpu.memory_space<vmem_shared>> -> memref<128x24xf32, #tpu.memory_space<vmem_shared>>
      %dma_start3A_116 = arith.constant 0 : i32
      %dma_start3A_117 = tpu.memref_slice %arg16[%add3A_62, %dma_start3A_116] : memref<40960x24xf32, #tpu.memory_space<vmem_shared>> -> memref<128x24xf32, #tpu.memory_space<vmem_shared>>
      tpu.enqueue_dma source(%arg12 : memref<128x24xf32, #tpu.memory_space<vmem>>) target(%dma_start3A_117 : memref<128x24xf32, #tpu.memory_space<vmem_shared>>) target_semaphore(%run_scoped3A : memref<!tpu.dma_semaphore, #tpu.memory_space<semaphore_mem>>)
      %dma_wait3A_118 = arith.constant 0 : i32
      %dma_wait3A_119 = tpu.memref_slice %arg16[%add3A_62, %dma_wait3A_118] : memref<40960x24xf32, #tpu.memory_space<vmem_shared>> -> memref<128x24xf32, #tpu.memory_space<vmem_shared>>
      %dma_wait3A_120 = arith.constant 0 : i32
      %dma_wait3A_121 = tpu.memref_slice %arg16[%add3A_62, %dma_wait3A_120] : memref<40960x24xf32, #tpu.memory_space<vmem_shared>> -> memref<128x24xf32, #tpu.memory_space<vmem_shared>>
      tpu.wait_dma2 semaphore(%run_scoped3A : memref<!tpu.dma_semaphore, #tpu.memory_space<semaphore_mem>>) src(%arg12 : memref<128x24xf32, #tpu.memory_space<vmem>>) dst(%dma_wait3A_121 : memref<128x24xf32, #tpu.memory_space<vmem_shared>>)
      tpu.yield
    }) : () -> ()
    %mul3A_63 = arith.constant 2560 : i32
    %mul3A_64 = arith.muli %arg1, %mul3A_63 : i32
    %add3A_65 = arith.constant 1792 : i32
    %add3A_66 = arith.addi %mul3A_64, %add3A_65 : i32
    "tpu.region"() ({
      %run_scoped3A = tpu.sem_alloc : memref<!tpu.dma_semaphore, #tpu.memory_space<semaphore_mem>>
      %dma_start3A_114 = arith.constant 0 : i32
      %dma_start3A_115 = tpu.memref_slice %arg16[%add3A_66, %dma_start3A_114] : memref<40960x24xf32, #tpu.memory_space<vmem_shared>> -> memref<128x24xf32, #tpu.memory_space<vmem_shared>>
      %dma_start3A_116 = arith.constant 0 : i32
      %dma_start3A_117 = tpu.memref_slice %arg16[%add3A_66, %dma_start3A_116] : memref<40960x24xf32, #tpu.memory_space<vmem_shared>> -> memref<128x24xf32, #tpu.memory_space<vmem_shared>>
      tpu.enqueue_dma source(%arg12 : memref<128x24xf32, #tpu.memory_space<vmem>>) target(%dma_start3A_117 : memref<128x24xf32, #tpu.memory_space<vmem_shared>>) target_semaphore(%run_scoped3A : memref<!tpu.dma_semaphore, #tpu.memory_space<semaphore_mem>>)
      %dma_wait3A_118 = arith.constant 0 : i32
      %dma_wait3A_119 = tpu.memref_slice %arg16[%add3A_66, %dma_wait3A_118] : memref<40960x24xf32, #tpu.memory_space<vmem_shared>> -> memref<128x24xf32, #tpu.memory_space<vmem_shared>>
      %dma_wait3A_120 = arith.constant 0 : i32
      %dma_wait3A_121 = tpu.memref_slice %arg16[%add3A_66, %dma_wait3A_120] : memref<40960x24xf32, #tpu.memory_space<vmem_shared>> -> memref<128x24xf32, #tpu.memory_space<vmem_shared>>
      tpu.wait_dma2 semaphore(%run_scoped3A : memref<!tpu.dma_semaphore, #tpu.memory_space<semaphore_mem>>) src(%arg12 : memref<128x24xf32, #tpu.memory_space<vmem>>) dst(%dma_wait3A_121 : memref<128x24xf32, #tpu.memory_space<vmem_shared>>)
      tpu.yield
    }) : () -> ()
    %mul3A_67 = arith.constant 2560 : i32
    %mul3A_68 = arith.muli %arg1, %mul3A_67 : i32
    %add3A_69 = arith.constant 1920 : i32
    %add3A_70 = arith.addi %mul3A_68, %add3A_69 : i32
    "tpu.region"() ({
      %run_scoped3A = tpu.sem_alloc : memref<!tpu.dma_semaphore, #tpu.memory_space<semaphore_mem>>
      %dma_start3A_114 = arith.constant 0 : i32
      %dma_start3A_115 = tpu.memref_slice %arg16[%add3A_70, %dma_start3A_114] : memref<40960x24xf32, #tpu.memory_space<vmem_shared>> -> memref<128x24xf32, #tpu.memory_space<vmem_shared>>
      %dma_start3A_116 = arith.constant 0 : i32
      %dma_start3A_117 = tpu.memref_slice %arg16[%add3A_70, %dma_start3A_116] : memref<40960x24xf32, #tpu.memory_space<vmem_shared>> -> memref<128x24xf32, #tpu.memory_space<vmem_shared>>
      tpu.enqueue_dma source(%arg12 : memref<128x24xf32, #tpu.memory_space<vmem>>) target(%dma_start3A_117 : memref<128x24xf32, #tpu.memory_space<vmem_shared>>) target_semaphore(%run_scoped3A : memref<!tpu.dma_semaphore, #tpu.memory_space<semaphore_mem>>)
      %dma_wait3A_118 = arith.constant 0 : i32
      %dma_wait3A_119 = tpu.memref_slice %arg16[%add3A_70, %dma_wait3A_118] : memref<40960x24xf32, #tpu.memory_space<vmem_shared>> -> memref<128x24xf32, #tpu.memory_space<vmem_shared>>
      %dma_wait3A_120 = arith.constant 0 : i32
      %dma_wait3A_121 = tpu.memref_slice %arg16[%add3A_70, %dma_wait3A_120] : memref<40960x24xf32, #tpu.memory_space<vmem_shared>> -> memref<128x24xf32, #tpu.memory_space<vmem_shared>>
      tpu.wait_dma2 semaphore(%run_scoped3A : memref<!tpu.dma_semaphore, #tpu.memory_space<semaphore_mem>>) src(%arg12 : memref<128x24xf32, #tpu.memory_space<vmem>>) dst(%dma_wait3A_121 : memref<128x24xf32, #tpu.memory_space<vmem_shared>>)
      tpu.yield
    }) : () -> ()
    %mul3A_71 = arith.constant 2560 : i32
    %mul3A_72 = arith.muli %arg1, %mul3A_71 : i32
    %add3A_73 = arith.constant 2048 : i32
    %add3A_74 = arith.addi %mul3A_72, %add3A_73 : i32
    "tpu.region"() ({
      %run_scoped3A = tpu.sem_alloc : memref<!tpu.dma_semaphore, #tpu.memory_space<semaphore_mem>>
      %dma_start3A_114 = arith.constant 0 : i32
      %dma_start3A_115 = tpu.memref_slice %arg16[%add3A_74, %dma_start3A_114] : memref<40960x24xf32, #tpu.memory_space<vmem_shared>> -> memref<128x24xf32, #tpu.memory_space<vmem_shared>>
      %dma_start3A_116 = arith.constant 0 : i32
      %dma_start3A_117 = tpu.memref_slice %arg16[%add3A_74, %dma_start3A_116] : memref<40960x24xf32, #tpu.memory_space<vmem_shared>> -> memref<128x24xf32, #tpu.memory_space<vmem_shared>>
      tpu.enqueue_dma source(%arg12 : memref<128x24xf32, #tpu.memory_space<vmem>>) target(%dma_start3A_117 : memref<128x24xf32, #tpu.memory_space<vmem_shared>>) target_semaphore(%run_scoped3A : memref<!tpu.dma_semaphore, #tpu.memory_space<semaphore_mem>>)
      %dma_wait3A_118 = arith.constant 0 : i32
      %dma_wait3A_119 = tpu.memref_slice %arg16[%add3A_74, %dma_wait3A_118] : memref<40960x24xf32, #tpu.memory_space<vmem_shared>> -> memref<128x24xf32, #tpu.memory_space<vmem_shared>>
      %dma_wait3A_120 = arith.constant 0 : i32
      %dma_wait3A_121 = tpu.memref_slice %arg16[%add3A_74, %dma_wait3A_120] : memref<40960x24xf32, #tpu.memory_space<vmem_shared>> -> memref<128x24xf32, #tpu.memory_space<vmem_shared>>
      tpu.wait_dma2 semaphore(%run_scoped3A : memref<!tpu.dma_semaphore, #tpu.memory_space<semaphore_mem>>) src(%arg12 : memref<128x24xf32, #tpu.memory_space<vmem>>) dst(%dma_wait3A_121 : memref<128x24xf32, #tpu.memory_space<vmem_shared>>)
      tpu.yield
    }) : () -> ()
    %mul3A_75 = arith.constant 2560 : i32
    %mul3A_76 = arith.muli %arg1, %mul3A_75 : i32
    %add3A_77 = arith.constant 2176 : i32
    %add3A_78 = arith.addi %mul3A_76, %add3A_77 : i32
    "tpu.region"() ({
      %run_scoped3A = tpu.sem_alloc : memref<!tpu.dma_semaphore, #tpu.memory_space<semaphore_mem>>
      %dma_start3A_114 = arith.constant 0 : i32
      %dma_start3A_115 = tpu.memref_slice %arg16[%add3A_78, %dma_start3A_114] : memref<40960x24xf32, #tpu.memory_space<vmem_shared>> -> memref<128x24xf32, #tpu.memory_space<vmem_shared>>
      %dma_start3A_116 = arith.constant 0 : i32
      %dma_start3A_117 = tpu.memref_slice %arg16[%add3A_78, %dma_start3A_116] : memref<40960x24xf32, #tpu.memory_space<vmem_shared>> -> memref<128x24xf32, #tpu.memory_space<vmem_shared>>
      tpu.enqueue_dma source(%arg12 : memref<128x24xf32, #tpu.memory_space<vmem>>) target(%dma_start3A_117 : memref<128x24xf32, #tpu.memory_space<vmem_shared>>) target_semaphore(%run_scoped3A : memref<!tpu.dma_semaphore, #tpu.memory_space<semaphore_mem>>)
      %dma_wait3A_118 = arith.constant 0 : i32
      %dma_wait3A_119 = tpu.memref_slice %arg16[%add3A_78, %dma_wait3A_118] : memref<40960x24xf32, #tpu.memory_space<vmem_shared>> -> memref<128x24xf32, #tpu.memory_space<vmem_shared>>
      %dma_wait3A_120 = arith.constant 0 : i32
      %dma_wait3A_121 = tpu.memref_slice %arg16[%add3A_78, %dma_wait3A_120] : memref<40960x24xf32, #tpu.memory_space<vmem_shared>> -> memref<128x24xf32, #tpu.memory_space<vmem_shared>>
      tpu.wait_dma2 semaphore(%run_scoped3A : memref<!tpu.dma_semaphore, #tpu.memory_space<semaphore_mem>>) src(%arg12 : memref<128x24xf32, #tpu.memory_space<vmem>>) dst(%dma_wait3A_121 : memref<128x24xf32, #tpu.memory_space<vmem_shared>>)
      tpu.yield
    }) : () -> ()
    %mul3A_79 = arith.constant 2560 : i32
    %mul3A_80 = arith.muli %arg1, %mul3A_79 : i32
    %add3A_81 = arith.constant 2304 : i32
    %add3A_82 = arith.addi %mul3A_80, %add3A_81 : i32
    "tpu.region"() ({
      %run_scoped3A = tpu.sem_alloc : memref<!tpu.dma_semaphore, #tpu.memory_space<semaphore_mem>>
      %dma_start3A_114 = arith.constant 0 : i32
      %dma_start3A_115 = tpu.memref_slice %arg16[%add3A_82, %dma_start3A_114] : memref<40960x24xf32, #tpu.memory_space<vmem_shared>> -> memref<128x24xf32, #tpu.memory_space<vmem_shared>>
      %dma_start3A_116 = arith.constant 0 : i32
      %dma_start3A_117 = tpu.memref_slice %arg16[%add3A_82, %dma_start3A_116] : memref<40960x24xf32, #tpu.memory_space<vmem_shared>> -> memref<128x24xf32, #tpu.memory_space<vmem_shared>>
      tpu.enqueue_dma source(%arg12 : memref<128x24xf32, #tpu.memory_space<vmem>>) target(%dma_start3A_117 : memref<128x24xf32, #tpu.memory_space<vmem_shared>>) target_semaphore(%run_scoped3A : memref<!tpu.dma_semaphore, #tpu.memory_space<semaphore_mem>>)
      %dma_wait3A_118 = arith.constant 0 : i32
      %dma_wait3A_119 = tpu.memref_slice %arg16[%add3A_82, %dma_wait3A_118] : memref<40960x24xf32, #tpu.memory_space<vmem_shared>> -> memref<128x24xf32, #tpu.memory_space<vmem_shared>>
      %dma_wait3A_120 = arith.constant 0 : i32
      %dma_wait3A_121 = tpu.memref_slice %arg16[%add3A_82, %dma_wait3A_120] : memref<40960x24xf32, #tpu.memory_space<vmem_shared>> -> memref<128x24xf32, #tpu.memory_space<vmem_shared>>
      tpu.wait_dma2 semaphore(%run_scoped3A : memref<!tpu.dma_semaphore, #tpu.memory_space<semaphore_mem>>) src(%arg12 : memref<128x24xf32, #tpu.memory_space<vmem>>) dst(%dma_wait3A_121 : memref<128x24xf32, #tpu.memory_space<vmem_shared>>)
      tpu.yield
    }) : () -> ()
    %mul3A_83 = arith.constant 2560 : i32
    %mul3A_84 = arith.muli %arg1, %mul3A_83 : i32
    %add3A_85 = arith.constant 2432 : i32
    %add3A_86 = arith.addi %mul3A_84, %add3A_85 : i32
    "tpu.region"() ({
      %run_scoped3A = tpu.sem_alloc : memref<!tpu.dma_semaphore, #tpu.memory_space<semaphore_mem>>
      %dma_start3A_114 = arith.constant 0 : i32
      %dma_start3A_115 = tpu.memref_slice %arg16[%add3A_86, %dma_start3A_114] : memref<40960x24xf32, #tpu.memory_space<vmem_shared>> -> memref<128x24xf32, #tpu.memory_space<vmem_shared>>
      %dma_start3A_116 = arith.constant 0 : i32
      %dma_start3A_117 = tpu.memref_slice %arg16[%add3A_86, %dma_start3A_116] : memref<40960x24xf32, #tpu.memory_space<vmem_shared>> -> memref<128x24xf32, #tpu.memory_space<vmem_shared>>
      tpu.enqueue_dma source(%arg12 : memref<128x24xf32, #tpu.memory_space<vmem>>) target(%dma_start3A_117 : memref<128x24xf32, #tpu.memory_space<vmem_shared>>) target_semaphore(%run_scoped3A : memref<!tpu.dma_semaphore, #tpu.memory_space<semaphore_mem>>)
      %dma_wait3A_118 = arith.constant 0 : i32
      %dma_wait3A_119 = tpu.memref_slice %arg16[%add3A_86, %dma_wait3A_118] : memref<40960x24xf32, #tpu.memory_space<vmem_shared>> -> memref<128x24xf32, #tpu.memory_space<vmem_shared>>
      %dma_wait3A_120 = arith.constant 0 : i32
      %dma_wait3A_121 = tpu.memref_slice %arg16[%add3A_86, %dma_wait3A_120] : memref<40960x24xf32, #tpu.memory_space<vmem_shared>> -> memref<128x24xf32, #tpu.memory_space<vmem_shared>>
      tpu.wait_dma2 semaphore(%run_scoped3A : memref<!tpu.dma_semaphore, #tpu.memory_space<semaphore_mem>>) src(%arg12 : memref<128x24xf32, #tpu.memory_space<vmem>>) dst(%dma_wait3A_121 : memref<128x24xf32, #tpu.memory_space<vmem_shared>>)
      tpu.yield
    }) : () -> ()
    %barrier3A = arith.constant 0 : index
    tpu.barrier barrier_id(%barrier3A)
    %iota3A = tpu.iota {dimensions = array<i32: 0>} : vector<16xi32>
    %dma_start3A = arith.constant 0 : i32
    %dma_start3A_87 = arith.constant 0 : i32
    %dma_start3A_88 = tpu.memref_slice %arg6[%dma_start3A, %dma_start3A_87] : memref<40x128xi32, #tpu.memory_space<vmem>> -> memref<1x128xi32, #tpu.memory_space<vmem>>
    %dma_start3A_89 = tpu.memref_squeeze %dma_start3A_88 : memref<1x128xi32, #tpu.memory_space<vmem>> -> memref<128xi32, #tpu.memory_space<vmem>>
    %dma_start3A_90 = arith.constant 0 : i32
    %dma_start3A_91 = arith.constant 0 : i32
    %dma_start3A_92 = tpu.memref_slice %arg2[%dma_start3A_90, %dma_start3A_91] : memref<10240x8xf32, #tpu.memory_space<hbm>> -> memref<10240x8xf32, #tpu.memory_space<hbm>>
    tpu.enqueue_indirect_dma source(%dma_start3A_92 : memref<10240x8xf32, #tpu.memory_space<hbm>>) target(%arg8 : memref<128x8xf32, #tpu.memory_space<vmem>>) offsets(%dma_start3A_89 : memref<128xi32, #tpu.memory_space<vmem>>) semaphore(%arg17 : memref<!tpu.dma_semaphore, #tpu.memory_space<semaphore_mem>>)
    %dma_start3A_93 = arith.constant 0 : i32
    %dma_start3A_94 = arith.constant 0 : i32
    %dma_start3A_95 = tpu.memref_slice %arg7[%dma_start3A_93, %dma_start3A_94] : memref<40x128xi32, #tpu.memory_space<vmem>> -> memref<1x128xi32, #tpu.memory_space<vmem>>
    %dma_start3A_96 = tpu.memref_squeeze %dma_start3A_95 : memref<1x128xi32, #tpu.memory_space<vmem>> -> memref<128xi32, #tpu.memory_space<vmem>>
    %dma_start3A_97 = arith.constant 0 : i32
    %dma_start3A_98 = arith.constant 0 : i32
    %dma_start3A_99 = tpu.memref_slice %arg2[%dma_start3A_97, %dma_start3A_98] : memref<10240x8xf32, #tpu.memory_space<hbm>> -> memref<10240x8xf32, #tpu.memory_space<hbm>>
    tpu.enqueue_indirect_dma source(%dma_start3A_99 : memref<10240x8xf32, #tpu.memory_space<hbm>>) target(%arg9 : memref<128x8xf32, #tpu.memory_space<vmem>>) offsets(%dma_start3A_96 : memref<128xi32, #tpu.memory_space<vmem>>) semaphore(%arg17 : memref<!tpu.dma_semaphore, #tpu.memory_space<semaphore_mem>>)
    %scan3A_100 = arith.constant 0 : i32
    %scan3A_101 = arith.constant 0 : i32
    %scan3A_102 = arith.constant 20 : i32
    %scan3A_103 = arith.addi %scan3A_101, %scan3A_102 : i32
    %scan3A_104 = arith.constant 1 : i32
    scf.for %scan3A_114 = %scan3A_101 to %scan3A_103 step %scan3A_104  : i32 {
      %mul3A_115 = arith.constant 2 : i32
      %mul3A_116 = arith.muli %scan3A_114, %mul3A_115 : i32
      %add3A_117 = arith.constant 1 : i32
      %add3A_118 = arith.addi %mul3A_116, %add3A_117 : i32
      %lt3A = arith.constant 40 : i32
      %lt3A_119 = arith.cmpi slt, %add3A_118, %lt3A : i32
      %convert_element_type3A = arith.extui %lt3A_119 : i1 to i32
      %cond3A = arith.constant 0 : i32
      %cond3A_120 = arith.cmpi ne, %convert_element_type3A, %cond3A : i32
      scf.if %cond3A_120 {
        %add3A_187 = arith.constant 1 : i32
        %add3A_188 = arith.addi %mul3A_116, %add3A_187 : i32
        %dma_start3A_189 = arith.constant 0 : i32
        %dma_start3A_190 = tpu.memref_slice %arg6[%add3A_188, %dma_start3A_189] : memref<40x128xi32, #tpu.memory_space<vmem>> -> memref<1x128xi32, #tpu.memory_space<vmem>>
        %dma_start3A_191 = tpu.memref_squeeze %dma_start3A_190 : memref<1x128xi32, #tpu.memory_space<vmem>> -> memref<128xi32, #tpu.memory_space<vmem>>
        %dma_start3A_192 = arith.constant 0 : i32
        %dma_start3A_193 = arith.constant 0 : i32
        %dma_start3A_194 = tpu.memref_slice %arg2[%dma_start3A_192, %dma_start3A_193] : memref<10240x8xf32, #tpu.memory_space<hbm>> -> memref<10240x8xf32, #tpu.memory_space<hbm>>
        tpu.enqueue_indirect_dma source(%dma_start3A_194 : memref<10240x8xf32, #tpu.memory_space<hbm>>) target(%arg10 : memref<128x8xf32, #tpu.memory_space<vmem>>) offsets(%dma_start3A_191 : memref<128xi32, #tpu.memory_space<vmem>>) semaphore(%arg18 : memref<!tpu.dma_semaphore, #tpu.memory_space<semaphore_mem>>)
        %dma_start3A_195 = arith.constant 0 : i32
        %dma_start3A_196 = tpu.memref_slice %arg7[%add3A_188, %dma_start3A_195] : memref<40x128xi32, #tpu.memory_space<vmem>> -> memref<1x128xi32, #tpu.memory_space<vmem>>
        %dma_start3A_197 = tpu.memref_squeeze %dma_start3A_196 : memref<1x128xi32, #tpu.memory_space<vmem>> -> memref<128xi32, #tpu.memory_space<vmem>>
        %dma_start3A_198 = arith.constant 0 : i32
        %dma_start3A_199 = arith.constant 0 : i32
        %dma_start3A_200 = tpu.memref_slice %arg2[%dma_start3A_198, %dma_start3A_199] : memref<10240x8xf32, #tpu.memory_space<hbm>> -> memref<10240x8xf32, #tpu.memory_space<hbm>>
        tpu.enqueue_indirect_dma source(%dma_start3A_200 : memref<10240x8xf32, #tpu.memory_space<hbm>>) target(%arg11 : memref<128x8xf32, #tpu.memory_space<vmem>>) offsets(%dma_start3A_197 : memref<128xi32, #tpu.memory_space<vmem>>) semaphore(%arg18 : memref<!tpu.dma_semaphore, #tpu.memory_space<semaphore_mem>>)
      } else {
      }
      %ge3A = arith.constant 2 : i32
      %ge3A_121 = arith.cmpi sge, %mul3A_116, %ge3A : i32
      %convert_element_type3A_122 = arith.extui %ge3A_121 : i1 to i32
      %cond3A_123 = arith.constant 0 : i32
      %cond3A_124 = arith.cmpi ne, %convert_element_type3A_122, %cond3A_123 : i32
      scf.if %cond3A_124 {
        %dma_wait3A_187 = arith.constant 0 : i32
        %dma_wait3A_188 = arith.constant 0 : i32
        %dma_wait3A_189 = tpu.memref_slice %arg16[%dma_wait3A_187, %dma_wait3A_188] : memref<40960x24xf32, #tpu.memory_space<vmem_shared>> -> memref<40960x24xf32, #tpu.memory_space<vmem_shared>>
        tpu.wait_indirect_dma semaphore(%arg19 : memref<!tpu.dma_semaphore, #tpu.memory_space<semaphore_mem>>) src(%arg12 : memref<128x24xf32, #tpu.memory_space<vmem>>) dst(%dma_wait3A_189 : memref<40960x24xf32, #tpu.memory_space<vmem_shared>>)
      } else {
      }
      %dma_wait3A_125 = arith.constant 0 : i32
      %dma_wait3A_126 = arith.constant 0 : i32
      %dma_wait3A_127 = tpu.memref_slice %arg6[%dma_wait3A_125, %dma_wait3A_126] : memref<40x128xi32, #tpu.memory_space<vmem>> -> memref<1x128xi32, #tpu.memory_space<vmem>>
      %dma_wait3A_128 = tpu.memref_squeeze %dma_wait3A_127 : memref<1x128xi32, #tpu.memory_space<vmem>> -> memref<128xi32, #tpu.memory_space<vmem>>
      %dma_wait3A_129 = arith.constant 0 : i32
      %dma_wait3A_130 = arith.constant 0 : i32
      %dma_wait3A_131 = tpu.memref_slice %arg2[%dma_wait3A_129, %dma_wait3A_130] : memref<10240x8xf32, #tpu.memory_space<hbm>> -> memref<10240x8xf32, #tpu.memory_space<hbm>>
      tpu.wait_indirect_dma semaphore(%arg17 : memref<!tpu.dma_semaphore, #tpu.memory_space<semaphore_mem>>) src(%dma_wait3A_131 : memref<10240x8xf32, #tpu.memory_space<hbm>>) dst(%arg8 : memref<128x8xf32, #tpu.memory_space<vmem>>)
      %dma_wait3A_132 = arith.constant 0 : i32
      %dma_wait3A_133 = arith.constant 0 : i32
      %dma_wait3A_134 = tpu.memref_slice %arg7[%dma_wait3A_132, %dma_wait3A_133] : memref<40x128xi32, #tpu.memory_space<vmem>> -> memref<1x128xi32, #tpu.memory_space<vmem>>
      %dma_wait3A_135 = tpu.memref_squeeze %dma_wait3A_134 : memref<1x128xi32, #tpu.memory_space<vmem>> -> memref<128xi32, #tpu.memory_space<vmem>>
      %dma_wait3A_136 = arith.constant 0 : i32
      %dma_wait3A_137 = arith.constant 0 : i32
      %dma_wait3A_138 = tpu.memref_slice %arg2[%dma_wait3A_136, %dma_wait3A_137] : memref<10240x8xf32, #tpu.memory_space<hbm>> -> memref<10240x8xf32, #tpu.memory_space<hbm>>
      tpu.wait_indirect_dma semaphore(%arg17 : memref<!tpu.dma_semaphore, #tpu.memory_space<semaphore_mem>>) src(%dma_wait3A_138 : memref<10240x8xf32, #tpu.memory_space<hbm>>) dst(%arg9 : memref<128x8xf32, #tpu.memory_space<vmem>>)
      %scan3A_139 = arith.constant 0 : i32
      %scan3A_140 = arith.constant 0 : i32
      %scan3A_141 = arith.constant 8 : i32
      %scan3A_142 = arith.addi %scan3A_140, %scan3A_141 : i32
      %scan3A_143 = arith.constant 1 : i32
      scf.for %scan3A_187 = %scan3A_140 to %scan3A_142 step %scan3A_143  : i32 {
        %mul3A_188 = arith.constant 16 : i32
        %mul3A_189 = arith.muli %scan3A_187, %mul3A_188 : i32
        %add3A_190 = vector.broadcast %mul3A_189 : i32 to vector<16xi32>
        %add3A_191 = arith.addi %iota3A, %add3A_190 : vector<16xi32>
        %broadcast_in_dim3A_192 = vector.broadcast %mul3A_116 : i32 to vector<16xi32>
        %broadcast_in_dim3A_193 = arith.constant 0 : i32
        %broadcast_in_dim3A_194 = vector.broadcast %broadcast_in_dim3A_193 : i32 to vector<16xi32>
        %gather3A = tpu.vector_load_idx %arg6[%broadcast_in_dim3A_192, %add3A_191] : memref<40x128xi32, #tpu.memory_space<vmem>>[vector<16xi32>, vector<16xi32>], vector<16xi32>,
        %gather3A_195 = tpu.vector_load_idx %arg8[%add3A_191, %broadcast_in_dim3A_194] : memref<128x8xf32, #tpu.memory_space<vmem>>[vector<16xi32>, vector<16xi32>], vector<16xf32>,
        %add3A_196 = arith.constant 1 : i32
        %add3A_197 = vector.broadcast %add3A_196 : i32 to vector<16xi32>
        %add3A_198 = arith.addi %broadcast_in_dim3A_194, %add3A_197 : vector<16xi32>
        %gather3A_199 = tpu.vector_load_idx %arg8[%add3A_191, %add3A_198] : memref<128x8xf32, #tpu.memory_space<vmem>>[vector<16xi32>, vector<16xi32>], vector<16xf32>,
        %add3A_200 = arith.constant 2 : i32
        %add3A_201 = vector.broadcast %add3A_200 : i32 to vector<16xi32>
        %add3A_202 = arith.addi %broadcast_in_dim3A_194, %add3A_201 : vector<16xi32>
        %gather3A_203 = tpu.vector_load_idx %arg8[%add3A_191, %add3A_202] : memref<128x8xf32, #tpu.memory_space<vmem>>[vector<16xi32>, vector<16xi32>], vector<16xf32>,
        %gather3A_204 = tpu.vector_load_idx %arg9[%add3A_191, %broadcast_in_dim3A_194] : memref<128x8xf32, #tpu.memory_space<vmem>>[vector<16xi32>, vector<16xi32>], vector<16xf32>,
        %add3A_205 = arith.constant 1 : i32
        %add3A_206 = vector.broadcast %add3A_205 : i32 to vector<16xi32>
        %add3A_207 = arith.addi %broadcast_in_dim3A_194, %add3A_206 : vector<16xi32>
        %gather3A_208 = tpu.vector_load_idx %arg9[%add3A_191, %add3A_207] : memref<128x8xf32, #tpu.memory_space<vmem>>[vector<16xi32>, vector<16xi32>], vector<16xf32>,
        %add3A_209 = arith.constant 2 : i32
        %add3A_210 = vector.broadcast %add3A_209 : i32 to vector<16xi32>
        %add3A_211 = arith.addi %broadcast_in_dim3A_194, %add3A_210 : vector<16xi32>
        %gather3A_212 = tpu.vector_load_idx %arg9[%add3A_191, %add3A_211] : memref<128x8xf32, #tpu.memory_space<vmem>>[vector<16xi32>, vector<16xi32>], vector<16xf32>,
        %add3A_213 = arith.constant 3 : i32
        %add3A_214 = vector.broadcast %add3A_213 : i32 to vector<16xi32>
        %add3A_215 = arith.addi %broadcast_in_dim3A_194, %add3A_214 : vector<16xi32>
        %gather3A_216 = tpu.vector_load_idx %arg9[%add3A_191, %add3A_215] : memref<128x8xf32, #tpu.memory_space<vmem>>[vector<16xi32>, vector<16xi32>], vector<16xf32>,
        %sub3A = arith.subf %gather3A_204, %gather3A_195 : vector<16xf32>
        %sub3A_217 = arith.subf %gather3A_208, %gather3A_199 : vector<16xf32>
        %sub3A_218 = arith.subf %gather3A_212, %gather3A_203 : vector<16xf32>
        %mul3A_219 = arith.mulf %sub3A, %sub3A : vector<16xf32>
        %mul3A_220 = arith.mulf %sub3A_217, %sub3A_217 : vector<16xf32>
        %add3A_221 = arith.addf %mul3A_219, %mul3A_220 : vector<16xf32>
        %mul3A_222 = arith.mulf %sub3A_218, %sub3A_218 : vector<16xf32>
        %add3A_223 = arith.addf %add3A_221, %mul3A_222 : vector<16xf32>
        %add3A_224 = arith.constant 9.99999996E-13 : f32
        %add3A_225 = vector.broadcast %add3A_224 : f32 to vector<16xf32>
        %add3A_226 = arith.addf %add3A_223, %add3A_225 : vector<16xf32>
        %bitcast3A = vector.bitcast %add3A_226 : vector<16xf32> to vector<16xi32>
        %shift_right_arithmetic3A = arith.constant 1 : i32
        %shift_right_arithmetic3A_227 = vector.broadcast %shift_right_arithmetic3A : i32 to vector<16xi32>
        %shift_right_arithmetic3A_228 = arith.shrsi %bitcast3A, %shift_right_arithmetic3A_227 : vector<16xi32>
        %sub3A_229 = arith.constant 1597463007 : i32
        %sub3A_230 = vector.broadcast %sub3A_229 : i32 to vector<16xi32>
        %sub3A_231 = arith.subi %sub3A_230, %shift_right_arithmetic3A_228 : vector<16xi32>
        %bitcast3A_232 = vector.bitcast %sub3A_231 : vector<16xi32> to vector<16xf32>
        %mul3A_233 = arith.constant 5.000000e-01 : f32
        %mul3A_234 = vector.broadcast %mul3A_233 : f32 to vector<16xf32>
        %mul3A_235 = arith.mulf %mul3A_234, %add3A_226 : vector<16xf32>
        %mul3A_236 = arith.mulf %mul3A_235, %bitcast3A_232 : vector<16xf32>
        %mul3A_237 = arith.mulf %mul3A_236, %bitcast3A_232 : vector<16xf32>
        %sub3A_238 = arith.constant 1.500000e+00 : f32
        %sub3A_239 = vector.broadcast %sub3A_238 : f32 to vector<16xf32>
        %sub3A_240 = arith.subf %sub3A_239, %mul3A_237 : vector<16xf32>
        %mul3A_241 = arith.mulf %bitcast3A_232, %sub3A_240 : vector<16xf32>
        %mul3A_242 = arith.mulf %mul3A_235, %mul3A_241 : vector<16xf32>
        %mul3A_243 = arith.mulf %mul3A_242, %mul3A_241 : vector<16xf32>
        %sub3A_244 = arith.constant 1.500000e+00 : f32
        %sub3A_245 = vector.broadcast %sub3A_244 : f32 to vector<16xf32>
        %sub3A_246 = arith.subf %sub3A_245, %mul3A_243 : vector<16xf32>
        %mul3A_247 = arith.mulf %mul3A_241, %sub3A_246 : vector<16xf32>
        %mul3A_248 = arith.mulf %mul3A_235, %mul3A_247 : vector<16xf32>
        %mul3A_249 = arith.mulf %mul3A_248, %mul3A_247 : vector<16xf32>
        %sub3A_250 = arith.constant 1.500000e+00 : f32
        %sub3A_251 = vector.broadcast %sub3A_250 : f32 to vector<16xf32>
        %sub3A_252 = arith.subf %sub3A_251, %mul3A_249 : vector<16xf32>
        %mul3A_253 = arith.mulf %mul3A_247, %sub3A_252 : vector<16xf32>
        %mul3A_254 = arith.mulf %add3A_226, %mul3A_253 : vector<16xf32>
        %mul3A_255 = arith.mulf %sub3A, %mul3A_253 : vector<16xf32>
        %mul3A_256 = arith.mulf %sub3A_217, %mul3A_253 : vector<16xf32>
        %mul3A_257 = arith.mulf %sub3A_218, %mul3A_253 : vector<16xf32>
        %mul3A_258 = arith.constant 2.000000e-01 : f32
        %mul3A_259 = vector.broadcast %mul3A_258 : f32 to vector<16xf32>
        %mul3A_260 = arith.mulf %mul3A_254, %mul3A_259 : vector<16xf32>
        %min3A = arith.constant 1.000000e+00 : f32
        %min3A_261 = vector.broadcast %min3A : f32 to vector<16xf32>
        %min3A_262 = arith.minimumf %mul3A_260, %min3A_261 : vector<16xf32>
        %sub3A_263 = arith.constant 5.000000e-01 : f32
        %sub3A_264 = vector.broadcast %sub3A_263 : f32 to vector<16xf32>
        %sub3A_265 = arith.subf %min3A_262, %sub3A_264 : vector<16xf32>
        %mul3A_266 = arith.mulf %sub3A_265, %sub3A_265 : vector<16xf32>
        %mul3A_267 = arith.constant -0.00737043098 : f32
        %mul3A_268 = vector.broadcast %mul3A_267 : f32 to vector<16xf32>
        %mul3A_269 = arith.mulf %mul3A_266, %mul3A_268 : vector<16xf32>
        %add3A_270 = arith.constant 0.0821458846 : f32
        %add3A_271 = vector.broadcast %add3A_270 : f32 to vector<16xf32>
        %add3A_272 = arith.addf %add3A_271, %mul3A_269 : vector<16xf32>
        %mul3A_273 = arith.mulf %mul3A_266, %add3A_272 : vector<16xf32>
        %add3A_274 = arith.constant -0.599264503 : f32
        %add3A_275 = vector.broadcast %add3A_274 : f32 to vector<16xf32>
        %add3A_276 = arith.addf %add3A_275, %mul3A_273 : vector<16xf32>
        %mul3A_277 = arith.mulf %mul3A_266, %add3A_276 : vector<16xf32>
        %add3A_278 = arith.constant 2.55016398 : f32
        %add3A_279 = vector.broadcast %add3A_278 : f32 to vector<16xf32>
        %add3A_280 = arith.addf %add3A_279, %mul3A_277 : vector<16xf32>
        %mul3A_281 = arith.mulf %mul3A_266, %add3A_280 : vector<16xf32>
        %add3A_282 = arith.constant -5.16771269 : f32
        %add3A_283 = vector.broadcast %add3A_282 : f32 to vector<16xf32>
        %add3A_284 = arith.addf %add3A_283, %mul3A_281 : vector<16xf32>
        %mul3A_285 = arith.mulf %mul3A_266, %add3A_284 : vector<16xf32>
        %add3A_286 = arith.constant 3.14159274 : f32
        %add3A_287 = vector.broadcast %add3A_286 : f32 to vector<16xf32>
        %add3A_288 = arith.addf %add3A_287, %mul3A_285 : vector<16xf32>
        %mul3A_289 = arith.mulf %sub3A_265, %add3A_288 : vector<16xf32>
        %mul3A_290 = arith.constant 5.000000e-01 : f32
        %mul3A_291 = vector.broadcast %mul3A_290 : f32 to vector<16xf32>
        %mul3A_292 = arith.mulf %mul3A_291, %mul3A_289 : vector<16xf32>
        %sub3A_293 = arith.constant 5.000000e-01 : f32
        %sub3A_294 = vector.broadcast %sub3A_293 : f32 to vector<16xf32>
        %sub3A_295 = arith.subf %sub3A_294, %mul3A_292 : vector<16xf32>
        %mul3A_296 = arith.mulf %mul3A_254, %mul3A_254 : vector<16xf32>
        %neg3A = arith.constant 0.000000e+00 : f32
        %neg3A_297 = vector.broadcast %neg3A : f32 to vector<16xf32>
        %neg3A_298 = arith.subf %neg3A_297, %mul3A_296 : vector<16xf32>
        %exp3A = math.exp %neg3A_298 : vector<16xf32>
        %mul3A_299 = arith.mulf %exp3A, %sub3A_295 : vector<16xf32>
        %sub3A_300 = arith.constant 1.66666663 : f32
        %sub3A_301 = vector.broadcast %sub3A_300 : f32 to vector<16xf32>
        %sub3A_302 = arith.subf %mul3A_254, %sub3A_301 : vector<16xf32>
        %sub3A_303 = arith.constant 1.66666663 : f32
        %sub3A_304 = vector.broadcast %sub3A_303 : f32 to vector<16xf32>
        %sub3A_305 = arith.subf %mul3A_254, %sub3A_304 : vector<16xf32>
        %mul3A_306 = arith.mulf %sub3A_302, %sub3A_305 : vector<16xf32>
        %neg3A_307 = arith.constant 0.000000e+00 : f32
        %neg3A_308 = vector.broadcast %neg3A_307 : f32 to vector<16xf32>
        %neg3A_309 = arith.subf %neg3A_308, %mul3A_306 : vector<16xf32>
        %exp3A_310 = math.exp %neg3A_309 : vector<16xf32>
        %mul3A_311 = arith.mulf %exp3A_310, %sub3A_295 : vector<16xf32>
        %sub3A_312 = arith.constant 3.33333325 : f32
        %sub3A_313 = vector.broadcast %sub3A_312 : f32 to vector<16xf32>
        %sub3A_314 = arith.subf %mul3A_254, %sub3A_313 : vector<16xf32>
        %sub3A_315 = arith.constant 3.33333325 : f32
        %sub3A_316 = vector.broadcast %sub3A_315 : f32 to vector<16xf32>
        %sub3A_317 = arith.subf %mul3A_254, %sub3A_316 : vector<16xf32>
        %mul3A_318 = arith.mulf %sub3A_314, %sub3A_317 : vector<16xf32>
        %neg3A_319 = arith.constant 0.000000e+00 : f32
        %neg3A_320 = vector.broadcast %neg3A_319 : f32 to vector<16xf32>
        %neg3A_321 = arith.subf %neg3A_320, %mul3A_318 : vector<16xf32>
        %exp3A_322 = math.exp %neg3A_321 : vector<16xf32>
        %mul3A_323 = arith.mulf %exp3A_322, %sub3A_295 : vector<16xf32>
        %sub3A_324 = arith.constant 2.500000e+00 : f32
        %sub3A_325 = vector.broadcast %sub3A_324 : f32 to vector<16xf32>
        %sub3A_326 = arith.subf %mul3A_254, %sub3A_325 : vector<16xf32>
        %sub3A_327 = arith.constant 2.500000e+00 : f32
        %sub3A_328 = vector.broadcast %sub3A_327 : f32 to vector<16xf32>
        %sub3A_329 = arith.subf %mul3A_254, %sub3A_328 : vector<16xf32>
        %mul3A_330 = arith.mulf %sub3A_326, %sub3A_329 : vector<16xf32>
        %neg3A_331 = arith.constant 0.000000e+00 : f32
        %neg3A_332 = vector.broadcast %neg3A_331 : f32 to vector<16xf32>
        %neg3A_333 = arith.subf %neg3A_332, %mul3A_330 : vector<16xf32>
        %exp3A_334 = math.exp %neg3A_333 : vector<16xf32>
        %mul3A_335 = arith.mulf %exp3A_334, %sub3A_295 : vector<16xf32>
        %sub3A_336 = arith.constant 5.000000e+00 : f32
        %sub3A_337 = vector.broadcast %sub3A_336 : f32 to vector<16xf32>
        %sub3A_338 = arith.subf %mul3A_254, %sub3A_337 : vector<16xf32>
        %sub3A_339 = arith.constant 5.000000e+00 : f32
        %sub3A_340 = vector.broadcast %sub3A_339 : f32 to vector<16xf32>
        %sub3A_341 = arith.subf %mul3A_254, %sub3A_340 : vector<16xf32>
        %mul3A_342 = arith.mulf %sub3A_338, %sub3A_341 : vector<16xf32>
        %neg3A_343 = arith.constant 0.000000e+00 : f32
        %neg3A_344 = vector.broadcast %neg3A_343 : f32 to vector<16xf32>
        %neg3A_345 = arith.subf %neg3A_344, %mul3A_342 : vector<16xf32>
        %exp3A_346 = math.exp %neg3A_345 : vector<16xf32>
        %mul3A_347 = arith.mulf %exp3A_346, %sub3A_295 : vector<16xf32>
        %mul3A_348 = arith.constant 0.0488602519 : f32
        %mul3A_349 = vector.broadcast %mul3A_348 : f32 to vector<16xf32>
        %mul3A_350 = arith.mulf %mul3A_256, %mul3A_349 : vector<16xf32>
        %mul3A_351 = arith.constant 0.0488602519 : f32
        %mul3A_352 = vector.broadcast %mul3A_351 : f32 to vector<16xf32>
        %mul3A_353 = arith.mulf %mul3A_257, %mul3A_352 : vector<16xf32>
        %mul3A_354 = arith.constant 0.0488602519 : f32
        %mul3A_355 = vector.broadcast %mul3A_354 : f32 to vector<16xf32>
        %mul3A_356 = arith.mulf %mul3A_255, %mul3A_355 : vector<16xf32>
        %mul3A_357 = arith.mulf %mul3A_255, %mul3A_256 : vector<16xf32>
        %mul3A_358 = arith.constant 0.109254844 : f32
        %mul3A_359 = vector.broadcast %mul3A_358 : f32 to vector<16xf32>
        %mul3A_360 = arith.mulf %mul3A_357, %mul3A_359 : vector<16xf32>
        %mul3A_361 = arith.mulf %mul3A_256, %mul3A_257 : vector<16xf32>
        %mul3A_362 = arith.constant 0.109254844 : f32
        %mul3A_363 = vector.broadcast %mul3A_362 : f32 to vector<16xf32>
        %mul3A_364 = arith.mulf %mul3A_361, %mul3A_363 : vector<16xf32>
        %mul3A_365 = arith.constant 3.000000e+00 : f32
        %mul3A_366 = vector.broadcast %mul3A_365 : f32 to vector<16xf32>
        %mul3A_367 = arith.mulf %mul3A_366, %mul3A_257 : vector<16xf32>
        %mul3A_368 = arith.mulf %mul3A_367, %mul3A_257 : vector<16xf32>
        %sub3A_369 = arith.constant 1.000000e+00 : f32
        %sub3A_370 = vector.broadcast %sub3A_369 : f32 to vector<16xf32>
        %sub3A_371 = arith.subf %mul3A_368, %sub3A_370 : vector<16xf32>
        %mul3A_372 = arith.constant 0.031539157 : f32
        %mul3A_373 = vector.broadcast %mul3A_372 : f32 to vector<16xf32>
        %mul3A_374 = arith.mulf %sub3A_371, %mul3A_373 : vector<16xf32>
        %mul3A_375 = arith.mulf %mul3A_255, %mul3A_257 : vector<16xf32>
        %mul3A_376 = arith.constant 0.109254844 : f32
        %mul3A_377 = vector.broadcast %mul3A_376 : f32 to vector<16xf32>
        %mul3A_378 = arith.mulf %mul3A_375, %mul3A_377 : vector<16xf32>
        %mul3A_379 = arith.mulf %mul3A_255, %mul3A_255 : vector<16xf32>
        %mul3A_380 = arith.mulf %mul3A_256, %mul3A_256 : vector<16xf32>
        %sub3A_381 = arith.subf %mul3A_379, %mul3A_380 : vector<16xf32>
        %mul3A_382 = arith.constant 0.0546274222 : f32
        %mul3A_383 = vector.broadcast %mul3A_382 : f32 to vector<16xf32>
        %mul3A_384 = arith.mulf %sub3A_381, %mul3A_383 : vector<16xf32>
        %mul3A_385 = arith.constant 0.0282094795 : f32
        %mul3A_386 = vector.broadcast %mul3A_385 : f32 to vector<16xf32>
        %mul3A_387 = arith.mulf %mul3A_299, %mul3A_386 : vector<16xf32>
        %mul3A_388 = arith.constant 0.0282094795 : f32
        %mul3A_389 = vector.broadcast %mul3A_388 : f32 to vector<16xf32>
        %mul3A_390 = arith.mulf %mul3A_311, %mul3A_389 : vector<16xf32>
        %mul3A_391 = arith.constant 0.0282094795 : f32
        %mul3A_392 = vector.broadcast %mul3A_391 : f32 to vector<16xf32>
        %mul3A_393 = arith.mulf %mul3A_323, %mul3A_392 : vector<16xf32>
        %mul3A_394 = arith.constant 0.0282094795 : f32
        %mul3A_395 = vector.broadcast %mul3A_394 : f32 to vector<16xf32>
        %mul3A_396 = arith.mulf %mul3A_347, %mul3A_395 : vector<16xf32>
        %mul3A_397 = arith.mulf %mul3A_350, %mul3A_299 : vector<16xf32>
        %mul3A_398 = arith.mulf %mul3A_350, %mul3A_335 : vector<16xf32>
        %mul3A_399 = arith.mulf %mul3A_350, %mul3A_347 : vector<16xf32>
        %mul3A_400 = arith.mulf %mul3A_353, %mul3A_299 : vector<16xf32>
        %mul3A_401 = arith.mulf %mul3A_353, %mul3A_335 : vector<16xf32>
        %mul3A_402 = arith.mulf %mul3A_353, %mul3A_347 : vector<16xf32>
        %mul3A_403 = arith.mulf %mul3A_356, %mul3A_299 : vector<16xf32>
        %mul3A_404 = arith.mulf %mul3A_356, %mul3A_335 : vector<16xf32>
        %mul3A_405 = arith.mulf %mul3A_356, %mul3A_347 : vector<16xf32>
        %mul3A_406 = arith.mulf %mul3A_360, %mul3A_299 : vector<16xf32>
        %mul3A_407 = arith.mulf %mul3A_360, %mul3A_347 : vector<16xf32>
        %mul3A_408 = arith.mulf %mul3A_364, %mul3A_299 : vector<16xf32>
        %mul3A_409 = arith.mulf %mul3A_364, %mul3A_347 : vector<16xf32>
        %mul3A_410 = arith.mulf %mul3A_374, %mul3A_299 : vector<16xf32>
        %mul3A_411 = arith.mulf %mul3A_374, %mul3A_347 : vector<16xf32>
        %mul3A_412 = arith.mulf %mul3A_378, %mul3A_299 : vector<16xf32>
        %mul3A_413 = arith.mulf %mul3A_378, %mul3A_347 : vector<16xf32>
        %mul3A_414 = arith.mulf %mul3A_384, %mul3A_299 : vector<16xf32>
        %mul3A_415 = arith.mulf %mul3A_384, %mul3A_347 : vector<16xf32>
        %broadcast_in_dim3A_416 = arith.constant 0 : i32
        %broadcast_in_dim3A_417 = vector.broadcast %broadcast_in_dim3A_416 : i32 to vector<16xi32>
        tpu.vector_store_idx %arg12[%add3A_191, %broadcast_in_dim3A_417], %mul3A_387 : memref<128x24xf32, #tpu.memory_space<vmem>>[vector<16xi32>, vector<16xi32>], vector<16xf32>,
        %broadcast_in_dim3A_418 = arith.constant 1 : i32
        %broadcast_in_dim3A_419 = vector.broadcast %broadcast_in_dim3A_418 : i32 to vector<16xi32>
        tpu.vector_store_idx %arg12[%add3A_191, %broadcast_in_dim3A_419], %mul3A_390 : memref<128x24xf32, #tpu.memory_space<vmem>>[vector<16xi32>, vector<16xi32>], vector<16xf32>,
        %broadcast_in_dim3A_420 = arith.constant 2 : i32
        %broadcast_in_dim3A_421 = vector.broadcast %broadcast_in_dim3A_420 : i32 to vector<16xi32>
        tpu.vector_store_idx %arg12[%add3A_191, %broadcast_in_dim3A_421], %mul3A_393 : memref<128x24xf32, #tpu.memory_space<vmem>>[vector<16xi32>, vector<16xi32>], vector<16xf32>,
        %broadcast_in_dim3A_422 = arith.constant 3 : i32
        %broadcast_in_dim3A_423 = vector.broadcast %broadcast_in_dim3A_422 : i32 to vector<16xi32>
        tpu.vector_store_idx %arg12[%add3A_191, %broadcast_in_dim3A_423], %mul3A_396 : memref<128x24xf32, #tpu.memory_space<vmem>>[vector<16xi32>, vector<16xi32>], vector<16xf32>,
        %broadcast_in_dim3A_424 = arith.constant 4 : i32
        %broadcast_in_dim3A_425 = vector.broadcast %broadcast_in_dim3A_424 : i32 to vector<16xi32>
        tpu.vector_store_idx %arg12[%add3A_191, %broadcast_in_dim3A_425], %mul3A_397 : memref<128x24xf32, #tpu.memory_space<vmem>>[vector<16xi32>, vector<16xi32>], vector<16xf32>,
        %broadcast_in_dim3A_426 = arith.constant 5 : i32
        %broadcast_in_dim3A_427 = vector.broadcast %broadcast_in_dim3A_426 : i32 to vector<16xi32>
        tpu.vector_store_idx %arg12[%add3A_191, %broadcast_in_dim3A_427], %mul3A_398 : memref<128x24xf32, #tpu.memory_space<vmem>>[vector<16xi32>, vector<16xi32>], vector<16xf32>,
        %broadcast_in_dim3A_428 = arith.constant 6 : i32
        %broadcast_in_dim3A_429 = vector.broadcast %broadcast_in_dim3A_428 : i32 to vector<16xi32>
        tpu.vector_store_idx %arg12[%add3A_191, %broadcast_in_dim3A_429], %mul3A_399 : memref<128x24xf32, #tpu.memory_space<vmem>>[vector<16xi32>, vector<16xi32>], vector<16xf32>,
        %broadcast_in_dim3A_430 = arith.constant 7 : i32
        %broadcast_in_dim3A_431 = vector.broadcast %broadcast_in_dim3A_430 : i32 to vector<16xi32>
        tpu.vector_store_idx %arg12[%add3A_191, %broadcast_in_dim3A_431], %mul3A_400 : memref<128x24xf32, #tpu.memory_space<vmem>>[vector<16xi32>, vector<16xi32>], vector<16xf32>,
        %broadcast_in_dim3A_432 = arith.constant 8 : i32
        %broadcast_in_dim3A_433 = vector.broadcast %broadcast_in_dim3A_432 : i32 to vector<16xi32>
        tpu.vector_store_idx %arg12[%add3A_191, %broadcast_in_dim3A_433], %mul3A_401 : memref<128x24xf32, #tpu.memory_space<vmem>>[vector<16xi32>, vector<16xi32>], vector<16xf32>,
        %broadcast_in_dim3A_434 = arith.constant 9 : i32
        %broadcast_in_dim3A_435 = vector.broadcast %broadcast_in_dim3A_434 : i32 to vector<16xi32>
        tpu.vector_store_idx %arg12[%add3A_191, %broadcast_in_dim3A_435], %mul3A_402 : memref<128x24xf32, #tpu.memory_space<vmem>>[vector<16xi32>, vector<16xi32>], vector<16xf32>,
        %broadcast_in_dim3A_436 = arith.constant 10 : i32
        %broadcast_in_dim3A_437 = vector.broadcast %broadcast_in_dim3A_436 : i32 to vector<16xi32>
        tpu.vector_store_idx %arg12[%add3A_191, %broadcast_in_dim3A_437], %mul3A_403 : memref<128x24xf32, #tpu.memory_space<vmem>>[vector<16xi32>, vector<16xi32>], vector<16xf32>,
        %broadcast_in_dim3A_438 = arith.constant 11 : i32
        %broadcast_in_dim3A_439 = vector.broadcast %broadcast_in_dim3A_438 : i32 to vector<16xi32>
        tpu.vector_store_idx %arg12[%add3A_191, %broadcast_in_dim3A_439], %mul3A_404 : memref<128x24xf32, #tpu.memory_space<vmem>>[vector<16xi32>, vector<16xi32>], vector<16xf32>,
        %broadcast_in_dim3A_440 = arith.constant 12 : i32
        %broadcast_in_dim3A_441 = vector.broadcast %broadcast_in_dim3A_440 : i32 to vector<16xi32>
        tpu.vector_store_idx %arg12[%add3A_191, %broadcast_in_dim3A_441], %mul3A_405 : memref<128x24xf32, #tpu.memory_space<vmem>>[vector<16xi32>, vector<16xi32>], vector<16xf32>,
        %broadcast_in_dim3A_442 = arith.constant 13 : i32
        %broadcast_in_dim3A_443 = vector.broadcast %broadcast_in_dim3A_442 : i32 to vector<16xi32>
        tpu.vector_store_idx %arg12[%add3A_191, %broadcast_in_dim3A_443], %mul3A_406 : memref<128x24xf32, #tpu.memory_space<vmem>>[vector<16xi32>, vector<16xi32>], vector<16xf32>,
        %broadcast_in_dim3A_444 = arith.constant 14 : i32
        %broadcast_in_dim3A_445 = vector.broadcast %broadcast_in_dim3A_444 : i32 to vector<16xi32>
        tpu.vector_store_idx %arg12[%add3A_191, %broadcast_in_dim3A_445], %mul3A_407 : memref<128x24xf32, #tpu.memory_space<vmem>>[vector<16xi32>, vector<16xi32>], vector<16xf32>,
        %broadcast_in_dim3A_446 = arith.constant 15 : i32
        %broadcast_in_dim3A_447 = vector.broadcast %broadcast_in_dim3A_446 : i32 to vector<16xi32>
        tpu.vector_store_idx %arg12[%add3A_191, %broadcast_in_dim3A_447], %mul3A_408 : memref<128x24xf32, #tpu.memory_space<vmem>>[vector<16xi32>, vector<16xi32>], vector<16xf32>,
        %broadcast_in_dim3A_448 = arith.constant 16 : i32
        %broadcast_in_dim3A_449 = vector.broadcast %broadcast_in_dim3A_448 : i32 to vector<16xi32>
        tpu.vector_store_idx %arg12[%add3A_191, %broadcast_in_dim3A_449], %mul3A_409 : memref<128x24xf32, #tpu.memory_space<vmem>>[vector<16xi32>, vector<16xi32>], vector<16xf32>,
        %broadcast_in_dim3A_450 = arith.constant 17 : i32
        %broadcast_in_dim3A_451 = vector.broadcast %broadcast_in_dim3A_450 : i32 to vector<16xi32>
        tpu.vector_store_idx %arg12[%add3A_191, %broadcast_in_dim3A_451], %mul3A_410 : memref<128x24xf32, #tpu.memory_space<vmem>>[vector<16xi32>, vector<16xi32>], vector<16xf32>,
        %broadcast_in_dim3A_452 = arith.constant 18 : i32
        %broadcast_in_dim3A_453 = vector.broadcast %broadcast_in_dim3A_452 : i32 to vector<16xi32>
        tpu.vector_store_idx %arg12[%add3A_191, %broadcast_in_dim3A_453], %mul3A_411 : memref<128x24xf32, #tpu.memory_space<vmem>>[vector<16xi32>, vector<16xi32>], vector<16xf32>,
        %broadcast_in_dim3A_454 = arith.constant 19 : i32
        %broadcast_in_dim3A_455 = vector.broadcast %broadcast_in_dim3A_454 : i32 to vector<16xi32>
        tpu.vector_store_idx %arg12[%add3A_191, %broadcast_in_dim3A_455], %mul3A_412 : memref<128x24xf32, #tpu.memory_space<vmem>>[vector<16xi32>, vector<16xi32>], vector<16xf32>,
        %broadcast_in_dim3A_456 = arith.constant 20 : i32
        %broadcast_in_dim3A_457 = vector.broadcast %broadcast_in_dim3A_456 : i32 to vector<16xi32>
        tpu.vector_store_idx %arg12[%add3A_191, %broadcast_in_dim3A_457], %mul3A_413 : memref<128x24xf32, #tpu.memory_space<vmem>>[vector<16xi32>, vector<16xi32>], vector<16xf32>,
        %broadcast_in_dim3A_458 = arith.constant 21 : i32
        %broadcast_in_dim3A_459 = vector.broadcast %broadcast_in_dim3A_458 : i32 to vector<16xi32>
        tpu.vector_store_idx %arg12[%add3A_191, %broadcast_in_dim3A_459], %mul3A_414 : memref<128x24xf32, #tpu.memory_space<vmem>>[vector<16xi32>, vector<16xi32>], vector<16xf32>,
        %broadcast_in_dim3A_460 = arith.constant 22 : i32
        %broadcast_in_dim3A_461 = vector.broadcast %broadcast_in_dim3A_460 : i32 to vector<16xi32>
        tpu.vector_store_idx %arg12[%add3A_191, %broadcast_in_dim3A_461], %mul3A_415 : memref<128x24xf32, #tpu.memory_space<vmem>>[vector<16xi32>, vector<16xi32>], vector<16xf32>,
        %mul3A_462 = arith.constant 4 : i32
        %mul3A_463 = vector.broadcast %mul3A_462 : i32 to vector<16xi32>
        %mul3A_464 = arith.muli %gather3A, %mul3A_463 : vector<16xi32>
        %convert_element_type3A_465 = arith.fptosi %gather3A_216 : vector<16xf32> to vector<16xi32>
        %add3A_466 = arith.addi %mul3A_464, %convert_element_type3A_465 : vector<16xi32>
        %mul3A_467 = arith.constant 16 : i32
        %mul3A_468 = arith.muli %scan3A_187, %mul3A_467 : i32
        %swap3A = arith.index_cast %mul3A_468 : i32 to index
        %swap3A_469 = tpu.vector_load %arg14[%swap3A] {strides = array<i32>} : memref<128xi32, #tpu.memory_space<vmem>>, vector<16xi32>,
        tpu.vector_store %arg14[%swap3A], %add3A_466 {strides = array<i32>} : memref<128xi32, #tpu.memory_space<vmem>>, vector<16xi32>,
      }
      %scan3A_144 = arith.constant 8 : i32
      %dma_start3A_145 = arith.constant 0 : i32
      %dma_start3A_146 = arith.constant 0 : i32
      %dma_start3A_147 = tpu.memref_slice %arg16[%dma_start3A_145, %dma_start3A_146] : memref<40960x24xf32, #tpu.memory_space<vmem_shared>> -> memref<40960x24xf32, #tpu.memory_space<vmem_shared>>
      tpu.enqueue_indirect_dma source(%arg12 : memref<128x24xf32, #tpu.memory_space<vmem>>) target(%dma_start3A_147 : memref<40960x24xf32, #tpu.memory_space<vmem_shared>>) offsets(%arg14 : memref<128xi32, #tpu.memory_space<vmem>>) semaphore(%arg19 : memref<!tpu.dma_semaphore, #tpu.memory_space<semaphore_mem>>) {add = true}
      %mul3A_148 = arith.constant 2 : i32
      %mul3A_149 = arith.muli %scan3A_114, %mul3A_148 : i32
      %add3A_150 = arith.constant 1 : i32
      %add3A_151 = arith.addi %mul3A_149, %add3A_150 : i32
      %add3A_152 = arith.constant 1 : i32
      %add3A_153 = arith.addi %add3A_151, %add3A_152 : i32
      %lt3A_154 = arith.constant 40 : i32
      %lt3A_155 = arith.cmpi slt, %add3A_153, %lt3A_154 : i32
      %convert_element_type3A_156 = arith.extui %lt3A_155 : i1 to i32
      %cond3A_157 = arith.constant 0 : i32
      %cond3A_158 = arith.cmpi ne, %convert_element_type3A_156, %cond3A_157 : i32
      scf.if %cond3A_158 {
        %add3A_187 = arith.constant 1 : i32
        %add3A_188 = arith.addi %add3A_151, %add3A_187 : i32
        %dma_start3A_189 = arith.constant 0 : i32
        %dma_start3A_190 = tpu.memref_slice %arg6[%add3A_188, %dma_start3A_189] : memref<40x128xi32, #tpu.memory_space<vmem>> -> memref<1x128xi32, #tpu.memory_space<vmem>>
        %dma_start3A_191 = tpu.memref_squeeze %dma_start3A_190 : memref<1x128xi32, #tpu.memory_space<vmem>> -> memref<128xi32, #tpu.memory_space<vmem>>
        %dma_start3A_192 = arith.constant 0 : i32
        %dma_start3A_193 = arith.constant 0 : i32
        %dma_start3A_194 = tpu.memref_slice %arg2[%dma_start3A_192, %dma_start3A_193] : memref<10240x8xf32, #tpu.memory_space<hbm>> -> memref<10240x8xf32, #tpu.memory_space<hbm>>
        tpu.enqueue_indirect_dma source(%dma_start3A_194 : memref<10240x8xf32, #tpu.memory_space<hbm>>) target(%arg8 : memref<128x8xf32, #tpu.memory_space<vmem>>) offsets(%dma_start3A_191 : memref<128xi32, #tpu.memory_space<vmem>>) semaphore(%arg17 : memref<!tpu.dma_semaphore, #tpu.memory_space<semaphore_mem>>)
        %dma_start3A_195 = arith.constant 0 : i32
        %dma_start3A_196 = tpu.memref_slice %arg7[%add3A_188, %dma_start3A_195] : memref<40x128xi32, #tpu.memory_space<vmem>> -> memref<1x128xi32, #tpu.memory_space<vmem>>
        %dma_start3A_197 = tpu.memref_squeeze %dma_start3A_196 : memref<1x128xi32, #tpu.memory_space<vmem>> -> memref<128xi32, #tpu.memory_space<vmem>>
        %dma_start3A_198 = arith.constant 0 : i32
        %dma_start3A_199 = arith.constant 0 : i32
        %dma_start3A_200 = tpu.memref_slice %arg2[%dma_start3A_198, %dma_start3A_199] : memref<10240x8xf32, #tpu.memory_space<hbm>> -> memref<10240x8xf32, #tpu.memory_space<hbm>>
        tpu.enqueue_indirect_dma source(%dma_start3A_200 : memref<10240x8xf32, #tpu.memory_space<hbm>>) target(%arg9 : memref<128x8xf32, #tpu.memory_space<vmem>>) offsets(%dma_start3A_197 : memref<128xi32, #tpu.memory_space<vmem>>) semaphore(%arg17 : memref<!tpu.dma_semaphore, #tpu.memory_space<semaphore_mem>>)
      } else {
      }
      %ge3A_159 = arith.constant 2 : i32
      %ge3A_160 = arith.cmpi sge, %add3A_151, %ge3A_159 : i32
      %convert_element_type3A_161 = arith.extui %ge3A_160 : i1 to i32
      %cond3A_162 = arith.constant 0 : i32
      %cond3A_163 = arith.cmpi ne, %convert_element_type3A_161, %cond3A_162 : i32
      scf.if %cond3A_163 {
        %dma_wait3A_187 = arith.constant 0 : i32
        %dma_wait3A_188 = arith.constant 0 : i32
        %dma_wait3A_189 = tpu.memref_slice %arg16[%dma_wait3A_187, %dma_wait3A_188] : memref<40960x24xf32, #tpu.memory_space<vmem_shared>> -> memref<40960x24xf32, #tpu.memory_space<vmem_shared>>
        tpu.wait_indirect_dma semaphore(%arg20 : memref<!tpu.dma_semaphore, #tpu.memory_space<semaphore_mem>>) src(%arg13 : memref<128x24xf32, #tpu.memory_space<vmem>>) dst(%dma_wait3A_189 : memref<40960x24xf32, #tpu.memory_space<vmem_shared>>)
      } else {
      }
      %dma_wait3A_164 = arith.constant 0 : i32
      %dma_wait3A_165 = arith.constant 0 : i32
      %dma_wait3A_166 = tpu.memref_slice %arg6[%dma_wait3A_164, %dma_wait3A_165] : memref<40x128xi32, #tpu.memory_space<vmem>> -> memref<1x128xi32, #tpu.memory_space<vmem>>
      %dma_wait3A_167 = tpu.memref_squeeze %dma_wait3A_166 : memref<1x128xi32, #tpu.memory_space<vmem>> -> memref<128xi32, #tpu.memory_space<vmem>>
      %dma_wait3A_168 = arith.constant 0 : i32
      %dma_wait3A_169 = arith.constant 0 : i32
      %dma_wait3A_170 = tpu.memref_slice %arg2[%dma_wait3A_168, %dma_wait3A_169] : memref<10240x8xf32, #tpu.memory_space<hbm>> -> memref<10240x8xf32, #tpu.memory_space<hbm>>
      tpu.wait_indirect_dma semaphore(%arg18 : memref<!tpu.dma_semaphore, #tpu.memory_space<semaphore_mem>>) src(%dma_wait3A_170 : memref<10240x8xf32, #tpu.memory_space<hbm>>) dst(%arg10 : memref<128x8xf32, #tpu.memory_space<vmem>>)
      %dma_wait3A_171 = arith.constant 0 : i32
      %dma_wait3A_172 = arith.constant 0 : i32
      %dma_wait3A_173 = tpu.memref_slice %arg7[%dma_wait3A_171, %dma_wait3A_172] : memref<40x128xi32, #tpu.memory_space<vmem>> -> memref<1x128xi32, #tpu.memory_space<vmem>>
      %dma_wait3A_174 = tpu.memref_squeeze %dma_wait3A_173 : memref<1x128xi32, #tpu.memory_space<vmem>> -> memref<128xi32, #tpu.memory_space<vmem>>
      %dma_wait3A_175 = arith.constant 0 : i32
      %dma_wait3A_176 = arith.constant 0 : i32
      %dma_wait3A_177 = tpu.memref_slice %arg2[%dma_wait3A_175, %dma_wait3A_176] : memref<10240x8xf32, #tpu.memory_space<hbm>> -> memref<10240x8xf32, #tpu.memory_space<hbm>>
      tpu.wait_indirect_dma semaphore(%arg18 : memref<!tpu.dma_semaphore, #tpu.memory_space<semaphore_mem>>) src(%dma_wait3A_177 : memref<10240x8xf32, #tpu.memory_space<hbm>>) dst(%arg11 : memref<128x8xf32, #tpu.memory_space<vmem>>)
      %scan3A_178 = arith.constant 0 : i32
      %scan3A_179 = arith.constant 0 : i32
      %scan3A_180 = arith.constant 8 : i32
      %scan3A_181 = arith.addi %scan3A_179, %scan3A_180 : i32
      %scan3A_182 = arith.constant 1 : i32
      scf.for %scan3A_187 = %scan3A_179 to %scan3A_181 step %scan3A_182  : i32 {
        %mul3A_188 = arith.constant 16 : i32
        %mul3A_189 = arith.muli %scan3A_187, %mul3A_188 : i32
        %add3A_190 = vector.broadcast %mul3A_189 : i32 to vector<16xi32>
        %add3A_191 = arith.addi %iota3A, %add3A_190 : vector<16xi32>
        %broadcast_in_dim3A_192 = vector.broadcast %add3A_151 : i32 to vector<16xi32>
        %broadcast_in_dim3A_193 = arith.constant 0 : i32
        %broadcast_in_dim3A_194 = vector.broadcast %broadcast_in_dim3A_193 : i32 to vector<16xi32>
        %gather3A = tpu.vector_load_idx %arg6[%broadcast_in_dim3A_192, %add3A_191] : memref<40x128xi32, #tpu.memory_space<vmem>>[vector<16xi32>, vector<16xi32>], vector<16xi32>,
        %gather3A_195 = tpu.vector_load_idx %arg10[%add3A_191, %broadcast_in_dim3A_194] : memref<128x8xf32, #tpu.memory_space<vmem>>[vector<16xi32>, vector<16xi32>], vector<16xf32>,
        %add3A_196 = arith.constant 1 : i32
        %add3A_197 = vector.broadcast %add3A_196 : i32 to vector<16xi32>
        %add3A_198 = arith.addi %broadcast_in_dim3A_194, %add3A_197 : vector<16xi32>
        %gather3A_199 = tpu.vector_load_idx %arg10[%add3A_191, %add3A_198] : memref<128x8xf32, #tpu.memory_space<vmem>>[vector<16xi32>, vector<16xi32>], vector<16xf32>,
        %add3A_200 = arith.constant 2 : i32
        %add3A_201 = vector.broadcast %add3A_200 : i32 to vector<16xi32>
        %add3A_202 = arith.addi %broadcast_in_dim3A_194, %add3A_201 : vector<16xi32>
        %gather3A_203 = tpu.vector_load_idx %arg10[%add3A_191, %add3A_202] : memref<128x8xf32, #tpu.memory_space<vmem>>[vector<16xi32>, vector<16xi32>], vector<16xf32>,
        %gather3A_204 = tpu.vector_load_idx %arg11[%add3A_191, %broadcast_in_dim3A_194] : memref<128x8xf32, #tpu.memory_space<vmem>>[vector<16xi32>, vector<16xi32>], vector<16xf32>,
        %add3A_205 = arith.constant 1 : i32
        %add3A_206 = vector.broadcast %add3A_205 : i32 to vector<16xi32>
        %add3A_207 = arith.addi %broadcast_in_dim3A_194, %add3A_206 : vector<16xi32>
        %gather3A_208 = tpu.vector_load_idx %arg11[%add3A_191, %add3A_207] : memref<128x8xf32, #tpu.memory_space<vmem>>[vector<16xi32>, vector<16xi32>], vector<16xf32>,
        %add3A_209 = arith.constant 2 : i32
        %add3A_210 = vector.broadcast %add3A_209 : i32 to vector<16xi32>
        %add3A_211 = arith.addi %broadcast_in_dim3A_194, %add3A_210 : vector<16xi32>
        %gather3A_212 = tpu.vector_load_idx %arg11[%add3A_191, %add3A_211] : memref<128x8xf32, #tpu.memory_space<vmem>>[vector<16xi32>, vector<16xi32>], vector<16xf32>,
        %add3A_213 = arith.constant 3 : i32
        %add3A_214 = vector.broadcast %add3A_213 : i32 to vector<16xi32>
        %add3A_215 = arith.addi %broadcast_in_dim3A_194, %add3A_214 : vector<16xi32>
        %gather3A_216 = tpu.vector_load_idx %arg11[%add3A_191, %add3A_215] : memref<128x8xf32, #tpu.memory_space<vmem>>[vector<16xi32>, vector<16xi32>], vector<16xf32>,
        %sub3A = arith.subf %gather3A_204, %gather3A_195 : vector<16xf32>
        %sub3A_217 = arith.subf %gather3A_208, %gather3A_199 : vector<16xf32>
        %sub3A_218 = arith.subf %gather3A_212, %gather3A_203 : vector<16xf32>
        %mul3A_219 = arith.mulf %sub3A, %sub3A : vector<16xf32>
        %mul3A_220 = arith.mulf %sub3A_217, %sub3A_217 : vector<16xf32>
        %add3A_221 = arith.addf %mul3A_219, %mul3A_220 : vector<16xf32>
        %mul3A_222 = arith.mulf %sub3A_218, %sub3A_218 : vector<16xf32>
        %add3A_223 = arith.addf %add3A_221, %mul3A_222 : vector<16xf32>
        %add3A_224 = arith.constant 9.99999996E-13 : f32
        %add3A_225 = vector.broadcast %add3A_224 : f32 to vector<16xf32>
        %add3A_226 = arith.addf %add3A_223, %add3A_225 : vector<16xf32>
        %bitcast3A = vector.bitcast %add3A_226 : vector<16xf32> to vector<16xi32>
        %shift_right_arithmetic3A = arith.constant 1 : i32
        %shift_right_arithmetic3A_227 = vector.broadcast %shift_right_arithmetic3A : i32 to vector<16xi32>
        %shift_right_arithmetic3A_228 = arith.shrsi %bitcast3A, %shift_right_arithmetic3A_227 : vector<16xi32>
        %sub3A_229 = arith.constant 1597463007 : i32
        %sub3A_230 = vector.broadcast %sub3A_229 : i32 to vector<16xi32>
        %sub3A_231 = arith.subi %sub3A_230, %shift_right_arithmetic3A_228 : vector<16xi32>
        %bitcast3A_232 = vector.bitcast %sub3A_231 : vector<16xi32> to vector<16xf32>
        %mul3A_233 = arith.constant 5.000000e-01 : f32
        %mul3A_234 = vector.broadcast %mul3A_233 : f32 to vector<16xf32>
        %mul3A_235 = arith.mulf %mul3A_234, %add3A_226 : vector<16xf32>
        %mul3A_236 = arith.mulf %mul3A_235, %bitcast3A_232 : vector<16xf32>
        %mul3A_237 = arith.mulf %mul3A_236, %bitcast3A_232 : vector<16xf32>
        %sub3A_238 = arith.constant 1.500000e+00 : f32
        %sub3A_239 = vector.broadcast %sub3A_238 : f32 to vector<16xf32>
        %sub3A_240 = arith.subf %sub3A_239, %mul3A_237 : vector<16xf32>
        %mul3A_241 = arith.mulf %bitcast3A_232, %sub3A_240 : vector<16xf32>
        %mul3A_242 = arith.mulf %mul3A_235, %mul3A_241 : vector<16xf32>
        %mul3A_243 = arith.mulf %mul3A_242, %mul3A_241 : vector<16xf32>
        %sub3A_244 = arith.constant 1.500000e+00 : f32
        %sub3A_245 = vector.broadcast %sub3A_244 : f32 to vector<16xf32>
        %sub3A_246 = arith.subf %sub3A_245, %mul3A_243 : vector<16xf32>
        %mul3A_247 = arith.mulf %mul3A_241, %sub3A_246 : vector<16xf32>
        %mul3A_248 = arith.mulf %mul3A_235, %mul3A_247 : vector<16xf32>
        %mul3A_249 = arith.mulf %mul3A_248, %mul3A_247 : vector<16xf32>
        %sub3A_250 = arith.constant 1.500000e+00 : f32
        %sub3A_251 = vector.broadcast %sub3A_250 : f32 to vector<16xf32>
        %sub3A_252 = arith.subf %sub3A_251, %mul3A_249 : vector<16xf32>
        %mul3A_253 = arith.mulf %mul3A_247, %sub3A_252 : vector<16xf32>
        %mul3A_254 = arith.mulf %add3A_226, %mul3A_253 : vector<16xf32>
        %mul3A_255 = arith.mulf %sub3A, %mul3A_253 : vector<16xf32>
        %mul3A_256 = arith.mulf %sub3A_217, %mul3A_253 : vector<16xf32>
        %mul3A_257 = arith.mulf %sub3A_218, %mul3A_253 : vector<16xf32>
        %mul3A_258 = arith.constant 2.000000e-01 : f32
        %mul3A_259 = vector.broadcast %mul3A_258 : f32 to vector<16xf32>
        %mul3A_260 = arith.mulf %mul3A_254, %mul3A_259 : vector<16xf32>
        %min3A = arith.constant 1.000000e+00 : f32
        %min3A_261 = vector.broadcast %min3A : f32 to vector<16xf32>
        %min3A_262 = arith.minimumf %mul3A_260, %min3A_261 : vector<16xf32>
        %sub3A_263 = arith.constant 5.000000e-01 : f32
        %sub3A_264 = vector.broadcast %sub3A_263 : f32 to vector<16xf32>
        %sub3A_265 = arith.subf %min3A_262, %sub3A_264 : vector<16xf32>
        %mul3A_266 = arith.mulf %sub3A_265, %sub3A_265 : vector<16xf32>
        %mul3A_267 = arith.constant -0.00737043098 : f32
        %mul3A_268 = vector.broadcast %mul3A_267 : f32 to vector<16xf32>
        %mul3A_269 = arith.mulf %mul3A_266, %mul3A_268 : vector<16xf32>
        %add3A_270 = arith.constant 0.0821458846 : f32
        %add3A_271 = vector.broadcast %add3A_270 : f32 to vector<16xf32>
        %add3A_272 = arith.addf %add3A_271, %mul3A_269 : vector<16xf32>
        %mul3A_273 = arith.mulf %mul3A_266, %add3A_272 : vector<16xf32>
        %add3A_274 = arith.constant -0.599264503 : f32
        %add3A_275 = vector.broadcast %add3A_274 : f32 to vector<16xf32>
        %add3A_276 = arith.addf %add3A_275, %mul3A_273 : vector<16xf32>
        %mul3A_277 = arith.mulf %mul3A_266, %add3A_276 : vector<16xf32>
        %add3A_278 = arith.constant 2.55016398 : f32
        %add3A_279 = vector.broadcast %add3A_278 : f32 to vector<16xf32>
        %add3A_280 = arith.addf %add3A_279, %mul3A_277 : vector<16xf32>
        %mul3A_281 = arith.mulf %mul3A_266, %add3A_280 : vector<16xf32>
        %add3A_282 = arith.constant -5.16771269 : f32
        %add3A_283 = vector.broadcast %add3A_282 : f32 to vector<16xf32>
        %add3A_284 = arith.addf %add3A_283, %mul3A_281 : vector<16xf32>
        %mul3A_285 = arith.mulf %mul3A_266, %add3A_284 : vector<16xf32>
        %add3A_286 = arith.constant 3.14159274 : f32
        %add3A_287 = vector.broadcast %add3A_286 : f32 to vector<16xf32>
        %add3A_288 = arith.addf %add3A_287, %mul3A_285 : vector<16xf32>
        %mul3A_289 = arith.mulf %sub3A_265, %add3A_288 : vector<16xf32>
        %mul3A_290 = arith.constant 5.000000e-01 : f32
        %mul3A_291 = vector.broadcast %mul3A_290 : f32 to vector<16xf32>
        %mul3A_292 = arith.mulf %mul3A_291, %mul3A_289 : vector<16xf32>
        %sub3A_293 = arith.constant 5.000000e-01 : f32
        %sub3A_294 = vector.broadcast %sub3A_293 : f32 to vector<16xf32>
        %sub3A_295 = arith.subf %sub3A_294, %mul3A_292 : vector<16xf32>
        %mul3A_296 = arith.mulf %mul3A_254, %mul3A_254 : vector<16xf32>
        %neg3A = arith.constant 0.000000e+00 : f32
        %neg3A_297 = vector.broadcast %neg3A : f32 to vector<16xf32>
        %neg3A_298 = arith.subf %neg3A_297, %mul3A_296 : vector<16xf32>
        %exp3A = math.exp %neg3A_298 : vector<16xf32>
        %mul3A_299 = arith.mulf %exp3A, %sub3A_295 : vector<16xf32>
        %sub3A_300 = arith.constant 1.66666663 : f32
        %sub3A_301 = vector.broadcast %sub3A_300 : f32 to vector<16xf32>
        %sub3A_302 = arith.subf %mul3A_254, %sub3A_301 : vector<16xf32>
        %sub3A_303 = arith.constant 1.66666663 : f32
        %sub3A_304 = vector.broadcast %sub3A_303 : f32 to vector<16xf32>
        %sub3A_305 = arith.subf %mul3A_254, %sub3A_304 : vector<16xf32>
        %mul3A_306 = arith.mulf %sub3A_302, %sub3A_305 : vector<16xf32>
        %neg3A_307 = arith.constant 0.000000e+00 : f32
        %neg3A_308 = vector.broadcast %neg3A_307 : f32 to vector<16xf32>
        %neg3A_309 = arith.subf %neg3A_308, %mul3A_306 : vector<16xf32>
        %exp3A_310 = math.exp %neg3A_309 : vector<16xf32>
        %mul3A_311 = arith.mulf %exp3A_310, %sub3A_295 : vector<16xf32>
        %sub3A_312 = arith.constant 3.33333325 : f32
        %sub3A_313 = vector.broadcast %sub3A_312 : f32 to vector<16xf32>
        %sub3A_314 = arith.subf %mul3A_254, %sub3A_313 : vector<16xf32>
        %sub3A_315 = arith.constant 3.33333325 : f32
        %sub3A_316 = vector.broadcast %sub3A_315 : f32 to vector<16xf32>
        %sub3A_317 = arith.subf %mul3A_254, %sub3A_316 : vector<16xf32>
        %mul3A_318 = arith.mulf %sub3A_314, %sub3A_317 : vector<16xf32>
        %neg3A_319 = arith.constant 0.000000e+00 : f32
        %neg3A_320 = vector.broadcast %neg3A_319 : f32 to vector<16xf32>
        %neg3A_321 = arith.subf %neg3A_320, %mul3A_318 : vector<16xf32>
        %exp3A_322 = math.exp %neg3A_321 : vector<16xf32>
        %mul3A_323 = arith.mulf %exp3A_322, %sub3A_295 : vector<16xf32>
        %sub3A_324 = arith.constant 2.500000e+00 : f32
        %sub3A_325 = vector.broadcast %sub3A_324 : f32 to vector<16xf32>
        %sub3A_326 = arith.subf %mul3A_254, %sub3A_325 : vector<16xf32>
        %sub3A_327 = arith.constant 2.500000e+00 : f32
        %sub3A_328 = vector.broadcast %sub3A_327 : f32 to vector<16xf32>
        %sub3A_329 = arith.subf %mul3A_254, %sub3A_328 : vector<16xf32>
        %mul3A_330 = arith.mulf %sub3A_326, %sub3A_329 : vector<16xf32>
        %neg3A_331 = arith.constant 0.000000e+00 : f32
        %neg3A_332 = vector.broadcast %neg3A_331 : f32 to vector<16xf32>
        %neg3A_333 = arith.subf %neg3A_332, %mul3A_330 : vector<16xf32>
        %exp3A_334 = math.exp %neg3A_333 : vector<16xf32>
        %mul3A_335 = arith.mulf %exp3A_334, %sub3A_295 : vector<16xf32>
        %sub3A_336 = arith.constant 5.000000e+00 : f32
        %sub3A_337 = vector.broadcast %sub3A_336 : f32 to vector<16xf32>
        %sub3A_338 = arith.subf %mul3A_254, %sub3A_337 : vector<16xf32>
        %sub3A_339 = arith.constant 5.000000e+00 : f32
        %sub3A_340 = vector.broadcast %sub3A_339 : f32 to vector<16xf32>
        %sub3A_341 = arith.subf %mul3A_254, %sub3A_340 : vector<16xf32>
        %mul3A_342 = arith.mulf %sub3A_338, %sub3A_341 : vector<16xf32>
        %neg3A_343 = arith.constant 0.000000e+00 : f32
        %neg3A_344 = vector.broadcast %neg3A_343 : f32 to vector<16xf32>
        %neg3A_345 = arith.subf %neg3A_344, %mul3A_342 : vector<16xf32>
        %exp3A_346 = math.exp %neg3A_345 : vector<16xf32>
        %mul3A_347 = arith.mulf %exp3A_346, %sub3A_295 : vector<16xf32>
        %mul3A_348 = arith.constant 0.0488602519 : f32
        %mul3A_349 = vector.broadcast %mul3A_348 : f32 to vector<16xf32>
        %mul3A_350 = arith.mulf %mul3A_256, %mul3A_349 : vector<16xf32>
        %mul3A_351 = arith.constant 0.0488602519 : f32
        %mul3A_352 = vector.broadcast %mul3A_351 : f32 to vector<16xf32>
        %mul3A_353 = arith.mulf %mul3A_257, %mul3A_352 : vector<16xf32>
        %mul3A_354 = arith.constant 0.0488602519 : f32
        %mul3A_355 = vector.broadcast %mul3A_354 : f32 to vector<16xf32>
        %mul3A_356 = arith.mulf %mul3A_255, %mul3A_355 : vector<16xf32>
        %mul3A_357 = arith.mulf %mul3A_255, %mul3A_256 : vector<16xf32>
        %mul3A_358 = arith.constant 0.109254844 : f32
        %mul3A_359 = vector.broadcast %mul3A_358 : f32 to vector<16xf32>
        %mul3A_360 = arith.mulf %mul3A_357, %mul3A_359 : vector<16xf32>
        %mul3A_361 = arith.mulf %mul3A_256, %mul3A_257 : vector<16xf32>
        %mul3A_362 = arith.constant 0.109254844 : f32
        %mul3A_363 = vector.broadcast %mul3A_362 : f32 to vector<16xf32>
        %mul3A_364 = arith.mulf %mul3A_361, %mul3A_363 : vector<16xf32>
        %mul3A_365 = arith.constant 3.000000e+00 : f32
        %mul3A_366 = vector.broadcast %mul3A_365 : f32 to vector<16xf32>
        %mul3A_367 = arith.mulf %mul3A_366, %mul3A_257 : vector<16xf32>
        %mul3A_368 = arith.mulf %mul3A_367, %mul3A_257 : vector<16xf32>
        %sub3A_369 = arith.constant 1.000000e+00 : f32
        %sub3A_370 = vector.broadcast %sub3A_369 : f32 to vector<16xf32>
        %sub3A_371 = arith.subf %mul3A_368, %sub3A_370 : vector<16xf32>
        %mul3A_372 = arith.constant 0.031539157 : f32
        %mul3A_373 = vector.broadcast %mul3A_372 : f32 to vector<16xf32>
        %mul3A_374 = arith.mulf %sub3A_371, %mul3A_373 : vector<16xf32>
        %mul3A_375 = arith.mulf %mul3A_255, %mul3A_257 : vector<16xf32>
        %mul3A_376 = arith.constant 0.109254844 : f32
        %mul3A_377 = vector.broadcast %mul3A_376 : f32 to vector<16xf32>
        %mul3A_378 = arith.mulf %mul3A_375, %mul3A_377 : vector<16xf32>
        %mul3A_379 = arith.mulf %mul3A_255, %mul3A_255 : vector<16xf32>
        %mul3A_380 = arith.mulf %mul3A_256, %mul3A_256 : vector<16xf32>
        %sub3A_381 = arith.subf %mul3A_379, %mul3A_380 : vector<16xf32>
        %mul3A_382 = arith.constant 0.0546274222 : f32
        %mul3A_383 = vector.broadcast %mul3A_382 : f32 to vector<16xf32>
        %mul3A_384 = arith.mulf %sub3A_381, %mul3A_383 : vector<16xf32>
        %mul3A_385 = arith.constant 0.0282094795 : f32
        %mul3A_386 = vector.broadcast %mul3A_385 : f32 to vector<16xf32>
        %mul3A_387 = arith.mulf %mul3A_299, %mul3A_386 : vector<16xf32>
        %mul3A_388 = arith.constant 0.0282094795 : f32
        %mul3A_389 = vector.broadcast %mul3A_388 : f32 to vector<16xf32>
        %mul3A_390 = arith.mulf %mul3A_311, %mul3A_389 : vector<16xf32>
        %mul3A_391 = arith.constant 0.0282094795 : f32
        %mul3A_392 = vector.broadcast %mul3A_391 : f32 to vector<16xf32>
        %mul3A_393 = arith.mulf %mul3A_323, %mul3A_392 : vector<16xf32>
        %mul3A_394 = arith.constant 0.0282094795 : f32
        %mul3A_395 = vector.broadcast %mul3A_394 : f32 to vector<16xf32>
        %mul3A_396 = arith.mulf %mul3A_347, %mul3A_395 : vector<16xf32>
        %mul3A_397 = arith.mulf %mul3A_350, %mul3A_299 : vector<16xf32>
        %mul3A_398 = arith.mulf %mul3A_350, %mul3A_335 : vector<16xf32>
        %mul3A_399 = arith.mulf %mul3A_350, %mul3A_347 : vector<16xf32>
        %mul3A_400 = arith.mulf %mul3A_353, %mul3A_299 : vector<16xf32>
        %mul3A_401 = arith.mulf %mul3A_353, %mul3A_335 : vector<16xf32>
        %mul3A_402 = arith.mulf %mul3A_353, %mul3A_347 : vector<16xf32>
        %mul3A_403 = arith.mulf %mul3A_356, %mul3A_299 : vector<16xf32>
        %mul3A_404 = arith.mulf %mul3A_356, %mul3A_335 : vector<16xf32>
        %mul3A_405 = arith.mulf %mul3A_356, %mul3A_347 : vector<16xf32>
        %mul3A_406 = arith.mulf %mul3A_360, %mul3A_299 : vector<16xf32>
        %mul3A_407 = arith.mulf %mul3A_360, %mul3A_347 : vector<16xf32>
        %mul3A_408 = arith.mulf %mul3A_364, %mul3A_299 : vector<16xf32>
        %mul3A_409 = arith.mulf %mul3A_364, %mul3A_347 : vector<16xf32>
        %mul3A_410 = arith.mulf %mul3A_374, %mul3A_299 : vector<16xf32>
        %mul3A_411 = arith.mulf %mul3A_374, %mul3A_347 : vector<16xf32>
        %mul3A_412 = arith.mulf %mul3A_378, %mul3A_299 : vector<16xf32>
        %mul3A_413 = arith.mulf %mul3A_378, %mul3A_347 : vector<16xf32>
        %mul3A_414 = arith.mulf %mul3A_384, %mul3A_299 : vector<16xf32>
        %mul3A_415 = arith.mulf %mul3A_384, %mul3A_347 : vector<16xf32>
        %broadcast_in_dim3A_416 = arith.constant 0 : i32
        %broadcast_in_dim3A_417 = vector.broadcast %broadcast_in_dim3A_416 : i32 to vector<16xi32>
        tpu.vector_store_idx %arg13[%add3A_191, %broadcast_in_dim3A_417], %mul3A_387 : memref<128x24xf32, #tpu.memory_space<vmem>>[vector<16xi32>, vector<16xi32>], vector<16xf32>,
        %broadcast_in_dim3A_418 = arith.constant 1 : i32
        %broadcast_in_dim3A_419 = vector.broadcast %broadcast_in_dim3A_418 : i32 to vector<16xi32>
        tpu.vector_store_idx %arg13[%add3A_191, %broadcast_in_dim3A_419], %mul3A_390 : memref<128x24xf32, #tpu.memory_space<vmem>>[vector<16xi32>, vector<16xi32>], vector<16xf32>,
        %broadcast_in_dim3A_420 = arith.constant 2 : i32
        %broadcast_in_dim3A_421 = vector.broadcast %broadcast_in_dim3A_420 : i32 to vector<16xi32>
        tpu.vector_store_idx %arg13[%add3A_191, %broadcast_in_dim3A_421], %mul3A_393 : memref<128x24xf32, #tpu.memory_space<vmem>>[vector<16xi32>, vector<16xi32>], vector<16xf32>,
        %broadcast_in_dim3A_422 = arith.constant 3 : i32
        %broadcast_in_dim3A_423 = vector.broadcast %broadcast_in_dim3A_422 : i32 to vector<16xi32>
        tpu.vector_store_idx %arg13[%add3A_191, %broadcast_in_dim3A_423], %mul3A_396 : memref<128x24xf32, #tpu.memory_space<vmem>>[vector<16xi32>, vector<16xi32>], vector<16xf32>,
        %broadcast_in_dim3A_424 = arith.constant 4 : i32
        %broadcast_in_dim3A_425 = vector.broadcast %broadcast_in_dim3A_424 : i32 to vector<16xi32>
        tpu.vector_store_idx %arg13[%add3A_191, %broadcast_in_dim3A_425], %mul3A_397 : memref<128x24xf32, #tpu.memory_space<vmem>>[vector<16xi32>, vector<16xi32>], vector<16xf32>,
        %broadcast_in_dim3A_426 = arith.constant 5 : i32
        %broadcast_in_dim3A_427 = vector.broadcast %broadcast_in_dim3A_426 : i32 to vector<16xi32>
        tpu.vector_store_idx %arg13[%add3A_191, %broadcast_in_dim3A_427], %mul3A_398 : memref<128x24xf32, #tpu.memory_space<vmem>>[vector<16xi32>, vector<16xi32>], vector<16xf32>,
        %broadcast_in_dim3A_428 = arith.constant 6 : i32
        %broadcast_in_dim3A_429 = vector.broadcast %broadcast_in_dim3A_428 : i32 to vector<16xi32>
        tpu.vector_store_idx %arg13[%add3A_191, %broadcast_in_dim3A_429], %mul3A_399 : memref<128x24xf32, #tpu.memory_space<vmem>>[vector<16xi32>, vector<16xi32>], vector<16xf32>,
        %broadcast_in_dim3A_430 = arith.constant 7 : i32
        %broadcast_in_dim3A_431 = vector.broadcast %broadcast_in_dim3A_430 : i32 to vector<16xi32>
        tpu.vector_store_idx %arg13[%add3A_191, %broadcast_in_dim3A_431], %mul3A_400 : memref<128x24xf32, #tpu.memory_space<vmem>>[vector<16xi32>, vector<16xi32>], vector<16xf32>,
        %broadcast_in_dim3A_432 = arith.constant 8 : i32
        %broadcast_in_dim3A_433 = vector.broadcast %broadcast_in_dim3A_432 : i32 to vector<16xi32>
        tpu.vector_store_idx %arg13[%add3A_191, %broadcast_in_dim3A_433], %mul3A_401 : memref<128x24xf32, #tpu.memory_space<vmem>>[vector<16xi32>, vector<16xi32>], vector<16xf32>,
        %broadcast_in_dim3A_434 = arith.constant 9 : i32
        %broadcast_in_dim3A_435 = vector.broadcast %broadcast_in_dim3A_434 : i32 to vector<16xi32>
        tpu.vector_store_idx %arg13[%add3A_191, %broadcast_in_dim3A_435], %mul3A_402 : memref<128x24xf32, #tpu.memory_space<vmem>>[vector<16xi32>, vector<16xi32>], vector<16xf32>,
        %broadcast_in_dim3A_436 = arith.constant 10 : i32
        %broadcast_in_dim3A_437 = vector.broadcast %broadcast_in_dim3A_436 : i32 to vector<16xi32>
        tpu.vector_store_idx %arg13[%add3A_191, %broadcast_in_dim3A_437], %mul3A_403 : memref<128x24xf32, #tpu.memory_space<vmem>>[vector<16xi32>, vector<16xi32>], vector<16xf32>,
        %broadcast_in_dim3A_438 = arith.constant 11 : i32
        %broadcast_in_dim3A_439 = vector.broadcast %broadcast_in_dim3A_438 : i32 to vector<16xi32>
        tpu.vector_store_idx %arg13[%add3A_191, %broadcast_in_dim3A_439], %mul3A_404 : memref<128x24xf32, #tpu.memory_space<vmem>>[vector<16xi32>, vector<16xi32>], vector<16xf32>,
        %broadcast_in_dim3A_440 = arith.constant 12 : i32
        %broadcast_in_dim3A_441 = vector.broadcast %broadcast_in_dim3A_440 : i32 to vector<16xi32>
        tpu.vector_store_idx %arg13[%add3A_191, %broadcast_in_dim3A_441], %mul3A_405 : memref<128x24xf32, #tpu.memory_space<vmem>>[vector<16xi32>, vector<16xi32>], vector<16xf32>,
        %broadcast_in_dim3A_442 = arith.constant 13 : i32
        %broadcast_in_dim3A_443 = vector.broadcast %broadcast_in_dim3A_442 : i32 to vector<16xi32>
        tpu.vector_store_idx %arg13[%add3A_191, %broadcast_in_dim3A_443], %mul3A_406 : memref<128x24xf32, #tpu.memory_space<vmem>>[vector<16xi32>, vector<16xi32>], vector<16xf32>,
        %broadcast_in_dim3A_444 = arith.constant 14 : i32
        %broadcast_in_dim3A_445 = vector.broadcast %broadcast_in_dim3A_444 : i32 to vector<16xi32>
        tpu.vector_store_idx %arg13[%add3A_191, %broadcast_in_dim3A_445], %mul3A_407 : memref<128x24xf32, #tpu.memory_space<vmem>>[vector<16xi32>, vector<16xi32>], vector<16xf32>,
        %broadcast_in_dim3A_446 = arith.constant 15 : i32
        %broadcast_in_dim3A_447 = vector.broadcast %broadcast_in_dim3A_446 : i32 to vector<16xi32>
        tpu.vector_store_idx %arg13[%add3A_191, %broadcast_in_dim3A_447], %mul3A_408 : memref<128x24xf32, #tpu.memory_space<vmem>>[vector<16xi32>, vector<16xi32>], vector<16xf32>,
        %broadcast_in_dim3A_448 = arith.constant 16 : i32
        %broadcast_in_dim3A_449 = vector.broadcast %broadcast_in_dim3A_448 : i32 to vector<16xi32>
        tpu.vector_store_idx %arg13[%add3A_191, %broadcast_in_dim3A_449], %mul3A_409 : memref<128x24xf32, #tpu.memory_space<vmem>>[vector<16xi32>, vector<16xi32>], vector<16xf32>,
        %broadcast_in_dim3A_450 = arith.constant 17 : i32
        %broadcast_in_dim3A_451 = vector.broadcast %broadcast_in_dim3A_450 : i32 to vector<16xi32>
        tpu.vector_store_idx %arg13[%add3A_191, %broadcast_in_dim3A_451], %mul3A_410 : memref<128x24xf32, #tpu.memory_space<vmem>>[vector<16xi32>, vector<16xi32>], vector<16xf32>,
        %broadcast_in_dim3A_452 = arith.constant 18 : i32
        %broadcast_in_dim3A_453 = vector.broadcast %broadcast_in_dim3A_452 : i32 to vector<16xi32>
        tpu.vector_store_idx %arg13[%add3A_191, %broadcast_in_dim3A_453], %mul3A_411 : memref<128x24xf32, #tpu.memory_space<vmem>>[vector<16xi32>, vector<16xi32>], vector<16xf32>,
        %broadcast_in_dim3A_454 = arith.constant 19 : i32
        %broadcast_in_dim3A_455 = vector.broadcast %broadcast_in_dim3A_454 : i32 to vector<16xi32>
        tpu.vector_store_idx %arg13[%add3A_191, %broadcast_in_dim3A_455], %mul3A_412 : memref<128x24xf32, #tpu.memory_space<vmem>>[vector<16xi32>, vector<16xi32>], vector<16xf32>,
        %broadcast_in_dim3A_456 = arith.constant 20 : i32
        %broadcast_in_dim3A_457 = vector.broadcast %broadcast_in_dim3A_456 : i32 to vector<16xi32>
        tpu.vector_store_idx %arg13[%add3A_191, %broadcast_in_dim3A_457], %mul3A_413 : memref<128x24xf32, #tpu.memory_space<vmem>>[vector<16xi32>, vector<16xi32>], vector<16xf32>,
        %broadcast_in_dim3A_458 = arith.constant 21 : i32
        %broadcast_in_dim3A_459 = vector.broadcast %broadcast_in_dim3A_458 : i32 to vector<16xi32>
        tpu.vector_store_idx %arg13[%add3A_191, %broadcast_in_dim3A_459], %mul3A_414 : memref<128x24xf32, #tpu.memory_space<vmem>>[vector<16xi32>, vector<16xi32>], vector<16xf32>,
        %broadcast_in_dim3A_460 = arith.constant 22 : i32
        %broadcast_in_dim3A_461 = vector.broadcast %broadcast_in_dim3A_460 : i32 to vector<16xi32>
        tpu.vector_store_idx %arg13[%add3A_191, %broadcast_in_dim3A_461], %mul3A_415 : memref<128x24xf32, #tpu.memory_space<vmem>>[vector<16xi32>, vector<16xi32>], vector<16xf32>,
        %mul3A_462 = arith.constant 4 : i32
        %mul3A_463 = vector.broadcast %mul3A_462 : i32 to vector<16xi32>
        %mul3A_464 = arith.muli %gather3A, %mul3A_463 : vector<16xi32>
        %convert_element_type3A_465 = arith.fptosi %gather3A_216 : vector<16xf32> to vector<16xi32>
        %add3A_466 = arith.addi %mul3A_464, %convert_element_type3A_465 : vector<16xi32>
        %mul3A_467 = arith.constant 16 : i32
        %mul3A_468 = arith.muli %scan3A_187, %mul3A_467 : i32
        %swap3A = arith.index_cast %mul3A_468 : i32 to index
        %swap3A_469 = tpu.vector_load %arg15[%swap3A] {strides = array<i32>} : memref<128xi32, #tpu.memory_space<vmem>>, vector<16xi32>,
        tpu.vector_store %arg15[%swap3A], %add3A_466 {strides = array<i32>} : memref<128xi32, #tpu.memory_space<vmem>>, vector<16xi32>,
      }
      %scan3A_183 = arith.constant 8 : i32
      %dma_start3A_184 = arith.constant 0 : i32
      %dma_start3A_185 = arith.constant 0 : i32
      %dma_start3A_186 = tpu.memref_slice %arg16[%dma_start3A_184, %dma_start3A_185] : memref<40960x24xf32, #tpu.memory_space<vmem_shared>> -> memref<40960x24xf32, #tpu.memory_space<vmem_shared>>
      tpu.enqueue_indirect_dma source(%arg13 : memref<128x24xf32, #tpu.memory_space<vmem>>) target(%dma_start3A_186 : memref<40960x24xf32, #tpu.memory_space<vmem_shared>>) offsets(%arg15 : memref<128xi32, #tpu.memory_space<vmem>>) semaphore(%arg20 : memref<!tpu.dma_semaphore, #tpu.memory_space<semaphore_mem>>) {add = true}
    }
    %scan3A_105 = arith.constant 20 : i32
    %dma_wait3A = arith.constant 0 : i32
    %dma_wait3A_106 = arith.constant 0 : i32
    %dma_wait3A_107 = tpu.memref_slice %arg16[%dma_wait3A, %dma_wait3A_106] : memref<40960x24xf32, #tpu.memory_space<vmem_shared>> -> memref<40960x24xf32, #tpu.memory_space<vmem_shared>>
    tpu.wait_indirect_dma semaphore(%arg19 : memref<!tpu.dma_semaphore, #tpu.memory_space<semaphore_mem>>) src(%arg12 : memref<128x24xf32, #tpu.memory_space<vmem>>) dst(%dma_wait3A_107 : memref<40960x24xf32, #tpu.memory_space<vmem_shared>>)
    %dma_wait3A_108 = arith.constant 0 : i32
    %dma_wait3A_109 = arith.constant 0 : i32
    %dma_wait3A_110 = tpu.memref_slice %arg16[%dma_wait3A_108, %dma_wait3A_109] : memref<40960x24xf32, #tpu.memory_space<vmem_shared>> -> memref<40960x24xf32, #tpu.memory_space<vmem_shared>>
    tpu.wait_indirect_dma semaphore(%arg20 : memref<!tpu.dma_semaphore, #tpu.memory_space<semaphore_mem>>) src(%arg13 : memref<128x24xf32, #tpu.memory_space<vmem>>) dst(%dma_wait3A_110 : memref<40960x24xf32, #tpu.memory_space<vmem_shared>>)
    %barrier3A_111 = arith.constant 0 : index
    tpu.barrier barrier_id(%barrier3A_111)
    %mul3A_112 = arith.constant 2560 : i32
    %mul3A_113 = arith.muli %arg1, %mul3A_112 : i32
    "tpu.region"() ({
      %run_scoped3A = tpu.sem_alloc : memref<!tpu.dma_semaphore, #tpu.memory_space<semaphore_mem>>
      %dma_start3A_114 = arith.constant 0 : i32
      %dma_start3A_115 = tpu.memref_slice %arg5[%arg0, %mul3A_113, %dma_start3A_114] : memref<2x40960x24xf32, #tpu.memory_space<hbm>> -> memref<1x2560x24xf32, #tpu.memory_space<hbm>>
      %dma_start3A_116 = tpu.memref_squeeze %dma_start3A_115 : memref<1x2560x24xf32, #tpu.memory_space<hbm>> -> memref<2560x24xf32, #tpu.memory_space<hbm>>
      %dma_start3A_117 = arith.constant 0 : i32
      %dma_start3A_118 = tpu.memref_slice %arg16[%mul3A_113, %dma_start3A_117] : memref<40960x24xf32, #tpu.memory_space<vmem_shared>> -> memref<2560x24xf32, #tpu.memory_space<vmem_shared>>
      tpu.enqueue_dma source(%dma_start3A_118 : memref<2560x24xf32, #tpu.memory_space<vmem_shared>>) target(%dma_start3A_116 : memref<2560x24xf32, #tpu.memory_space<hbm>>) target_semaphore(%run_scoped3A : memref<!tpu.dma_semaphore, #tpu.memory_space<semaphore_mem>>)
      %dma_wait3A_119 = arith.constant 0 : i32
      %dma_wait3A_120 = tpu.memref_slice %arg5[%arg0, %mul3A_113, %dma_wait3A_119] : memref<2x40960x24xf32, #tpu.memory_space<hbm>> -> memref<1x2560x24xf32, #tpu.memory_space<hbm>>
      %dma_wait3A_121 = tpu.memref_squeeze %dma_wait3A_120 : memref<1x2560x24xf32, #tpu.memory_space<hbm>> -> memref<2560x24xf32, #tpu.memory_space<hbm>>
      %dma_wait3A_122 = arith.constant 0 : i32
      %dma_wait3A_123 = tpu.memref_slice %arg16[%mul3A_113, %dma_wait3A_122] : memref<40960x24xf32, #tpu.memory_space<vmem_shared>> -> memref<2560x24xf32, #tpu.memory_space<vmem_shared>>
      tpu.wait_dma2 semaphore(%run_scoped3A : memref<!tpu.dma_semaphore, #tpu.memory_space<semaphore_mem>>) src(%dma_wait3A_123 : memref<2560x24xf32, #tpu.memory_space<vmem_shared>>) dst(%dma_wait3A_121 : memref<2560x24xf32, #tpu.memory_space<hbm>>)
      tpu.yield
    }) : () -> ()
    return
  }
}

module attributes {stable_mosaic.version = 14 : i64} {
  func.func @_tc_body(%arg0: i32, %arg1: memref<2x1000x96xf32, #tpu.memory_space<vmem>>, %arg2: memref<96x184xf32, #tpu.memory_space<vmem>>, %arg3: memref<72x64xf32, #tpu.memory_space<vmem>>, %arg4: memref<1x64xf32, #tpu.memory_space<vmem>>, %arg5: memref<64x1xf32, #tpu.memory_space<vmem>>, %arg6: memref<1x1xf32, #tpu.memory_space<vmem>>, %arg7: memref<1000x1xf32, #tpu.memory_space<vmem>>) attributes {dimension_semantics = [#tpu.dimension_semantics<arbitrary>], iteration_bounds = array<i64: 10>, scalar_prefetch = 0 : i64, scratch_operands = 0 : i64, tpu.core_type = #tpu.core_type<tc>, window_params = [{transform_indices = @transform_0, window_bounds = array<i64: 2, 1000, 96>}, {pipeline_mode = #tpu.pipeline_mode<synchronous>, transform_indices = @transform_1, window_bounds = array<i64: 96, 184>}, {pipeline_mode = #tpu.pipeline_mode<synchronous>, transform_indices = @transform_2, window_bounds = array<i64: 72, 64>}, {pipeline_mode = #tpu.pipeline_mode<synchronous>, transform_indices = @transform_3, window_bounds = array<i64: 1, 64>}, {pipeline_mode = #tpu.pipeline_mode<synchronous>, transform_indices = @transform_4, window_bounds = array<i64: 64, 1>}, {pipeline_mode = #tpu.pipeline_mode<synchronous>, transform_indices = @transform_5, window_bounds = array<i64: 1, 1>}, {transform_indices = @transform_6, window_bounds = array<i64: 1000, 1>}]} {
    %get3A = arith.constant 0 : index
    %get3A_0 = arith.constant 0 : index
    %get3A_1 = arith.constant 0 : index
    %get3A_2 = vector.load %arg1[%get3A, %get3A_0, %get3A_1] : memref<2x1000x96xf32, #tpu.memory_space<vmem>>, vector<1x1000x96xf32>
    %get3A_3 = vector.shape_cast %get3A_2 : vector<1x1000x96xf32> to vector<1000x96xf32>
    %get3A_4 = arith.constant 1 : index
    %get3A_5 = arith.constant 0 : index
    %get3A_6 = arith.constant 0 : index
    %get3A_7 = vector.load %arg1[%get3A_4, %get3A_5, %get3A_6] : memref<2x1000x96xf32, #tpu.memory_space<vmem>>, vector<1x1000x96xf32>
    %get3A_8 = vector.shape_cast %get3A_7 : vector<1x1000x96xf32> to vector<1000x96xf32>
    %add3A = arith.addf %get3A_3, %get3A_8 : vector<1000x96xf32>
    %get3A_9 = arith.constant 0 : index
    %get3A_10 = arith.constant 0 : index
    %get3A_11 = vector.load %arg2[%get3A_9, %get3A_10] : memref<96x184xf32, #tpu.memory_space<vmem>>, vector<96x184xf32>
    %dot_general3A = arith.constant dense<0.000000e+00> : vector<1000x184xf32>
    %dot_general3A_12 = tpu.matmul %add3A, %get3A_11, %dot_general3A {dimension_numbers = #tpu.dot_dimension_numbers<[1], [0], [0], [1], [0, 0, 1, 1], [], []>, precision = #tpu.contract_precision<fp32>, transpose_lhs_hint = false} : vector<1000x96xf32>, vector<96x184xf32>, vector<1000x184xf32> -> vector<1000x184xf32>
    %mul3A = arith.constant 1.000000e-01 : f32
    %mul3A_13 = vector.broadcast %mul3A : f32 to vector<1000x184xf32>
    %mul3A_14 = arith.mulf %dot_general3A_12, %mul3A_13 : vector<1000x184xf32>
    %mul3A_15 = arith.mulf %mul3A_14, %mul3A_14 : vector<1000x184xf32>
    %slice3A = vector.extract_strided_slice %mul3A_15 {offsets = [0, 0], sizes = [1000, 32], strides = [1, 1]} : vector<1000x184xf32> to vector<1000x32xf32>
    %slice3A_16 = vector.extract_strided_slice %mul3A_15 {offsets = [0, 32], sizes = [1000, 24], strides = [1, 1]} : vector<1000x184xf32> to vector<1000x24xf32>
    %slice3A_17 = vector.extract_strided_slice %mul3A_15 {offsets = [0, 56], sizes = [1000, 24], strides = [1, 1]} : vector<1000x184xf32> to vector<1000x24xf32>
    %add3A_18 = arith.addf %slice3A_16, %slice3A_17 : vector<1000x24xf32>
    %slice3A_19 = vector.extract_strided_slice %mul3A_15 {offsets = [0, 80], sizes = [1000, 24], strides = [1, 1]} : vector<1000x184xf32> to vector<1000x24xf32>
    %add3A_20 = arith.addf %add3A_18, %slice3A_19 : vector<1000x24xf32>
    %slice3A_21 = vector.extract_strided_slice %mul3A_15 {offsets = [0, 104], sizes = [1000, 16], strides = [1, 1]} : vector<1000x184xf32> to vector<1000x16xf32>
    %slice3A_22 = vector.extract_strided_slice %mul3A_15 {offsets = [0, 120], sizes = [1000, 16], strides = [1, 1]} : vector<1000x184xf32> to vector<1000x16xf32>
    %add3A_23 = arith.addf %slice3A_21, %slice3A_22 : vector<1000x16xf32>
    %slice3A_24 = vector.extract_strided_slice %mul3A_15 {offsets = [0, 136], sizes = [1000, 16], strides = [1, 1]} : vector<1000x184xf32> to vector<1000x16xf32>
    %add3A_25 = arith.addf %add3A_23, %slice3A_24 : vector<1000x16xf32>
    %slice3A_26 = vector.extract_strided_slice %mul3A_15 {offsets = [0, 152], sizes = [1000, 16], strides = [1, 1]} : vector<1000x184xf32> to vector<1000x16xf32>
    %add3A_27 = arith.addf %add3A_25, %slice3A_26 : vector<1000x16xf32>
    %slice3A_28 = vector.extract_strided_slice %mul3A_15 {offsets = [0, 168], sizes = [1000, 16], strides = [1, 1]} : vector<1000x184xf32> to vector<1000x16xf32>
    %add3A_29 = arith.addf %add3A_27, %slice3A_28 : vector<1000x16xf32>
    %concatenate3A = tpu.concatenate %slice3A, %add3A_20, %add3A_29 in 1 : vector<1000x32xf32>, vector<1000x24xf32>, vector<1000x16xf32> -> vector<1000x72xf32>
    %get3A_30 = arith.constant 0 : index
    %get3A_31 = arith.constant 0 : index
    %get3A_32 = vector.load %arg3[%get3A_30, %get3A_31] : memref<72x64xf32, #tpu.memory_space<vmem>>, vector<72x64xf32>
    %dot_general3A_33 = arith.constant dense<0.000000e+00> : vector<1000x64xf32>
    %dot_general3A_34 = tpu.matmul %concatenate3A, %get3A_32, %dot_general3A_33 {dimension_numbers = #tpu.dot_dimension_numbers<[1], [0], [0], [1], [0, 0, 1, 1], [], []>, transpose_lhs_hint = false} : vector<1000x72xf32>, vector<72x64xf32>, vector<1000x64xf32> -> vector<1000x64xf32>
    %get3A_35 = arith.constant 0 : index
    %get3A_36 = arith.constant 0 : index
    %get3A_37 = vector.load %arg4[%get3A_35, %get3A_36] : memref<1x64xf32, #tpu.memory_space<vmem>>, vector<1x64xf32>
    %add3A_38 = vector.broadcast %get3A_37 : vector<1x64xf32> to vector<1000x64xf32>
    %add3A_39 = arith.addf %dot_general3A_34, %add3A_38 : vector<1000x64xf32>
    %max3A = arith.constant 0.000000e+00 : f32
    %max3A_40 = vector.broadcast %max3A : f32 to vector<1000x64xf32>
    %max3A_41 = arith.maximumf %add3A_39, %max3A_40 : vector<1000x64xf32>
    %get3A_42 = arith.constant 0 : index
    %get3A_43 = arith.constant 0 : index
    %get3A_44 = vector.load %arg5[%get3A_42, %get3A_43] : memref<64x1xf32, #tpu.memory_space<vmem>>, vector<64x1xf32>
    %dot_general3A_45 = arith.constant dense<0.000000e+00> : vector<1000x1xf32>
    %dot_general3A_46 = tpu.matmul %max3A_41, %get3A_44, %dot_general3A_45 {dimension_numbers = #tpu.dot_dimension_numbers<[1], [0], [0], [1], [0, 0, 1, 1], [], []>, transpose_lhs_hint = false} : vector<1000x64xf32>, vector<64x1xf32>, vector<1000x1xf32> -> vector<1000x1xf32>
    %get3A_47 = arith.constant 0 : index
    %get3A_48 = arith.constant 0 : index
    %get3A_49 = vector.load %arg6[%get3A_47, %get3A_48] : memref<1x1xf32, #tpu.memory_space<vmem>>, vector<1x1xf32>
    %add3A_50 = vector.broadcast %get3A_49 : vector<1x1xf32> to vector<1000x1xf32>
    %add3A_51 = arith.addf %dot_general3A_46, %add3A_50 : vector<1000x1xf32>
    %swap3A = arith.constant 0 : index
    %swap3A_52 = arith.constant 0 : index
    %swap3A_53 = vector.load %arg7[%swap3A, %swap3A_52] : memref<1000x1xf32, #tpu.memory_space<vmem>>, vector<1000x1xf32>
    tpu.vector_store %arg7[%swap3A, %swap3A_52], %add3A_51 {strides = array<i32>} : memref<1000x1xf32, #tpu.memory_space<vmem>>, vector<1000x1xf32>,
    return
  }
  func.func @transform_0(%arg0: i32) -> (i32, i32, i32) {
    %c0_i32 = arith.constant 0 : i32
    %c0_i32_0 = arith.constant 0 : i32
    %c0_i32_1 = arith.constant 0 : i32
    return %c0_i32, %arg0, %c0_i32_0 : i32, i32, i32
  }
  func.func @transform_1(%arg0: i32) -> (i32, i32) {
    %c0_i32 = arith.constant 0 : i32
    %c0_i32_0 = arith.constant 0 : i32
    %c0_i32_1 = arith.constant 0 : i32
    return %c0_i32, %c0_i32_0 : i32, i32
  }
  func.func @transform_2(%arg0: i32) -> (i32, i32) {
    %c0_i32 = arith.constant 0 : i32
    %c0_i32_0 = arith.constant 0 : i32
    %c0_i32_1 = arith.constant 0 : i32
    return %c0_i32, %c0_i32_0 : i32, i32
  }
  func.func @transform_3(%arg0: i32) -> (i32, i32) {
    %c0_i32 = arith.constant 0 : i32
    %c0_i32_0 = arith.constant 0 : i32
    %c0_i32_1 = arith.constant 0 : i32
    return %c0_i32, %c0_i32_0 : i32, i32
  }
  func.func @transform_4(%arg0: i32) -> (i32, i32) {
    %c0_i32 = arith.constant 0 : i32
    %c0_i32_0 = arith.constant 0 : i32
    %c0_i32_1 = arith.constant 0 : i32
    return %c0_i32, %c0_i32_0 : i32, i32
  }
  func.func @transform_5(%arg0: i32) -> (i32, i32) {
    %c0_i32 = arith.constant 0 : i32
    %c0_i32_0 = arith.constant 0 : i32
    %c0_i32_1 = arith.constant 0 : i32
    return %c0_i32, %c0_i32_0 : i32, i32
  }
  func.func @transform_6(%arg0: i32) -> (i32, i32) {
    %c0_i32 = arith.constant 0 : i32
    %c0_i32_0 = arith.constant 0 : i32
    return %arg0, %c0_i32 : i32, i32
  }
}

</mosaic_0001>

<sc_bundles>
// kernel: kernel.4.cloned.1.call-start
scs
__scs_entry_jumppad:
0x0: {  	(pc) =	sbr.rel $0x88, $3  }
0x1: {  	(tag) =	ssettag $0x0;
	lr =	simm.s32 $0x1  }
0x2: {  	[smem:$0x3F99] =	sst lr;
	_ =	strace $0xD0000000  }
0x3: {  	_ = 	snop  }
0x4: {  	_ = 	snop  }
0x5: {  	_ = 	snop  }
0x6: {  	_ = 	snop  }
0x7: {  	_ = 	snop  }
__scs_overlays_trampoline_lowered:
0x8: {  	[smem:$0x3FA8] =	sst s0  }
0x9: {  	[smem:$0x3FA9] =	sst s1  }
0xa: {  	[smem:$0x3FAA] =	sst s2  }
0xb: {  	[smem:$0x3FAB] =	sst s3  }
0xc: {  	[smem:$0x3FAC] =	sst s4  }
0xd: {  	[smem:$0x3FAD] =	sst s5  }
0xe: {  	[smem:$0x3FAE] =	sst s6  }
0xf: {  	[smem:$0x3FAF] =	sst s7  }
0x10: {  	[smem:$0x3FB0] =	sst s8  }
0x11: {  	[smem:$0x3FB1] =	sst s9;
	s0 =	simm.s32 @!p0 $0x0  }
0x12: {  	s1 =	sld [smem:$0x3F97];
	s0 =	simm.s32 @p0 $0x1  }
0x13: {  	[smem:$0x3FB2] =	sst s0;
	s0 =	simm.s32 @!p1 $0x0  }
0x14: {  	s2 =	sld [smem:$0x3F96];
	s0 =	simm.s32 @p1 $0x1  }
0x15: {  	[smem:$0x3FB3] =	sst s0;
	s0 =	simm.s32 @!p2 $0x0  }
0x16: {  	s3 =	sld [smem:$0x3FDB];
	s0 =	simm.s32 @p2 $0x1  }
0x17: {  	s4 =	simm.s32 $0x1BF5;
	[smem:$0x3FB5] =	sst s0  }
0x18: {  	s0 =	sld [smem:$0x3F98];
	_ =	swait.ge [sflag:s4], $0x0  }
0x19: {  	s7 =	sld [smem:$0x3F99]  }
0x1a: {  	s8 =	sadd.s32 $0xFFFFE003, lr  }
0x1b: {  	s9 =	sadd.s32 $0xFFFFFEF7, lr;
	s5 =	simm.s32 $0xFFFFFFFF;
	p2 =	slt.u32 s8, $0xFFFFF086  }
0x1c: {  	p1 =	slt.u32 s9, $0xF7A;
	s5 =	simm.s32 @!p2 $0x0  }
0x1d: {  	s5 =	simm.s32 @p1 $0x1;
	p0 =	seq.s32 s7, s2  }
0x1e: {  	s7 =	smul.u32 @!p0 $0xF7A, s2;
	p2 =	seq.s32 @!p0 s5, $0x0  }
0x1f: {  	s9 =	smul.u32 $0xF7A, s1;
	s8 =	simm.s32 @!p0 $0x1BF5;
	p2 =	por !p2, p0  }
0x20: {  	[sflag:s8] =	ssyncset.s32 @!p0 $0xFFFFF086;
	s6 =	sadd.s32 @!p0 s3, s7;
	s7 =	simm.s32 @!p0 $0x108  }
0x21: {  	s3 =	sadd.s32 s3, s9;
	s6 =	sadd.s32 @!p0 $0x88, s6;
	s7 =	simm.s32 @p2 $0x1082  }
0x22: {  	[simem:s7], [sflag:s8] =	dma.local @!p0 [hbm:s6], $0xF7A  }
0x23: {  	s9 =	sor.u32 $0xD0000000, s2;
	s6 =	simm.s32 $0x108;
	_ =	swait.ge @!p0 [sflag:s8], $0x0  }
0x24: {  	s3 =	sadd.s32 $0x88, s3;
	s6 =	simm.s32 @!p1 $0x1082;
	[sflag:s4] =	ssyncset.s32 $0xFFFFF086  }
0x25: {  	[simem:s6], [sflag:s4] =	dma.local [hbm:s3], $0xF7A  }
0x26: {  	[smem:$0x3F99] =	sst s1;
	(tag) =	ssettag s2;
	_ =	strace s9  }
0x27: {  	s1 =	sld [smem:$0x3FA9]  }
0x28: {  	s2 =	sld [smem:$0x3FAA]  }
0x29: {  	s4 =	sld [smem:$0x3FAC]  }
0x2a: {  	p0 =	seq.s32 s5, $0x0;
	s5 =	sld [smem:$0x3FAD]  }
0x2b: {  	s6 =	sld [smem:$0x3FAE]  }
0x2c: {  	s7 =	sld [smem:$0x3FAF]  }
0x2d: {  	s3 =	simm.s32 $0x108;
	s8 =	sld [smem:$0x3FB0]  }
0x2e: {  	s3 =	simm.s32 @!p0 $0x1082;
	s9 =	sld [smem:$0x3FB1]  }
0x2f: {  	lr =	sadd.s32 s0, s3;
	s0 =	sld [smem:$0x3FA8]  }
0x30: {  	s3 =	sld [smem:$0x3FAB]  }
0x31: {  	[smem:$0x3FB4] =	sst s10  }
0x32: {  	s10 =	sld [smem:$0x3FB2];
	_ =	sdelay $0x3  }
0x33: {  	p0 =	seq.s32 s10, $0x1;
	s10 =	sld [smem:$0x3FB4];
	_ =	sdelay $0x3  }
0x34: {  	[smem:$0x3FB4] =	sst s10  }
0x35: {  	s10 =	sld [smem:$0x3FB3];
	_ =	sdelay $0x3  }
0x36: {  	p1 =	seq.s32 s10, $0x1;
	s10 =	sld [smem:$0x3FB4];
	_ =	sdelay $0x3  }
0x37: {  	[smem:$0x3FB4] =	sst s10  }
0x38: {  	s10 =	sld [smem:$0x3FB5]  }
0x39: {  	_ = 	snop;
	(pc) =	sbr.ind lr, $3  }
0x3a: {  	_ = 	snop  }
0x3b: {  	_ = 	snop  }
0x3c: {  	p2 =	seq.s32 s10, $0x1;
	s10 =	sld [smem:$0x3FB4]  }
0x3d: {  	_ =	shalt  }
0x3e: {  	_ =	shalt  }
0x3f: {  	_ =	shalt  }
0x40: {  	_ =	shalt  }
0x41: {  	_ =	shalt  }
0x42: {  	_ =	shalt  }
0x43: {  	_ =	shalt  }
0x44: {  	_ =	shalt  }
0x45: {  	_ =	shalt  }
0x46: {  	_ =	shalt  }
0x47: {  	_ =	shalt  }
0x48: {  	_ =	shalt  }
0x49: {  	_ =	shalt  }
0x4a: {  	_ =	shalt  }
0x4b: {  	_ =	shalt  }
0x4c: {  	_ =	shalt  }
0x4d: {  	_ =	shalt  }
0x4e: {  	_ =	shalt  }
0x4f: {  	_ =	shalt  }
0x50: {  	_ =	shalt  }
0x51: {  	_ =	shalt  }
0x52: {  	_ =	shalt  }
0x53: {  	_ =	shalt  }
0x54: {  	_ =	shalt  }
0x55: {  	_ =	shalt  }
0x56: {  	_ =	shalt  }
0x57: {  	_ =	shalt  }
0x58: {  	_ =	shalt  }
0x59: {  	_ =	shalt  }
0x5a: {  	_ =	shalt  }
0x5b: {  	_ =	shalt  }
0x5c: {  	_ =	shalt  }
0x5d: {  	_ =	shalt  }
0x5e: {  	_ =	shalt  }
0x5f: {  	_ =	shalt  }
0x60: {  	_ =	shalt  }
0x61: {  	_ =	shalt  }
0x62: {  	_ =	shalt  }
0x63: {  	_ =	shalt  }
0x64: {  	_ =	shalt  }
0x65: {  	_ =	shalt  }
0x66: {  	_ =	shalt  }
0x67: {  	_ =	shalt  }
0x68: {  	_ =	shalt  }
0x69: {  	_ =	shalt  }
0x6a: {  	_ =	shalt  }
0x6b: {  	_ =	shalt  }
0x6c: {  	_ =	shalt  }
0x6d: {  	_ =	shalt  }
0x6e: {  	_ =	shalt  }
0x6f: {  	_ =	shalt  }
0x70: {  	_ =	shalt  }
0x71: {  	_ =	shalt  }
0x72: {  	_ =	shalt  }
0x73: {  	_ =	shalt  }
0x74: {  	_ =	shalt  }
0x75: {  	_ =	shalt  }
0x76: {  	_ =	shalt  }
0x77: {  	_ =	shalt  }
0x78: {  	_ =	shalt  }
0x79: {  	_ =	shalt  }
0x7a: {  	_ =	shalt  }
0x7b: {  	_ =	shalt  }
0x7c: {  	_ =	shalt  }
0x7d: {  	_ =	shalt  }
0x7e: {  	_ =	shalt  }
0x7f: {  	_ =	shalt  }
0x80: {  	_ =	shalt  }
0x81: {  	_ =	shalt  }
0x82: {  	_ =	shalt  }
0x83: {  	_ =	shalt  }
0x84: {  	_ =	shalt  }
0x85: {  	_ =	shalt  }
0x86: {  	_ =	shalt  }
0x87: {  	_ =	shalt  }
.Lfunc_end0:
.L_simem_size_0:
called_computation_lowered:
.L_overlay_start_0:
0x88: {  	s2 =	sld [smem:$0x3FD9]  }
0x89: {  	s3 =	sld [smem:$0x3FFE];
	_ =	sdelay $0x1  }
0x8a: {  	s1 =	srdreg.scid  }
0x8b: {  	s0 =	sand.u32 $0x1, s1  }
0x8c: {  	s16 =	sshll.u32 s0, $0xA;
	s2 =	sadd.s32 s3, s2  }
0x8d: {  	s2 =	sadd.s32 s2, s16  }
0x8e: {  	[smem:$0x3FC0] =	sst s2  }
0x8f: {  	_ = 	snop  }
0x90: {  	(tm) =	ssettm $0x1  }
0x91: {  	s17 =	sld [smem:$0x3FFB];
	_ =	sdelay $0x3  }
0x92: {  	_ =	strace s17  }
0x93: {  	s2 =	sld [smem:$0x3FFC];
	_ =	sdelay $0x3  }
0x94: {  	_ =	strace s2  }
0x95: {  	s2 =	sld [smem:$0x3FFD];
	_ =	sdelay $0x3  }
0x96: {  	_ =	strace s2  }
0x97: {  	_ =	strace $0x8FFFFFFF  }
0x98: {  	s18 =	sld [smem:$0x3FDB];
	_ =	sdelay $0x1  }
0x99: {  	s19 =	simm.s32 $_scs_section_size  }
0x9a: {  	s4 =	simm.s32 $_size__tile_overlayer_lowered;
	s5 =	simm.s32 $_tile_overlayer_lowered  }
0x9b: {  	s22 =	simm.s32 $0x1BFF;
	s21 =	sshll.u32 s5, $0x1;
	s2 =	sadd.s32 s19, s18  }
0x9c: {  	s6 =	simm.s32 $0x0;
	s20 =	sshll.u32 s4, $0x1;
	s4 =	sadd.s32 s21, s2  }
0x9d: {  	[timem:s6], [sflag:s22] =	dma.local [hbm:s4], s20  }
0x9e: {  	_ =	swait.ge [sflag:s22], s20  }
0x9f: {  	s3 =	ssub.s32 $0x0, s20;
	[sflag:s22] =	ssyncset.done $0x0  }
0xa0: {  	[sflag:s22] =	ssyncadd.s32 s3;
	_ =	sdelay $0x1  }
0xa1: {  	s23 =	simm.s32 $0x1B8B  }
0xa2: {  	_ =	swait.ge [sflag:s23], $0x1  }
0xa3: {  	[sflag:s23] =	ssyncset.done $0x0  }
0xa4: {  	s25 =	simm.s32 $0x1B8E;
	s24 =	sld [smem:$0x3FFE];
	[sflag:s23] =	ssyncadd.s32 $0xFFFFFFFF  }
0xa5: {  	s26 =	simm.s32 $execute0_lowered;
	[smem:$0x3FD2] =	sst s25  }
0xa6: {  	s4 =	sshll.u32 s26, $0x1;
	_ =	strace $0x80000046;
	[dreg:$0x1] =	wrdreg $0xFFFFFFFF  }
0xa7: {  	s28 =	simm.s32 $_size_execute0_lowered;
	s2 =	sadd.s32 s2, s4;
	[dreg:$0x0] =	wrdreg $0x0  }
0xa8: {  	s4 =	sshll.u32 s28, $0x1;
	[dreg:$0x2] =	wrdreg s2  }
0xa9: {  	[dreg:$0x3] =	wrdreg s4  }
0xaa: {  	[dreg:$0x4] =	wrdreg $0xC0  }
0xab: {  	_ =	task [dreg:s6], $0x5FFFF  }
0xac: {  	[dreg:$0x1] =	wrdreg $0xFFFFFFFF  }
0xad: {  	[dreg:$0x0] =	wrdreg $0x60  }
0xae: {  	[dreg:$0x2] =	wrdreg s24  }
0xaf: {  	[dreg:$0x3] =	wrdreg $0x51000  }
0xb0: {  	[dreg:$0x4] =	wrdreg $0x9  }
0xb1: {  	_ =	task.clear_ibuf [dreg:s6], $0x5FFFF;
	_ =	strace $0x90000046  }
0xb2: {  	s29 =	simm.s32 $0x9;
	_ =	strace $0x80000048  }
0xb3: {  	_ =	swait.ge [sflag:s29], $0x1  }
0xb4: {  	[sflag:s29] =	ssyncadd.s32 $0xFFFFFFFF  }
0xb5: {  	_ =	strace $0x90000048  }
0xb6: {  	_ =	sfence  }
0xb7: {  	s30 =	sld [smem:$0x0];
	_ =	sdelay $0x2  }
0xb8: {  	s31 =	sshll.u32 s1, $0xD;
	s1 =	sshrl.u32 s1, $0x2  }
0xb9: {  	s3 =	sand.u32 $0x4000, s31;
	s1 =	sadd.s32 s1, s30  }
0xba: {  	s0 =	sor.u32 s3, s0;
	s1 =	sshll.u32 s1, $0x11  }
0xbb: {  	s0 =	sor.u32 s1, s0  }
0xbc: {  	s0 =	sadd.s32 $0x8F2B, s0  }
0xbd: {  	[sflag:s0] =	ssyncadd.remote.s32 $0x1  }
0xbe: {  	_ =	sfence.sel $0xFFFF  }
0xbf: {  	[dreg:$0x0] =	wrdreg $0xFFFFFFFF;
	(pc) =	sbr.abs _section_cstart, $3  }
0xc0: {  	[dreg:$0x1] =	wrdreg $0xFFFFFFFF  }
0xc1: {  	_ =	task.clear_ibuf [dreg:s6], $0x2FFFF;
	_ =	strace $0x9FFFFFFF  }
0xc2: {  	(tm) =	ssettm $0x7FFFFFFF  }
0xc3: {  	_ =	shalt  }
tec
execute0_lowered:
.L_overlay_start_1:
0x0: {  	(tag) =	ssettag $0x1  }
0x1: {  	s8 =	stileid.u32  }
0x2: {  	s5 =	smul.u32 $0xF000, s8  }
0x3: {  	s0 =	rddreg [dreg:$0x0];
	s4 =	sshll.u32 s8, $0x1;
	s8 =	smul.u32 $0x3C000, s8  }
0x4: {  	s2 =	rddreg [dreg:$0x1];
	s3 =	simm.s32 $0x0  }
0x5: {  	s1 =	srdreg.scid;
	s30 =	simm.s32 $0x5;
	s8 =	sshrl.u32 s8, $0x2  }
0x6: {  	s31 =	simm.s32 $0x2C00;
	s1 =	sand.u32 $0x1, s1;
	s10 =	sadd.s32 s8, s2  }
0x7: {  	[smem:$0x7FF] =	sst s3;
	s4 =	sor.u32 s1, s4;
	s11 =	sadd.s32 $0xC00, s10  }
0x8: {  	_ =	strace $0x80000047;
	s12 =	sadd.s32 $0x1800, s10;
	[dreg:$0x5] =	wrdreg s11  }
0x9: {  	s6 =	smul.u32 $0xF0000, s1;
	s13 =	sadd.s32 $0x2400, s10;
	[dreg:$0x6] =	wrdreg s12  }
0xa: {  	s1 =	ssub.s32 $0x2, s1;
	s14 =	sadd.s32 $0x3000, s10;
	[dreg:$0x7] =	wrdreg s13  }
0xb: {  	s7 =	smul.u32 $0x280, s4;
	s15 =	sadd.s32 $0x3C00, s10;
	[dreg:$0x8] =	wrdreg s14  }
0xc: {  	s4 =	sadd.s32 $0xB000, s0;
	s16 =	sadd.s32 $0x4800, s10;
	[dreg:$0x9] =	wrdreg s15  }
0xd: {  	s26 =	sshrl.u32 s1, $0x1;
	s17 =	sadd.s32 $0x5400, s10;
	[dreg:$0xa] =	wrdreg s16  }
0xe: {  	s6 =	sadd.s32 s5, s6;
	s18 =	sadd.s32 $0x6000, s10;
	[dreg:$0xb] =	wrdreg s17  }
0xf: {  	s1 =	ssub.s32 s1, s26;
	s19 =	sadd.s32 $0x6C00, s10;
	[dreg:$0xc] =	wrdreg s18  }
0x10: {  	s8 =	simm.s32 $0x3400;
	s20 =	sadd.s32 $0x7800, s10;
	[dreg:$0xd] =	wrdreg s19  }
0x11: {  	s7 =	sadd.s32 s7, s0;
	s21 =	sadd.s32 $0x8400, s10;
	[dreg:$0xe] =	wrdreg s20  }
0x12: {  	s6 =	sshrl.u32 s6, $0x3;
	s22 =	sadd.s32 $0x9000, s10;
	[dreg:$0xf] =	wrdreg s21  }
0x13: {  	s23 =	sadd.s32 $0x9C00, s10;
	s24 =	sadd.s32 $0xA800, s10;
	[dreg:$0x10] =	wrdreg s22  }
0x14: {  	s25 =	sadd.s32 $0xB400, s10;
	s26 =	sadd.s32 $0xC000, s10;
	[dreg:$0x11] =	wrdreg s23  }
0x15: {  	s29 =	smax.u32 s1, $0x1;
	s1 =	simm.s32 $0x80;
	[dreg:$0x12] =	wrdreg s24  }
0x16: {  	s0 =	sadd.s32 s6, s0;
	s9 =	sadd.s32 $0x6000, s7;
	[dreg:$0x13] =	wrdreg s25  }
0x17: {  	s7 =	sadd.s32 $0x1000, s7;
	[dreg:$0x14] =	wrdreg s26;
	s24 =	sadd.s32 $0xCC00, s10  }
0x18: {  	s25 =	sadd.s32 $0xD800, s10;
	s26 =	sadd.s32 $0xE400, s10;
	s20 =	simm.s32 $0x1400  }
0x19: {  	s6 =	simm.s32 $0x3000;
	s10 =	simm.s32 $0x5000;
	s11 =	simm.s32 $0x2  }
0x1a: {  	s12 =	simm.s32 $0x4400;
	s13 =	simm.s32 $0x5080;
	s14 =	simm.s32 $0x3  }
0x1b: {  	s15 =	simm.s32 $0x4;
	s16 =	simm.s32 $0x0;
	[dreg:$0x3] =	wrdreg s9  }
0x1c: {  	v0 =	vlaneseq.u32;
	[dreg:$0x4] =	wrdreg s7;
	s7 =	sadd.s32 s5, s2;
	s28 =	sadd.s32 $0xD800, s0  }
0x1d: {  	v1 =	vimm.f32 $0.0e+00;
	v2 =	vand.u32 $0x7, v0;
	s0 =	simm.s32 $0x3800;
	s5 =	simm.s32 $0x2800;
	s9 =	simm.s32 $0x1  }
.LBB2_1:
0x1e: {  	s17 =	rddreg [dreg:$0x3]  }
0x1f: {  	[tilespmem:s3], [sflag:$0x5] =	stream.linear.gather [hbm4b:s17+s3], $0x1400, $0x38;
	[tilespmem:$0x14100] =	vst v63  }
0x20: {  	_ =	swait.ge [sflag:s30], $0x1400  }
0x21: {  	[sflag:s30] =	ssyncset.done $0x0  }
0x22: {  	s23 =	rddreg [dreg:$0x4];
	[sflag:s30] =	ssyncadd.s32 $0xFFFFEC00  }
0x23: {  	[tilespmem:s20], [sflag:$0x5] =	stream.linear.gather [hbm4b:s23+s3], $0x1400, $0x38;
	[tilespmem:$0x14100] =	vst v63  }
0x24: {  	_ =	swait.ge [sflag:s30], $0x1400  }
0x25: {  	[sflag:s30] =	ssyncset.done $0x0  }
0x26: {  	s17 =	simm.s32 $0x0;
	[sflag:s30] =	ssyncadd.s32 $0xFFFFEC00  }
0x27: {  	s18 =	simm.s32 $0x60;
	[tilespmem:s17+$0x3800] =	vst v1  }
.LBB2_2:
0x28: {  	p0 =	sne.s32 s18, $0x2FA0;
	[tilespmem:s17+$0x3808] =	vst v1;
	s19 =	smov.u32 s18;
	s18 =	sadd.s32 $0x60, s18  }
.Ltmp0:
0x29: {  	[tilespmem:s17+$0x4400] =	vst v1;
	(pc) =	sbr.rel @p0 .LBB2_2-.Ltmp0, $3  }
0x2a: {  	[tilespmem:s17+$0x4408] =	vst v1;
	_ =	sdelay $0x1  }
0x2b: {  	s17 =	sshra.s32 s19, $0x2  }
0x2c: {  	[tilespmem:s17+$0x3800] =	vst v1  }
0x2d: {  	[tilespmem:s17+$0x3808] =	vst v1  }
0x2e: {  	[tilespmem:s17+$0x4400] =	vst v1  }
0x2f: {  	[tilespmem:s17+$0x4408] =	vst v1  }
0x30: {  	[spmem:s7] =	stream.linear.scatter [tilespmem:s0], [sflag:$0x5], $0xC00, $0x38;
	[tilespmem:$0x14100] =	vst v63  }
0x31: {  	_ =	swait.ge [sflag:s30], $0xC00  }
0x32: {  	[sflag:s30] =	ssyncset.done $0x0  }
0x33: {  	s23 =	rddreg [dreg:$0x5];
	[sflag:s30] =	ssyncadd.s32 $0xFFFFF400  }
0x34: {  	[spmem:s23] =	stream.linear.scatter [tilespmem:s0], [sflag:$0x5], $0xC00, $0x38;
	[tilespmem:$0x14100] =	vst v63  }
0x35: {  	_ =	swait.ge [sflag:s30], $0xC00  }
0x36: {  	[sflag:s30] =	ssyncset.done $0x0  }
0x37: {  	s18 =	rddreg [dreg:$0x6];
	[sflag:s30] =	ssyncadd.s32 $0xFFFFF400  }
0x38: {  	[spmem:s18] =	stream.linear.scatter [tilespmem:s0], [sflag:$0x5], $0xC00, $0x38;
	[tilespmem:$0x14100] =	vst v63  }
0x39: {  	_ =	swait.ge [sflag:s30], $0xC00  }
0x3a: {  	[sflag:s30] =	ssyncset.done $0x0  }
0x3b: {  	s19 =	rddreg [dreg:$0x7];
	[sflag:s30] =	ssyncadd.s32 $0xFFFFF400  }
0x3c: {  	[spmem:s19] =	stream.linear.scatter [tilespmem:s0], [sflag:$0x5], $0xC00, $0x38;
	[tilespmem:$0x14100] =	vst v63  }
0x3d: {  	_ =	swait.ge [sflag:s30], $0xC00  }
0x3e: {  	[sflag:s30] =	ssyncset.done $0x0  }
0x3f: {  	s21 =	rddreg [dreg:$0x8];
	[sflag:s30] =	ssyncadd.s32 $0xFFFFF400  }
0x40: {  	[spmem:s21] =	stream.linear.scatter [tilespmem:s0], [sflag:$0x5], $0xC00, $0x38;
	[tilespmem:$0x14100] =	vst v63  }
0x41: {  	_ =	swait.ge [sflag:s30], $0xC00  }
0x42: {  	[sflag:s30] =	ssyncset.done $0x0  }
0x43: {  	s22 =	rddreg [dreg:$0x9];
	[sflag:s30] =	ssyncadd.s32 $0xFFFFF400  }
0x44: {  	[spmem:s22] =	stream.linear.scatter [tilespmem:s0], [sflag:$0x5], $0xC00, $0x38;
	[tilespmem:$0x14100] =	vst v63  }
0x45: {  	_ =	swait.ge [sflag:s30], $0xC00  }
0x46: {  	[sflag:s30] =	ssyncset.done $0x0  }
0x47: {  	s23 =	rddreg [dreg:$0xa];
	[sflag:s30] =	ssyncadd.s32 $0xFFFFF400  }
0x48: {  	[spmem:s23] =	stream.linear.scatter [tilespmem:s0], [sflag:$0x5], $0xC00, $0x38;
	[tilespmem:$0x14100] =	vst v63  }
0x49: {  	_ =	swait.ge [sflag:s30], $0xC00  }
0x4a: {  	[sflag:s30] =	ssyncset.done $0x0  }
0x4b: {  	s18 =	rddreg [dreg:$0xb];
	[sflag:s30] =	ssyncadd.s32 $0xFFFFF400  }
0x4c: {  	[spmem:s18] =	stream.linear.scatter [tilespmem:s0], [sflag:$0x5], $0xC00, $0x38;
	[tilespmem:$0x14100] =	vst v63  }
0x4d: {  	_ =	swait.ge [sflag:s30], $0xC00  }
0x4e: {  	[sflag:s30] =	ssyncset.done $0x0  }
0x4f: {  	s19 =	rddreg [dreg:$0xc];
	[sflag:s30] =	ssyncadd.s32 $0xFFFFF400  }
0x50: {  	[spmem:s19] =	stream.linear.scatter [tilespmem:s0], [sflag:$0x5], $0xC00, $0x38;
	[tilespmem:$0x14100] =	vst v63  }
0x51: {  	_ =	swait.ge [sflag:s30], $0xC00  }
0x52: {  	[sflag:s30] =	ssyncset.done $0x0  }
0x53: {  	s21 =	rddreg [dreg:$0xd];
	[sflag:s30] =	ssyncadd.s32 $0xFFFFF400  }
0x54: {  	[spmem:s21] =	stream.linear.scatter [tilespmem:s0], [sflag:$0x5], $0xC00, $0x38;
	[tilespmem:$0x14100] =	vst v63  }
0x55: {  	_ =	swait.ge [sflag:s30], $0xC00  }
0x56: {  	[sflag:s30] =	ssyncset.done $0x0  }
0x57: {  	s22 =	rddreg [dreg:$0xe];
	[sflag:s30] =	ssyncadd.s32 $0xFFFFF400  }
0x58: {  	[spmem:s22] =	stream.linear.scatter [tilespmem:s0], [sflag:$0x5], $0xC00, $0x38;
	[tilespmem:$0x14100] =	vst v63  }
0x59: {  	_ =	swait.ge [sflag:s30], $0xC00  }
0x5a: {  	[sflag:s30] =	ssyncset.done $0x0  }
0x5b: {  	s23 =	rddreg [dreg:$0xf];
	[sflag:s30] =	ssyncadd.s32 $0xFFFFF400  }
0x5c: {  	[spmem:s23] =	stream.linear.scatter [tilespmem:s0], [sflag:$0x5], $0xC00, $0x38;
	[tilespmem:$0x14100] =	vst v63  }
0x5d: {  	_ =	swait.ge [sflag:s30], $0xC00  }
0x5e: {  	[sflag:s30] =	ssyncset.done $0x0  }
0x5f: {  	s18 =	rddreg [dreg:$0x10];
	[sflag:s30] =	ssyncadd.s32 $0xFFFFF400  }
0x60: {  	[spmem:s18] =	stream.linear.scatter [tilespmem:s0], [sflag:$0x5], $0xC00, $0x38;
	[tilespmem:$0x14100] =	vst v63  }
0x61: {  	_ =	swait.ge [sflag:s30], $0xC00  }
0x62: {  	[sflag:s30] =	ssyncset.done $0x0  }
0x63: {  	s19 =	rddreg [dreg:$0x11];
	[sflag:s30] =	ssyncadd.s32 $0xFFFFF400  }
0x64: {  	[spmem:s19] =	stream.linear.scatter [tilespmem:s0], [sflag:$0x5], $0xC00, $0x38;
	[tilespmem:$0x14100] =	vst v63  }
0x65: {  	_ =	swait.ge [sflag:s30], $0xC00  }
0x66: {  	[sflag:s30] =	ssyncset.done $0x0  }
0x67: {  	s21 =	rddreg [dreg:$0x12];
	[sflag:s30] =	ssyncadd.s32 $0xFFFFF400  }
0x68: {  	[spmem:s21] =	stream.linear.scatter [tilespmem:s0], [sflag:$0x5], $0xC00, $0x38;
	[tilespmem:$0x14100] =	vst v63  }
0x69: {  	_ =	swait.ge [sflag:s30], $0xC00  }
0x6a: {  	[sflag:s30] =	ssyncset.done $0x0  }
0x6b: {  	s22 =	rddreg [dreg:$0x13];
	[sflag:s30] =	ssyncadd.s32 $0xFFFFF400  }
0x6c: {  	[spmem:s22] =	stream.linear.scatter [tilespmem:s0], [sflag:$0x5], $0xC00, $0x38;
	[tilespmem:$0x14100] =	vst v63  }
0x6d: {  	_ =	swait.ge [sflag:s30], $0xC00  }
0x6e: {  	[sflag:s30] =	ssyncset.done $0x0  }
0x6f: {  	s23 =	rddreg [dreg:$0x14];
	[sflag:s30] =	ssyncadd.s32 $0xFFFFF400  }
0x70: {  	[spmem:s23] =	stream.linear.scatter [tilespmem:s0], [sflag:$0x5], $0xC00, $0x38;
	[tilespmem:$0x14100] =	vst v63  }
0x71: {  	_ =	swait.ge [sflag:s30], $0xC00  }
0x72: {  	[sflag:s30] =	ssyncset.done $0x0  }
0x73: {  	[sflag:s30] =	ssyncadd.s32 $0xFFFFF400  }
0x74: {  	[spmem:s24] =	stream.linear.scatter [tilespmem:s0], [sflag:$0x5], $0xC00, $0x38;
	[tilespmem:$0x14100] =	vst v63  }
0x75: {  	_ =	swait.ge [sflag:s30], $0xC00  }
0x76: {  	[sflag:s30] =	ssyncset.done $0x0  }
0x77: {  	[sflag:s30] =	ssyncadd.s32 $0xFFFFF400  }
0x78: {  	[spmem:s25] =	stream.linear.scatter [tilespmem:s0], [sflag:$0x5], $0xC00, $0x38;
	[tilespmem:$0x14100] =	vst v63  }
0x79: {  	_ =	swait.ge [sflag:s30], $0xC00  }
0x7a: {  	[sflag:s30] =	ssyncset.done $0x0  }
0x7b: {  	[sflag:s30] =	ssyncadd.s32 $0xFFFFF400  }
0x7c: {  	[spmem:s26] =	stream.linear.scatter [tilespmem:s0], [sflag:$0x5], $0xC00, $0x38;
	[tilespmem:$0x14100] =	vst v63  }
0x7d: {  	_ =	swait.ge [sflag:s30], $0xC00  }
0x7e: {  	[sflag:s30] =	ssyncset.done $0x0  }
0x7f: {  	[sflag:s30] =	ssyncadd.s32 $0xFFFFF400  }
0x80: {  	s17 =	simm.s32 $0x0;
	[bflag:$0x0] =	sbarrier.arrive $0xFFFF  }
0x81: {  	[tilespmem:s5], [sflag:$0x1] =	stream.indirect.gather [hbm4b:s4+s1], $0x8, s17, s1, $0xb8;
	[tilespmem:$0x14100] =	vst v63  }
0x82: {  	s18 =	simm.s32 $0x0  }
0x83: {  	[tilespmem:s31], [sflag:$0x1] =	stream.indirect.gather [hbm4b:s4+s1], $0x8, s20, s1, $0xb8;
	[tilespmem:$0x14100] =	vst v63  }
.LBB2_4:
0x84: {  	s19 =	sshllo.u32 s18, $0x1  }
0x85: {  	s19 =	sshll.u32 s19, $0x7  }
0x86: {  	[tilespmem:s6], [sflag:$0x2] =	stream.indirect.gather [hbm4b:s4+s1], $0x8, s19, s1, $0xb8;
	[tilespmem:$0x14100] =	vst v63  }
0x87: {  	p0 =	seq.s32 s18, $0x0;
	s20 =	sadd.s32 $0x1400, s19  }
0x88: {  	[tilespmem:s8], [sflag:$0x2] =	stream.indirect.gather [hbm4b:s4+s1], $0x8, s20, s1, $0xb8;
	[tilespmem:$0x14100] =	vst v63  }
0x89: {  	s20 =	simm.s32 @!p0 $0x3  }
0x8a: {  	_ =	swait.ge @!p0 [sflag:s20], $0xC00  }
0x8b: {  	[sflag:s20] =	ssyncset.done @!p0 $0x0  }
0x8c: {  	[sflag:s20] =	ssyncadd.s32 @!p0 $0xFFFFF400  }
0x8d: {  	v7 =	vor.u32 s17, v0;
	_ =	swait.ge [sflag:s9], $0x400  }
0x8e: {  	v9 =	vshll.u32 v7, $0x3;
	[sflag:s9] =	ssyncset.done $0x0  }
0x8f: {  	[sflag:s9] =	ssyncadd.s32 $0xFFFFFC00  }
0x90: {  	v3 =	vor.u32 $0x1, v9;
	_ =	swait.ge [sflag:s9], $0x400  }
0x91: {  	[sflag:s9] =	ssyncset.done $0x0  }
0x92: {  	v4 =	vor.u32 $0x2, v9;
	[sflag:s9] =	ssyncadd.s32 $0xFFFFFC00  }
0x93: {  	v5 =	vld.idx.msk [tilespmem:v9+s5+$0x0], $0xffff  }
0x94: {  	v6 =	vld.idx.msk [tilespmem:v9+s31+$0x0], $0xffff  }
0x95: {  	v8 =	vld.idx.msk [tilespmem:v3+s5+$0x0], $0xffff  }
0x96: {  	v3 =	vld.idx.msk [tilespmem:v3+s31+$0x0], $0xffff  }
0x97: {  	v10 =	vld.idx.msk [tilespmem:v4+s31+$0x0], $0xffff  }
0x98: {  	v4 =	vld.idx.msk [tilespmem:v4+s5+$0x0], $0xffff;
	_ =	sdelay $0x2  }
0x99: {  	v12 =	vsub.f32 v6, v5;
	v13 =	vsub.f32 v3, v8;
	_ =	sdelay $0x1  }
0x9a: {  	v14 =	vsub.f32 v10, v4;
	v3 =	vmul.f32 v12, v12;
	v4 =	vmul.f32 v13, v13;
	_ =	sdelay $0x1  }
0x9b: {  	v5 =	vmul.f32 v14, v14;
	v4 =	vadd.f32 v4, v3  }
0x9c: {  	s23 =	sshll.u32 s18, $0x1;
	s21 =	simm.s32 $0x10  }
0x9d: {  	v11 =	vand.u32 $0x78, v7;
	s20 =	sshll.u32 s23, $0x7;
	v6 =	vor.u32 s21, v0;
	v4 =	vadd.f32 v5, v4  }
0x9e: {  	v8 =	vand.u32 $0x78, v6;
	v10 =	vshll.u32 v6, $0x3;
	v3 =	vor.u32 s20, v2  }
0x9f: {  	s22 =	simm.s32 $0x20;
	s21 =	simm.s32 $0x5000;
	s20 =	simm.s32 $0x5000;
	v5 =	vor.u32 $0x1, v10;
	v15 =	vadd.f32 $9.999999960e-13, v4;
	v4 =	vor.u32 $0x2, v10  }
.LBB2_5:
0xa0: {  	p0 =	sne.s32 s22, $0x70  }
0xa1: {  	v16 =	vshra.s32 v15, $0x1;
	v17 =	vmul.f32 $5.000000000e-01, v15;
	s20 =	sadd.s32 $0x10, s20;
	s23 =	smov.u32 s22;
	s22 =	sadd.s32 $0x10, s22  }
0xa2: {  	v16 =	vsub.s32 $0x5F3759DF, v16  }
0xa3: {  	v18 =	vmul.f32 v16, v17;
	_ =	sdelay $0x1  }
0xa4: {  	v18 =	vmul.f32 v16, v18;
	_ =	sdelay $0x1  }
0xa5: {  	v18 =	vsub.f32 $1.500000000e+00, v18;
	_ =	sdelay $0x1  }
0xa6: {  	v16 =	vmul.f32 v16, v18;
	_ =	sdelay $0x1  }
0xa7: {  	v18 =	vmul.f32 v16, v17;
	_ =	sdelay $0x1  }
0xa8: {  	v18 =	vmul.f32 v18, v16;
	_ =	sdelay $0x1  }
0xa9: {  	v18 =	vsub.f32 $1.500000000e+00, v18;
	_ =	sdelay $0x1  }
0xaa: {  	v16 =	vmul.f32 v18, v16;
	_ =	sdelay $0x1  }
0xab: {  	v17 =	vmul.f32 v16, v17;
	_ =	sdelay $0x1  }
0xac: {  	v17 =	vmul.f32 v17, v16;
	_ =	sdelay $0x1  }
0xad: {  	v17 =	vsub.f32 $1.500000000e+00, v17;
	_ =	sdelay $0x1  }
0xae: {  	v16 =	vmul.f32 v17, v16;
	_ =	sdelay $0x1  }
0xaf: {  	v15 =	vmul.f32 v16, v15;
	v17 =	vmul.f32 v16, v13  }
0xb0: {  	v12 =	vmul.f32 v16, v12;
	v16 =	vmul.f32 v16, v14  }
0xb1: {  	v13 =	vmul.f32 $2.000000030e-01, v15;
	v14 =	vadd.f32 $-1.666666630e+00, v15;
	v18 =	vadd.f32 $-3.333333250e+00, v15  }
0xb2: {  	v19 =	vmul.f32 v15, v15;
	v20 =	vadd.f32 $-2.500000000e+00, v15;
	v15 =	vadd.f32 $-5.000000000e+00, v15  }
0xb3: {  	v13 =	vmin.f32 v13, $1.000000000e+00;
	v14 =	vmul.f32 v14, v14;
	v18 =	vmul.f32 v18, v18  }
0xb4: {  	v15 =	vmul.f32 v15, v15;
	v21 =	vadd.f32 $-5.000000000e-01, v13;
	v13 =	vsub.f32 $0.0e+00, v19  }
0xb5: {  	v19 =	vmul.f32 v20, v20;
	v14 =	vsub.f32 $0.0e+00, v14;
	v18 =	vsub.f32 $0.0e+00, v18  }
0xb6: {  	v20 =	vmul.f32 v21, v21;
	v22 =	vmul.f32 $1.442695020e+00, v13;
	v13 =	vsub.f32 $0.0e+00, v15  }
0xb7: {  	v15 =	vmul.f32 $1.442695020e+00, v14;
	v18 =	vmul.f32 $1.442695020e+00, v18;
	v14 =	vsub.f32 $0.0e+00, v19  }
0xb8: {  	v19 =	vmul.f32 $-7.370430980e-03, v20;
	v23 =	vmul.f32 $1.442695020e+00, v13  }
0xb9: {  	v13 =	vmul.f32 $3.000000000e+00, v16;
	v24 =	vmul.f32 $1.442695020e+00, v14  }
0xba: {  	v25 =	vmul.f32 v16, v17;
	v14 =	vadd.f32 $8.214588460e-02, v19;
	v19 =	vmul.f32 v17, v12  }
0xbb: {  	v26 =	vmul.f32 v13, v16;
	v13 =	vmul.f32 v16, v12  }
0xbc: {  	v27 =	vmul.f32 v12, v12;
	v14 =	vmul.f32 v14, v20  }
0xbd: {  	v28 =	vmul.f32 v17, v17;
	v26 =	vadd.f32 $-1.000000000e+00, v26  }
0xbe: {  	v29 =	vadd.f32 $-5.992645030e-01, v14  }
0xbf: {  	v14 =	vsub.f32 v27, v28  }
0xc0: {  	v27 =	vmul.f32 v29, v20;
	_ =	sdelay $0x1  }
0xc1: {  	v27 =	vadd.f32 $2.550163980e+00, v27;
	_ =	sdelay $0x1  }
0xc2: {  	v27 =	vmul.f32 v27, v20;
	_ =	sdelay $0x1  }
0xc3: {  	v27 =	vadd.f32 $-5.167712690e+00, v27;
	(erf) = vpow2.f32 v23  }
0xc4: {  	(erf) = vpow2.f32 v22  }
0xc5: {  	v20 =	vmul.f32 v27, v20;
	(erf) = vpow2.f32 v15  }
0xc6: {  	(erf) = vpow2.f32 v18  }
0xc7: {  	v15 =	vadd.f32 $3.141592740e+00, v20;
	(erf) = vpow2.f32 v24;
	_ =	sdelay $0x1  }
0xc8: {  	v15 =	vmul.f32 v15, v21;
	_ =	sdelay $0x1  }
0xc9: {  	v15 =	vmul.f32 $5.000000000e-01, v15  }
0xca: {  	v18 =	vor.u32 $0x3, v9;
	v9 =	vmov v10;
	v20 =	vpop (erf)  }
0xcb: {  	v10 =	vor.u32 v11, v3;
	v21 =	vmul.u32 $0x18, v7;
	v15 =	vsub.f32 $5.000000000e-01, v15;
	v22 =	vpop (erf)  }
0xcc: {  	v11 =	vmov v8;
	v7 =	vmov v6;
	v23 =	vpop (erf)  }
0xcd: {  	v6 =	vmul.f32 v15, v22;
	v8 =	vmul.f32 v15, v23;
	v22 =	vor.u32 $0x1, v21;
	v23 =	vpop (erf)  }
0xce: {  	v24 =	vor.u32 $0x2, v21;
	v20 =	vmul.f32 v15, v20;
	v23 =	vmul.f32 v15, v23;
	v27 =	vpop (erf)  }
0xcf: {  	v28 =	vor.u32 $0x3, v21;
	v18 =	vld.idx.msk [tilespmem:v18+s31+$0x0], $0xffff;
	v15 =	vmul.f32 v15, v27;
	v27 =	vmul.f32 $2.820947950e-02, v6  }
0xd0: {  	v29 =	vor.u32 $0x4, v21;
	v8 =	vmul.f32 $2.820947950e-02, v8;
	v10 =	vld.idx.msk [tilespmem:v10+s3+$0x0], $0xffff  }
0xd1: {  	v17 =	vmul.f32 $4.886025190e-02, v17;
	v23 =	vmul.f32 $2.820947950e-02, v23;
	[tilespmem:v21+s0+$0x0] =	vst.idx.msk $0xffff, v27;
	v27 =	vor.u32 $0x5, v21  }
0xd2: {  	v30 =	vmul.f32 $2.820947950e-02, v20;
	[tilespmem:v22+s0+$0x0] =	vst.idx.msk $0xffff, v8;
	v8 =	vor.u32 $0x6, v21  }
0xd3: {  	v22 =	vmul.f32 v6, v17;
	[tilespmem:v24+s0+$0x0] =	vst.idx.msk $0xffff, v23;
	v23 =	vor.u32 $0x7, v21  }
0xd4: {  	v16 =	vmul.f32 $4.886025190e-02, v16;
	v24 =	vmul.f32 v15, v17;
	[tilespmem:v28+s0+$0x0] =	vst.idx.msk $0xffff, v30;
	v28 =	vadd.s32 $0x8, v21  }
0xd5: {  	v17 =	vmul.f32 v20, v17;
	v18 =	vtrunc.f32 v18;
	[tilespmem:v29+s0+$0x0] =	vst.idx.msk $0xffff, v22;
	v22 =	vadd.s32 $0x9, v21  }
0xd6: {  	v29 =	vmul.f32 v6, v16;
	v18 =	vcvt.f32.s32 v18;
	[tilespmem:v27+s0+$0x0] =	vst.idx.msk $0xffff, v24;
	v24 =	vadd.s32 $0xA, v21  }
0xd7: {  	v12 =	vmul.f32 $4.886025190e-02, v12;
	v27 =	vmul.f32 v15, v16;
	[tilespmem:v8+s0+$0x0] =	vst.idx.msk $0xffff, v17;
	v8 =	vadd.s32 $0xB, v21  }
0xd8: {  	v16 =	vmul.f32 v20, v16;
	v17 =	vadd.s32 $0xC, v21;
	[tilespmem:v23+s0+$0x0] =	vst.idx.msk $0xffff, v29  }
0xd9: {  	v23 =	vmul.f32 v6, v12;
	[tilespmem:v28+s0+$0x0] =	vst.idx.msk $0xffff, v27;
	v27 =	vadd.s32 $0xD, v21  }
0xda: {  	v19 =	vmul.f32 $1.092548440e-01, v19;
	v15 =	vmul.f32 v15, v12;
	[tilespmem:v22+s0+$0x0] =	vst.idx.msk $0xffff, v16;
	v16 =	vadd.s32 $0xE, v21  }
0xdb: {  	v12 =	vmul.f32 v20, v12;
	v22 =	vadd.s32 $0xF, v21;
	[tilespmem:v24+s0+$0x0] =	vst.idx.msk $0xffff, v23  }
0xdc: {  	v23 =	vmul.f32 $1.092548440e-01, v25;
	v24 =	vmul.f32 v6, v19;
	[tilespmem:v8+s0+$0x0] =	vst.idx.msk $0xffff, v15;
	v8 =	vadd.s32 $0x10, v21  }
0xdd: {  	v15 =	vmul.f32 v20, v19;
	[tilespmem:v17+s0+$0x0] =	vst.idx.msk $0xffff, v12;
	v12 =	vadd.s32 $0x11, v21  }
0xde: {  	v17 =	vmul.f32 $3.153915700e-02, v26;
	v19 =	vmul.f32 v6, v23;
	[tilespmem:v27+s0+$0x0] =	vst.idx.msk $0xffff, v24;
	v24 =	vadd.s32 $0x12, v21  }
0xdf: {  	v23 =	vmul.f32 v20, v23;
	[tilespmem:v16+s0+$0x0] =	vst.idx.msk $0xffff, v15;
	v15 =	vadd.s32 $0x13, v21  }
0xe0: {  	v13 =	vmul.f32 $1.092548440e-01, v13;
	v16 =	vmul.f32 v6, v17;
	[tilespmem:v22+s0+$0x0] =	vst.idx.msk $0xffff, v19;
	v19 =	vadd.s32 $0x14, v21  }
0xe1: {  	v17 =	vmul.f32 v20, v17;
	[tilespmem:v8+s0+$0x0] =	vst.idx.msk $0xffff, v23;
	v8 =	vadd.s32 $0x15, v21  }
0xe2: {  	v14 =	vmul.f32 $5.462742220e-02, v14;
	v22 =	vmul.f32 v6, v13;
	[tilespmem:v12+s0+$0x0] =	vst.idx.msk $0xffff, v16;
	v12 =	vadd.s32 $0x16, v21  }
0xe3: {  	v13 =	vmul.f32 v20, v13;
	[tilespmem:v24+s0+$0x0] =	vst.idx.msk $0xffff, v17  }
0xe4: {  	v6 =	vmul.f32 v6, v14;
	[tilespmem:v15+s0+$0x0] =	vst.idx.msk $0xffff, v22  }
0xe5: {  	v14 =	vmul.f32 v20, v14;
	[tilespmem:v19+s0+$0x0] =	vst.idx.msk $0xffff, v13  }
0xe6: {  	[tilespmem:v8+s0+$0x0] =	vst.idx.msk $0xffff, v6;
	v6 =	vshll.u32 v10, $0x2  }
0xe7: {  	[tilespmem:v12+s0+$0x0] =	vst.idx.msk $0xffff, v14;
	v6 =	vadd.s32 v18, v6  }
0xe8: {  	[tilespmem:s21+$0x0] =	vst v6;
	s21 =	smov.u32 s20  }
0xe9: {  	v6 =	vld.idx.msk [tilespmem:v9+s5+$0x0], $0xffff  }
0xea: {  	v8 =	vld.idx.msk [tilespmem:v9+s31+$0x0], $0xffff  }
0xeb: {  	v10 =	vld.idx.msk [tilespmem:v5+s5+$0x0], $0xffff  }
0xec: {  	v5 =	vld.idx.msk [tilespmem:v5+s31+$0x0], $0xffff  }
0xed: {  	v14 =	vld.idx.msk [tilespmem:v4+s31+$0x0], $0xffff  }
0xee: {  	v4 =	vld.idx.msk [tilespmem:v4+s5+$0x0], $0xffff;
	_ =	sdelay $0x1  }
0xef: {  	v12 =	vsub.f32 v8, v6;
	_ =	sdelay $0x1  }
0xf0: {  	v13 =	vsub.f32 v5, v10;
	_ =	sdelay $0x1  }
0xf1: {  	v14 =	vsub.f32 v14, v4;
	v4 =	vmul.f32 v12, v12;
	v5 =	vmul.f32 v13, v13;
	_ =	sdelay $0x1  }
0xf2: {  	v4 =	vadd.f32 v5, v4;
	v5 =	vmul.f32 v14, v14  }
.Ltmp1:
0xf3: {  	(pc) =	sbr.rel @p0 .LBB2_5-.Ltmp1, $4  }
0xf4: {  	v4 =	vadd.f32 v5, v4  }
0xf5: {  	v6 =	vor.u32 s23, v0  }
0xf6: {  	v8 =	vand.u32 $0x78, v6;
	v10 =	vshll.u32 v6, $0x3;
	v15 =	vadd.f32 $9.999999960e-13, v4  }
0xf7: {  	v5 =	vor.u32 $0x1, v10;
	v4 =	vor.u32 $0x2, v10  }
0xf8: {  	v16 =	vshra.s32 v15, $0x1;
	v17 =	vmul.f32 $5.000000000e-01, v15  }
0xf9: {  	v16 =	vsub.s32 $0x5F3759DF, v16  }
0xfa: {  	v18 =	vmul.f32 v16, v17;
	_ =	sdelay $0x1  }
0xfb: {  	v18 =	vmul.f32 v16, v18;
	_ =	sdelay $0x1  }
0xfc: {  	v18 =	vsub.f32 $1.500000000e+00, v18;
	_ =	sdelay $0x1  }
0xfd: {  	v16 =	vmul.f32 v16, v18;
	_ =	sdelay $0x1  }
0xfe: {  	v18 =	vmul.f32 v16, v17;
	_ =	sdelay $0x1  }
0xff: {  	v18 =	vmul.f32 v18, v16;
	_ =	sdelay $0x1  }
0x100: {  	v18 =	vsub.f32 $1.500000000e+00, v18;
	_ =	sdelay $0x1  }
0x101: {  	v16 =	vmul.f32 v18, v16;
	_ =	sdelay $0x1  }
0x102: {  	v17 =	vmul.f32 v16, v17;
	_ =	sdelay $0x1  }
0x103: {  	v17 =	vmul.f32 v17, v16;
	_ =	sdelay $0x1  }
0x104: {  	v17 =	vsub.f32 $1.500000000e+00, v17;
	_ =	sdelay $0x1  }
0x105: {  	v16 =	vmul.f32 v17, v16;
	_ =	sdelay $0x1  }
0x106: {  	v15 =	vmul.f32 v16, v15;
	_ =	sdelay $0x1  }
0x107: {  	v17 =	vmul.f32 $2.000000030e-01, v15;
	_ =	sdelay $0x1  }
0x108: {  	v17 =	vmin.f32 v17, $1.000000000e+00  }
0x109: {  	v17 =	vadd.f32 $-5.000000000e-01, v17;
	_ =	sdelay $0x1  }
0x10a: {  	v46 =	vmul.f32 v17, v17;
	_ =	sdelay $0x1  }
0x10b: {  	v19 =	vmul.f32 $-7.370430980e-03, v46;
	_ =	sdelay $0x1  }
0x10c: {  	v19 =	vadd.f32 $8.214588460e-02, v19;
	_ =	sdelay $0x1  }
0x10d: {  	v19 =	vmul.f32 v19, v46;
	_ =	sdelay $0x1  }
0x10e: {  	v19 =	vadd.f32 $-5.992645030e-01, v19  }
0x10f: {  	v20 =	vadd.f32 $-5.000000000e+00, v15  }
0x110: {  	v21 =	vadd.f32 $-1.666666630e+00, v15;
	v19 =	vmul.f32 v19, v46  }
0x111: {  	v22 =	vadd.f32 $-3.333333250e+00, v15;
	v20 =	vmul.f32 v20, v20  }
0x112: {  	v23 =	vmul.f32 v15, v15;
	v21 =	vmul.f32 v21, v21;
	v19 =	vadd.f32 $2.550163980e+00, v19  }
0x113: {  	v15 =	vadd.f32 $-2.500000000e+00, v15;
	v22 =	vmul.f32 v22, v22;
	v20 =	vsub.f32 $0.0e+00, v20  }
0x114: {  	v23 =	vsub.f32 $0.0e+00, v23;
	v21 =	vsub.f32 $0.0e+00, v21;
	v19 =	vmul.f32 v19, v46  }
0x115: {  	v15 =	vmul.f32 v15, v15;
	v22 =	vsub.f32 $0.0e+00, v22;
	v20 =	vmul.f32 $1.442695020e+00, v20  }
0x116: {  	v23 =	vmul.f32 $1.442695020e+00, v23;
	v21 =	vmul.f32 $1.442695020e+00, v21;
	v19 =	vadd.f32 $-5.167712690e+00, v19  }
0x117: {  	v22 =	vmul.f32 $1.442695020e+00, v22;
	(erf) = vpow2.f32 v20  }
0x118: {  	(erf) = vpow2.f32 v23;
	v18 =	vmul.f32 v19, v46  }
0x119: {  	v15 =	vsub.f32 $0.0e+00, v15;
	(erf) = vpow2.f32 v21  }
0x11a: {  	(erf) = vpow2.f32 v22;
	v18 =	vadd.f32 $3.141592740e+00, v18  }
0x11b: {  	v15 =	vmul.f32 $1.442695020e+00, v15  }
0x11c: {  	v17 =	vmul.f32 v18, v17  }
0x11d: {  	(erf) = vpow2.f32 v15  }
0x11e: {  	v15 =	vmul.f32 $5.000000000e-01, v17;
	_ =	sdelay $0x1  }
0x11f: {  	v9 =	vor.u32 $0x3, v9;
	v7 =	vmul.u32 $0x18, v7;
	v17 =	vpop (erf);
	v15 =	vsub.f32 $5.000000000e-01, v15  }
0x120: {  	v11 =	vor.u32 v11, v3;
	v13 =	vmul.f32 v16, v13;
	v14 =	vmul.f32 v16, v14;
	v47 =	vpop (erf)  }
0x121: {  	v48 =	vor.u32 $0x1, v7;
	v12 =	vmul.f32 v16, v12;
	v16 =	vpop (erf);
	v18 =	vmul.f32 v15, v47  }
0x122: {  	v51 =	vor.u32 $0x2, v7;
	v24 =	vor.u32 $0x3, v7;
	v16 =	vmul.f32 v15, v16;
	v50 =	vpop (erf)  }
0x123: {  	v25 =	vor.u32 $0x4, v7;
	v21 =	vmul.f32 v15, v50;
	v52 =	vmul.f32 $2.820947950e-02, v18  }
0x124: {  	v53 =	vor.u32 $0x5, v7;
	v9 =	vld.idx.msk [tilespmem:v9+s31+$0x0], $0xffff;
	v17 =	vmul.f32 v15, v17;
	v16 =	vmul.f32 $2.820947950e-02, v16  }
0x125: {  	v56 =	vor.u32 $0x7, v7;
	v11 =	vld.idx.msk [tilespmem:v11+s3+$0x0], $0xffff;
	v27 =	vmul.f32 $4.886025190e-02, v13;
	v26 =	vpop (erf);
	v21 =	vmul.f32 $2.820947950e-02, v21;
	[tilespmem:v7+s0+$0x0] =	vst.idx.msk $0xffff, v52  }
0x126: {  	v54 =	vmul.f32 $2.820947950e-02, v17;
	v15 =	vmul.f32 v15, v26;
	[tilespmem:v48+s0+$0x0] =	vst.idx.msk $0xffff, v16;
	v16 =	vor.u32 $0x6, v7  }
0x127: {  	v58 =	vadd.s32 $0x8, v7;
	v49 =	vmul.f32 $3.000000000e+00, v14;
	v28 =	vmul.f32 v18, v27;
	[tilespmem:v51+s0+$0x0] =	vst.idx.msk $0xffff, v21  }
0x128: {  	v60 =	vadd.s32 $0x9, v7;
	v57 =	vmul.f32 $4.886025190e-02, v14;
	v29 =	vmul.f32 v15, v27;
	[tilespmem:v24+s0+$0x0] =	vst.idx.msk $0xffff, v54  }
0x129: {  	v62 =	vadd.s32 $0xA, v7;
	v55 =	vmul.f32 v13, v12;
	v27 =	vmul.f32 v17, v27;
	[tilespmem:v25+s0+$0x0] =	vst.idx.msk $0xffff, v28  }
0x12a: {  	v33 =	vadd.s32 $0xC, v7;
	v59 =	vmul.f32 v14, v13;
	v61 =	vmul.f32 v18, v57;
	[tilespmem:v53+s0+$0x0] =	vst.idx.msk $0xffff, v29  }
0x12b: {  	v63 =	vmul.f32 $4.886025190e-02, v12;
	v30 =	vmul.f32 v15, v57;
	[tilespmem:v16+s0+$0x0] =	vst.idx.msk $0xffff, v27;
	v16 =	vadd.s32 $0xB, v7  }
0x12c: {  	v35 =	vadd.s32 $0xD, v7;
	v13 =	vmul.f32 v13, v13;
	v22 =	vmul.f32 v17, v57;
	[tilespmem:v56+s0+$0x0] =	vst.idx.msk $0xffff, v61  }
0x12d: {  	v36 =	vadd.s32 $0xE, v7;
	v20 =	vmul.f32 v49, v14;
	v34 =	vmul.f32 v18, v63;
	[tilespmem:v58+s0+$0x0] =	vst.idx.msk $0xffff, v30  }
0x12e: {  	v38 =	vadd.s32 $0xF, v7;
	v19 =	vmul.f32 $1.092548440e-01, v55;
	v15 =	vmul.f32 v15, v63;
	[tilespmem:v60+s0+$0x0] =	vst.idx.msk $0xffff, v22  }
0x12f: {  	v14 =	vmul.f32 v14, v12;
	v20 =	vadd.f32 $-1.000000000e+00, v20;
	v37 =	vmul.f32 v17, v63;
	[tilespmem:v62+s0+$0x0] =	vst.idx.msk $0xffff, v34  }
0x130: {  	v39 =	vmul.f32 v18, v19;
	v26 =	vmul.f32 $1.092548440e-01, v59;
	[tilespmem:v16+s0+$0x0] =	vst.idx.msk $0xffff, v15;
	v15 =	vadd.s32 $0x10, v7  }
0x131: {  	v40 =	vadd.s32 $0x11, v7;
	v12 =	vmul.f32 v12, v12;
	v16 =	vmul.f32 v17, v19;
	[tilespmem:v33+s0+$0x0] =	vst.idx.msk $0xffff, v37  }
0x132: {  	v42 =	vadd.s32 $0x12, v7;
	v20 =	vmul.f32 $3.153915700e-02, v20;
	v41 =	vmul.f32 v18, v26;
	[tilespmem:v35+s0+$0x0] =	vst.idx.msk $0xffff, v39  }
0x133: {  	v12 =	vsub.f32 v12, v13;
	v13 =	vmul.f32 v17, v26;
	[tilespmem:v36+s0+$0x0] =	vst.idx.msk $0xffff, v16;
	v16 =	vadd.s32 $0x13, v7  }
0x134: {  	v44 =	vadd.s32 $0x14, v7;
	v14 =	vmul.f32 $1.092548440e-01, v14;
	v43 =	vmul.f32 v18, v20;
	[tilespmem:v38+s0+$0x0] =	vst.idx.msk $0xffff, v41  }
0x135: {  	v20 =	vmul.f32 v17, v20;
	[tilespmem:v15+s0+$0x0] =	vst.idx.msk $0xffff, v13;
	v13 =	vadd.s32 $0x15, v7  }
0x136: {  	v12 =	vmul.f32 $5.462742220e-02, v12;
	v15 =	vmul.f32 v18, v14;
	v7 =	vadd.s32 $0x16, v7;
	[tilespmem:v40+s0+$0x0] =	vst.idx.msk $0xffff, v43  }
0x137: {  	v14 =	vmul.f32 v17, v14;
	[tilespmem:v42+s0+$0x0] =	vst.idx.msk $0xffff, v20  }
0x138: {  	v9 =	vtrunc.f32 v9;
	v18 =	vmul.f32 v18, v12;
	[tilespmem:v16+s0+$0x0] =	vst.idx.msk $0xffff, v15  }
0x139: {  	v9 =	vcvt.f32.s32 v9;
	v12 =	vmul.f32 v17, v12;
	[tilespmem:v44+s0+$0x0] =	vst.idx.msk $0xffff, v14  }
0x13a: {  	v11 =	vshll.u32 v11, $0x2;
	[tilespmem:v13+s0+$0x0] =	vst.idx.msk $0xffff, v18  }
0x13b: {  	[tilespmem:v7+s0+$0x0] =	vst.idx.msk $0xffff, v12;
	v7 =	vadd.s32 v9, v11  }
0x13c: {  	[tilespmem:s21+$0x0] =	vst v7  }
0x13d: {  	v7 =	vld.idx.msk [tilespmem:v10+s5+$0x0], $0xffff  }
0x13e: {  	v9 =	vld.idx.msk [tilespmem:v10+s31+$0x0], $0xffff  }
0x13f: {  	v11 =	vld.idx.msk [tilespmem:v5+s5+$0x0], $0xffff  }
0x140: {  	v5 =	vld.idx.msk [tilespmem:v5+s31+$0x0], $0xffff  }
0x141: {  	v12 =	vld.idx.msk [tilespmem:v4+s31+$0x0], $0xffff  }
0x142: {  	v4 =	vld.idx.msk [tilespmem:v4+s5+$0x0], $0xffff;
	_ =	sdelay $0x2  }
0x143: {  	v7 =	vsub.f32 v9, v7;
	v5 =	vsub.f32 v5, v11;
	_ =	sdelay $0x1  }
0x144: {  	v4 =	vsub.f32 v12, v4;
	v9 =	vmul.f32 v7, v7;
	v11 =	vmul.f32 v5, v5;
	_ =	sdelay $0x1  }
0x145: {  	v9 =	vadd.f32 v11, v9;
	v11 =	vmul.f32 v4, v4;
	_ =	sdelay $0x1  }
0x146: {  	v9 =	vadd.f32 v11, v9;
	_ =	sdelay $0x1  }
0x147: {  	v9 =	vadd.f32 $9.999999960e-13, v9;
	_ =	sdelay $0x1  }
0x148: {  	v11 =	vshra.s32 v9, $0x1;
	v12 =	vmul.f32 $5.000000000e-01, v9  }
0x149: {  	v11 =	vsub.s32 $0x5F3759DF, v11  }
0x14a: {  	v13 =	vmul.f32 v11, v12;
	_ =	sdelay $0x1  }
0x14b: {  	v13 =	vmul.f32 v11, v13;
	_ =	sdelay $0x1  }
0x14c: {  	v13 =	vsub.f32 $1.500000000e+00, v13;
	_ =	sdelay $0x1  }
0x14d: {  	v11 =	vmul.f32 v11, v13;
	_ =	sdelay $0x1  }
0x14e: {  	v13 =	vmul.f32 v11, v12;
	_ =	sdelay $0x1  }
0x14f: {  	v13 =	vmul.f32 v13, v11;
	_ =	sdelay $0x1  }
0x150: {  	v13 =	vsub.f32 $1.500000000e+00, v13;
	_ =	sdelay $0x1  }
0x151: {  	v11 =	vmul.f32 v13, v11;
	_ =	sdelay $0x1  }
0x152: {  	v12 =	vmul.f32 v11, v12;
	_ =	sdelay $0x1  }
0x153: {  	v12 =	vmul.f32 v12, v11;
	_ =	sdelay $0x1  }
0x154: {  	v12 =	vsub.f32 $1.500000000e+00, v12;
	_ =	sdelay $0x1  }
0x155: {  	v11 =	vmul.f32 v12, v11;
	_ =	sdelay $0x1  }
0x156: {  	v9 =	vmul.f32 v11, v9;
	_ =	sdelay $0x1  }
0x157: {  	v12 =	vmul.f32 $2.000000030e-01, v9;
	_ =	sdelay $0x1  }
0x158: {  	v12 =	vmin.f32 v12, $1.000000000e+00  }
0x159: {  	v12 =	vadd.f32 $-5.000000000e-01, v12;
	_ =	sdelay $0x1  }
0x15a: {  	v13 =	vmul.f32 v12, v12;
	_ =	sdelay $0x1  }
0x15b: {  	v14 =	vmul.f32 $-7.370430980e-03, v13;
	_ =	sdelay $0x1  }
0x15c: {  	v14 =	vadd.f32 $8.214588460e-02, v14;
	_ =	sdelay $0x1  }
0x15d: {  	v14 =	vmul.f32 v14, v13;
	_ =	sdelay $0x1  }
0x15e: {  	v14 =	vadd.f32 $-5.992645030e-01, v14;
	_ =	sdelay $0x1  }
0x15f: {  	v15 =	vadd.f32 $-5.000000000e+00, v9;
	v14 =	vmul.f32 v14, v13  }
0x160: {  	v16 =	vadd.f32 $-1.666666630e+00, v9  }
0x161: {  	v15 =	vmul.f32 v15, v15;
	v14 =	vadd.f32 $2.550163980e+00, v14  }
0x162: {  	v17 =	vadd.f32 $-3.333333250e+00, v9;
	v45 =	vmul.f32 v9, v9;
	v16 =	vmul.f32 v16, v16  }
0x163: {  	v9 =	vadd.f32 $-2.500000000e+00, v9;
	v15 =	vsub.f32 $0.0e+00, v15;
	v14 =	vmul.f32 v14, v13  }
0x164: {  	v17 =	vmul.f32 v17, v17;
	v18 =	vsub.f32 $0.0e+00, v45;
	v16 =	vsub.f32 $0.0e+00, v16  }
0x165: {  	v9 =	vmul.f32 v9, v9;
	v15 =	vmul.f32 $1.442695020e+00, v15;
	v14 =	vadd.f32 $-5.167712690e+00, v14  }
0x166: {  	v17 =	vsub.f32 $0.0e+00, v17;
	v18 =	vmul.f32 $1.442695020e+00, v18;
	v16 =	vmul.f32 $1.442695020e+00, v16  }
0x167: {  	(erf) = vpow2.f32 v15;
	v13 =	vmul.f32 v14, v13  }
0x168: {  	v17 =	vmul.f32 $1.442695020e+00, v17;
	(erf) = vpow2.f32 v18  }
0x169: {  	v9 =	vsub.f32 $0.0e+00, v9;
	(erf) = vpow2.f32 v16;
	v13 =	vadd.f32 $3.141592740e+00, v13  }
0x16a: {  	(erf) = vpow2.f32 v17  }
0x16b: {  	v9 =	vmul.f32 $1.442695020e+00, v9;
	v12 =	vmul.f32 v13, v12;
	_ =	sdelay $0x1  }
0x16c: {  	(erf) = vpow2.f32 v9;
	v9 =	vmul.f32 $5.000000000e-01, v12;
	_ =	sdelay $0x2  }
0x16d: {  	v3 =	vor.u32 v8, v3;
	v6 =	vmul.u32 $0x18, v6;
	v12 =	vpop (erf);
	v8 =	vsub.f32 $5.000000000e-01, v9  }
0x16e: {  	v10 =	vor.u32 $0x3, v10;
	v5 =	vmul.f32 v11, v5;
	v4 =	vmul.f32 v11, v4;
	v9 =	vpop (erf)  }
0x16f: {  	v7 =	vmul.f32 v11, v7;
	v13 =	vor.u32 $0x1, v6;
	v11 =	vpop (erf);
	v9 =	vmul.f32 v8, v9  }
0x170: {  	v46 =	vor.u32 $0x3, v6;
	v16 =	vor.u32 $0x2, v6;
	v11 =	vmul.f32 v8, v11;
	v15 =	vpop (erf)  }
0x171: {  	v55 =	vadd.s32 $0x9, v6;
	v15 =	vmul.f32 v8, v15;
	v17 =	vmul.f32 $2.820947950e-02, v9  }
0x172: {  	v47 =	vor.u32 $0x4, v6;
	v3 =	vld.idx.msk [tilespmem:v3+s3+$0x0], $0xffff;
	v12 =	vmul.f32 v8, v12;
	v11 =	vmul.f32 $2.820947950e-02, v11  }
0x173: {  	v10 =	vld.idx.msk [tilespmem:v10+s31+$0x0], $0xffff;
	v49 =	vmul.f32 $4.886025190e-02, v5;
	v48 =	vpop (erf);
	v15 =	vmul.f32 $2.820947950e-02, v15;
	[tilespmem:v6+s0+$0x0] =	vst.idx.msk $0xffff, v17;
	v17 =	vor.u32 $0x5, v6  }
0x174: {  	v50 =	vmul.f32 $2.820947950e-02, v12;
	v8 =	vmul.f32 v8, v48;
	[tilespmem:v13+s0+$0x0] =	vst.idx.msk $0xffff, v11;
	v11 =	vor.u32 $0x6, v6  }
0x175: {  	v54 =	vmul.f32 v4, v5;
	v51 =	vmul.f32 v9, v49;
	[tilespmem:v16+s0+$0x0] =	vst.idx.msk $0xffff, v15;
	v15 =	vor.u32 $0x7, v6  }
0x176: {  	v53 =	vadd.s32 $0x8, v6;
	v52 =	vmul.f32 v8, v49;
	v16 =	vmul.f32 $4.886025190e-02, v4;
	[tilespmem:v46+s0+$0x0] =	vst.idx.msk $0xffff, v50  }
0x177: {  	v60 =	vadd.s32 $0xD, v6;
	v14 =	vmul.f32 $3.000000000e+00, v4;
	v21 =	vmul.f32 v12, v49;
	[tilespmem:v47+s0+$0x0] =	vst.idx.msk $0xffff, v51  }
0x178: {  	v57 =	vmul.f32 $4.886025190e-02, v7;
	v56 =	vmul.f32 v9, v16;
	[tilespmem:v17+s0+$0x0] =	vst.idx.msk $0xffff, v52;
	v17 =	vadd.s32 $0xA, v6  }
0x179: {  	v14 =	vmul.f32 v14, v4;
	v58 =	vmul.f32 v8, v16;
	[tilespmem:v11+s0+$0x0] =	vst.idx.msk $0xffff, v21;
	v11 =	vadd.s32 $0xB, v6  }
0x17a: {  	v13 =	vmul.f32 v5, v7;
	v16 =	vmul.f32 v12, v16;
	[tilespmem:v15+s0+$0x0] =	vst.idx.msk $0xffff, v56;
	v15 =	vadd.s32 $0xC, v6  }
0x17b: {  	v20 =	vmul.f32 $1.092548440e-01, v54;
	v14 =	vadd.f32 $-1.000000000e+00, v14;
	v59 =	vmul.f32 v9, v57;
	[tilespmem:v53+s0+$0x0] =	vst.idx.msk $0xffff, v58  }
0x17c: {  	v13 =	vmul.f32 $1.092548440e-01, v13;
	v8 =	vmul.f32 v8, v57;
	[tilespmem:v55+s0+$0x0] =	vst.idx.msk $0xffff, v16;
	v16 =	vadd.s32 $0xE, v6  }
0x17d: {  	v61 =	vmul.f32 v12, v57;
	v5 =	vmul.f32 v5, v5;
	[tilespmem:v17+s0+$0x0] =	vst.idx.msk $0xffff, v59;
	v17 =	vadd.s32 $0xF, v6  }
0x17e: {  	v4 =	vmul.f32 v4, v7;
	v62 =	vmul.f32 v9, v13;
	[tilespmem:v11+s0+$0x0] =	vst.idx.msk $0xffff, v8;
	v8 =	vadd.s32 $0x10, v6  }
0x17f: {  	v7 =	vmul.f32 v7, v7;
	v11 =	vmul.f32 v12, v13;
	v13 =	vadd.s32 $0x11, v6;
	[tilespmem:v15+s0+$0x0] =	vst.idx.msk $0xffff, v61  }
0x180: {  	v63 =	vadd.s32 $0x12, v6;
	v14 =	vmul.f32 $3.153915700e-02, v14;
	v15 =	vmul.f32 v9, v20;
	[tilespmem:v60+s0+$0x0] =	vst.idx.msk $0xffff, v62  }
0x181: {  	v5 =	vsub.f32 v7, v5;
	v7 =	vmul.f32 v12, v20;
	[tilespmem:v16+s0+$0x0] =	vst.idx.msk $0xffff, v11;
	v11 =	vadd.s32 $0x13, v6  }
0x182: {  	v4 =	vmul.f32 $1.092548440e-01, v4;
	v16 =	vmul.f32 v9, v14;
	[tilespmem:v17+s0+$0x0] =	vst.idx.msk $0xffff, v15;
	v15 =	vadd.s32 $0x14, v6  }
0x183: {  	v14 =	vmul.f32 v12, v14;
	[tilespmem:v8+s0+$0x0] =	vst.idx.msk $0xffff, v7;
	v7 =	vadd.s32 $0x15, v6  }
0x184: {  	v5 =	vmul.f32 $5.462742220e-02, v5;
	v8 =	vmul.f32 v9, v4;
	v6 =	vadd.s32 $0x16, v6;
	[tilespmem:v13+s0+$0x0] =	vst.idx.msk $0xffff, v16  }
0x185: {  	v4 =	vmul.f32 v12, v4;
	[tilespmem:v63+s0+$0x0] =	vst.idx.msk $0xffff, v14  }
0x186: {  	v10 =	vtrunc.f32 v10;
	v9 =	vmul.f32 v9, v5;
	[tilespmem:v11+s0+$0x0] =	vst.idx.msk $0xffff, v8  }
0x187: {  	v5 =	vmul.f32 v12, v5;
	v8 =	vcvt.f32.s32 v10;
	[tilespmem:v15+s0+$0x0] =	vst.idx.msk $0xffff, v4  }
0x188: {  	v3 =	vshll.u32 v3, $0x2;
	[tilespmem:v7+s0+$0x0] =	vst.idx.msk $0xffff, v9  }
0x189: {  	s20 =	sadd.s32 $0x10, s20;
	p0 =	seq.s32 s18, $0x13;
	v3 =	vadd.s32 v8, v3;
	[tilespmem:v6+s0+$0x0] =	vst.idx.msk $0xffff, v5  }
0x18a: {  	[tilespmem:s20+$0x0] =	vst v3;
	s20 =	sshll.u32 @!p0 s18, $0x8  }
0x18b: {  	[spmem:s2] =	stream.indirect.scatter.add.f32 [tilespmem:s0], [sflag:$0x3], $0x18, s10, s1, $0xb8;
	[tilespmem:$0x14100] =	vst v63  }
0x18c: {  	s22 =	simm.s32 @!p0 $0x80;
	s23 =	simm.s32 @!p0 $0x2800;
	s21 =	sadd.s32 @!p0 $0x100, s20  }
0x18d: {  	[tilespmem:s23], [sflag:$0x1] =	stream.indirect.gather @!p0 [hbm4b:s4+s22], $0x8, s21, s22, $0xb8;
	[tilespmem:$0x14100] =	vst v63  }
0x18e: {  	p1 =	seq.s32 @!p0 s18, $0x0;
	s20 =	sadd.s32 @!p0 $0x1500, s20;
	s21 =	simm.s32 @!p0 $0x2C00  }
0x18f: {  	[tilespmem:s21], [sflag:$0x1] =	stream.indirect.gather @!p0 [hbm4b:s4+s22], $0x8, s20, s22, $0xb8;
	[tilespmem:$0x14100] =	vst v63  }
0x190: {  	p0 =	por p0, !p1  }
0x191: {  	_ =	swait.ge @p0 [sflag:s15], $0xC00  }
0x192: {  	[sflag:s15] =	ssyncset.done @p0 $0x0  }
0x193: {  	s22 =	simm.s32 $0x0;
	[sflag:s15] =	ssyncadd.s32 @p0 $0xFFFFF400  }
0x194: {  	v8 =	vor.u32 s22, v0;
	_ =	swait.ge [sflag:s11], $0x400  }
0x195: {  	v9 =	vshll.u32 v8, $0x3;
	[sflag:s11] =	ssyncset.done $0x0  }
0x196: {  	[sflag:s11] =	ssyncadd.s32 $0xFFFFFC00  }
0x197: {  	v3 =	vor.u32 $0x1, v9;
	_ =	swait.ge [sflag:s11], $0x400  }
0x198: {  	[sflag:s11] =	ssyncset.done $0x0  }
0x199: {  	v4 =	vor.u32 $0x2, v9;
	[sflag:s11] =	ssyncadd.s32 $0xFFFFFC00  }
0x19a: {  	v5 =	vld.idx.msk [tilespmem:v9+s6+$0x0], $0xffff  }
0x19b: {  	v6 =	vld.idx.msk [tilespmem:v9+s8+$0x0], $0xffff  }
0x19c: {  	v7 =	vld.idx.msk [tilespmem:v3+s6+$0x0], $0xffff  }
0x19d: {  	v3 =	vld.idx.msk [tilespmem:v3+s8+$0x0], $0xffff  }
0x19e: {  	v10 =	vld.idx.msk [tilespmem:v4+s8+$0x0], $0xffff  }
0x19f: {  	v4 =	vld.idx.msk [tilespmem:v4+s6+$0x0], $0xffff;
	_ =	sdelay $0x2  }
0x1a0: {  	v12 =	vsub.f32 v6, v5;
	v13 =	vsub.f32 v3, v7;
	_ =	sdelay $0x1  }
0x1a1: {  	v14 =	vsub.f32 v10, v4;
	v3 =	vmul.f32 v12, v12;
	v4 =	vmul.f32 v13, v13;
	_ =	sdelay $0x1  }
0x1a2: {  	v5 =	vmul.f32 v14, v14;
	v4 =	vadd.f32 v4, v3  }
0x1a3: {  	s23 =	simm.s32 $0x10  }
0x1a4: {  	v11 =	vand.u32 $0x78, v8;
	v6 =	vor.u32 s23, v0;
	v4 =	vadd.f32 v5, v4  }
0x1a5: {  	v7 =	vand.u32 $0x78, v6;
	v10 =	vshll.u32 v6, $0x3;
	v3 =	vor.u32 s19, v2  }
0x1a6: {  	s21 =	simm.s32 $0x20;
	s20 =	simm.s32 $0x5080;
	s19 =	simm.s32 $0x5080;
	v5 =	vor.u32 $0x1, v10;
	v15 =	vadd.f32 $9.999999960e-13, v4;
	v4 =	vor.u32 $0x2, v10  }
.LBB2_7:
0x1a7: {  	p0 =	sne.s32 s21, $0x70  }
0x1a8: {  	v16 =	vshra.s32 v15, $0x1;
	v17 =	vmul.f32 $5.000000000e-01, v15;
	s19 =	sadd.s32 $0x10, s19;
	s22 =	smov.u32 s21;
	s21 =	sadd.s32 $0x10, s21  }
0x1a9: {  	v16 =	vsub.s32 $0x5F3759DF, v16  }
0x1aa: {  	v18 =	vmul.f32 v16, v17;
	_ =	sdelay $0x1  }
0x1ab: {  	v18 =	vmul.f32 v16, v18;
	_ =	sdelay $0x1  }
0x1ac: {  	v18 =	vsub.f32 $1.500000000e+00, v18;
	_ =	sdelay $0x1  }
0x1ad: {  	v16 =	vmul.f32 v16, v18;
	_ =	sdelay $0x1  }
0x1ae: {  	v18 =	vmul.f32 v16, v17;
	_ =	sdelay $0x1  }
0x1af: {  	v18 =	vmul.f32 v18, v16;
	_ =	sdelay $0x1  }
0x1b0: {  	v18 =	vsub.f32 $1.500000000e+00, v18;
	_ =	sdelay $0x1  }
0x1b1: {  	v16 =	vmul.f32 v18, v16;
	_ =	sdelay $0x1  }
0x1b2: {  	v17 =	vmul.f32 v16, v17;
	_ =	sdelay $0x1  }
0x1b3: {  	v17 =	vmul.f32 v17, v16;
	_ =	sdelay $0x1  }
0x1b4: {  	v17 =	vsub.f32 $1.500000000e+00, v17;
	_ =	sdelay $0x1  }
0x1b5: {  	v16 =	vmul.f32 v17, v16;
	_ =	sdelay $0x1  }
0x1b6: {  	v15 =	vmul.f32 v16, v15;
	v17 =	vmul.f32 v16, v13  }
0x1b7: {  	v12 =	vmul.f32 v16, v12;
	v16 =	vmul.f32 v16, v14  }
0x1b8: {  	v13 =	vmul.f32 $2.000000030e-01, v15;
	v14 =	vadd.f32 $-1.666666630e+00, v15;
	v18 =	vadd.f32 $-3.333333250e+00, v15  }
0x1b9: {  	v19 =	vmul.f32 v15, v15;
	v20 =	vadd.f32 $-2.500000000e+00, v15;
	v15 =	vadd.f32 $-5.000000000e+00, v15  }
0x1ba: {  	v13 =	vmin.f32 v13, $1.000000000e+00;
	v14 =	vmul.f32 v14, v14;
	v18 =	vmul.f32 v18, v18  }
0x1bb: {  	v15 =	vmul.f32 v15, v15;
	v21 =	vadd.f32 $-5.000000000e-01, v13;
	v13 =	vsub.f32 $0.0e+00, v19  }
0x1bc: {  	v19 =	vmul.f32 v20, v20;
	v14 =	vsub.f32 $0.0e+00, v14;
	v18 =	vsub.f32 $0.0e+00, v18  }
0x1bd: {  	v20 =	vmul.f32 v21, v21;
	v22 =	vmul.f32 $1.442695020e+00, v13;
	v13 =	vsub.f32 $0.0e+00, v15  }
0x1be: {  	v15 =	vmul.f32 $1.442695020e+00, v14;
	v18 =	vmul.f32 $1.442695020e+00, v18;
	v14 =	vsub.f32 $0.0e+00, v19  }
0x1bf: {  	v19 =	vmul.f32 $-7.370430980e-03, v20;
	v23 =	vmul.f32 $1.442695020e+00, v13  }
0x1c0: {  	v13 =	vmul.f32 $3.000000000e+00, v16;
	v24 =	vmul.f32 $1.442695020e+00, v14  }
0x1c1: {  	v25 =	vmul.f32 v16, v17;
	v14 =	vadd.f32 $8.214588460e-02, v19;
	v19 =	vmul.f32 v17, v12  }
0x1c2: {  	v26 =	vmul.f32 v13, v16;
	v13 =	vmul.f32 v16, v12  }
0x1c3: {  	v27 =	vmul.f32 v12, v12;
	v14 =	vmul.f32 v14, v20  }
0x1c4: {  	v28 =	vmul.f32 v17, v17;
	v26 =	vadd.f32 $-1.000000000e+00, v26  }
0x1c5: {  	v29 =	vadd.f32 $-5.992645030e-01, v14  }
0x1c6: {  	v14 =	vsub.f32 v27, v28  }
0x1c7: {  	v27 =	vmul.f32 v29, v20;
	_ =	sdelay $0x1  }
0x1c8: {  	v27 =	vadd.f32 $2.550163980e+00, v27;
	_ =	sdelay $0x1  }
0x1c9: {  	v27 =	vmul.f32 v27, v20;
	_ =	sdelay $0x1  }
0x1ca: {  	v27 =	vadd.f32 $-5.167712690e+00, v27;
	(erf) = vpow2.f32 v23  }
0x1cb: {  	(erf) = vpow2.f32 v22  }
0x1cc: {  	v20 =	vmul.f32 v27, v20;
	(erf) = vpow2.f32 v15  }
0x1cd: {  	(erf) = vpow2.f32 v18  }
0x1ce: {  	v15 =	vadd.f32 $3.141592740e+00, v20;
	(erf) = vpow2.f32 v24;
	_ =	sdelay $0x1  }
0x1cf: {  	v15 =	vmul.f32 v15, v21;
	_ =	sdelay $0x1  }
0x1d0: {  	v15 =	vmul.f32 $5.000000000e-01, v15  }
0x1d1: {  	v18 =	vor.u32 $0x3, v9;
	v9 =	vmov v10;
	v20 =	vpop (erf)  }
0x1d2: {  	v10 =	vor.u32 v11, v3;
	v21 =	vmul.u32 $0x18, v8;
	v15 =	vsub.f32 $5.000000000e-01, v15;
	v22 =	vpop (erf)  }
0x1d3: {  	v11 =	vmov v7;
	v8 =	vmov v6;
	v23 =	vpop (erf)  }
0x1d4: {  	v6 =	vmul.f32 v15, v22;
	v7 =	vmul.f32 v15, v23;
	v22 =	vor.u32 $0x1, v21;
	v23 =	vpop (erf)  }
0x1d5: {  	v24 =	vor.u32 $0x2, v21;
	v20 =	vmul.f32 v15, v20;
	v23 =	vmul.f32 v15, v23;
	v27 =	vpop (erf)  }
0x1d6: {  	v28 =	vor.u32 $0x3, v21;
	v18 =	vld.idx.msk [tilespmem:v18+s8+$0x0], $0xffff;
	v15 =	vmul.f32 v15, v27;
	v27 =	vmul.f32 $2.820947950e-02, v6  }
0x1d7: {  	v29 =	vor.u32 $0x4, v21;
	v7 =	vmul.f32 $2.820947950e-02, v7;
	v10 =	vld.idx.msk [tilespmem:v10+s3+$0x0], $0xffff  }
0x1d8: {  	v17 =	vmul.f32 $4.886025190e-02, v17;
	v23 =	vmul.f32 $2.820947950e-02, v23;
	[tilespmem:v21+s12+$0x0] =	vst.idx.msk $0xffff, v27;
	v27 =	vor.u32 $0x5, v21  }
0x1d9: {  	v30 =	vmul.f32 $2.820947950e-02, v20;
	[tilespmem:v22+s12+$0x0] =	vst.idx.msk $0xffff, v7;
	v7 =	vor.u32 $0x6, v21  }
0x1da: {  	v22 =	vmul.f32 v6, v17;
	[tilespmem:v24+s12+$0x0] =	vst.idx.msk $0xffff, v23;
	v23 =	vor.u32 $0x7, v21  }
0x1db: {  	v16 =	vmul.f32 $4.886025190e-02, v16;
	v24 =	vmul.f32 v15, v17;
	[tilespmem:v28+s12+$0x0] =	vst.idx.msk $0xffff, v30;
	v28 =	vadd.s32 $0x8, v21  }
0x1dc: {  	v17 =	vmul.f32 v20, v17;
	v18 =	vtrunc.f32 v18;
	[tilespmem:v29+s12+$0x0] =	vst.idx.msk $0xffff, v22;
	v22 =	vadd.s32 $0x9, v21  }
0x1dd: {  	v29 =	vmul.f32 v6, v16;
	v18 =	vcvt.f32.s32 v18;
	[tilespmem:v27+s12+$0x0] =	vst.idx.msk $0xffff, v24;
	v24 =	vadd.s32 $0xA, v21  }
0x1de: {  	v12 =	vmul.f32 $4.886025190e-02, v12;
	v27 =	vmul.f32 v15, v16;
	[tilespmem:v7+s12+$0x0] =	vst.idx.msk $0xffff, v17;
	v7 =	vadd.s32 $0xB, v21  }
0x1df: {  	v16 =	vmul.f32 v20, v16;
	v17 =	vadd.s32 $0xC, v21;
	[tilespmem:v23+s12+$0x0] =	vst.idx.msk $0xffff, v29  }
0x1e0: {  	v23 =	vmul.f32 v6, v12;
	[tilespmem:v28+s12+$0x0] =	vst.idx.msk $0xffff, v27;
	v27 =	vadd.s32 $0xD, v21  }
0x1e1: {  	v19 =	vmul.f32 $1.092548440e-01, v19;
	v15 =	vmul.f32 v15, v12;
	[tilespmem:v22+s12+$0x0] =	vst.idx.msk $0xffff, v16;
	v16 =	vadd.s32 $0xE, v21  }
0x1e2: {  	v12 =	vmul.f32 v20, v12;
	v22 =	vadd.s32 $0xF, v21;
	[tilespmem:v24+s12+$0x0] =	vst.idx.msk $0xffff, v23  }
0x1e3: {  	v23 =	vmul.f32 $1.092548440e-01, v25;
	v24 =	vmul.f32 v6, v19;
	[tilespmem:v7+s12+$0x0] =	vst.idx.msk $0xffff, v15;
	v7 =	vadd.s32 $0x10, v21  }
0x1e4: {  	v15 =	vmul.f32 v20, v19;
	[tilespmem:v17+s12+$0x0] =	vst.idx.msk $0xffff, v12;
	v12 =	vadd.s32 $0x11, v21  }
0x1e5: {  	v17 =	vmul.f32 $3.153915700e-02, v26;
	v19 =	vmul.f32 v6, v23;
	[tilespmem:v27+s12+$0x0] =	vst.idx.msk $0xffff, v24;
	v24 =	vadd.s32 $0x12, v21  }
0x1e6: {  	v23 =	vmul.f32 v20, v23;
	[tilespmem:v16+s12+$0x0] =	vst.idx.msk $0xffff, v15;
	v15 =	vadd.s32 $0x13, v21  }
0x1e7: {  	v13 =	vmul.f32 $1.092548440e-01, v13;
	v16 =	vmul.f32 v6, v17;
	[tilespmem:v22+s12+$0x0] =	vst.idx.msk $0xffff, v19;
	v19 =	vadd.s32 $0x14, v21  }
0x1e8: {  	v17 =	vmul.f32 v20, v17;
	[tilespmem:v7+s12+$0x0] =	vst.idx.msk $0xffff, v23;
	v7 =	vadd.s32 $0x15, v21  }
0x1e9: {  	v14 =	vmul.f32 $5.462742220e-02, v14;
	v22 =	vmul.f32 v6, v13;
	[tilespmem:v12+s12+$0x0] =	vst.idx.msk $0xffff, v16;
	v12 =	vadd.s32 $0x16, v21  }
0x1ea: {  	v13 =	vmul.f32 v20, v13;
	[tilespmem:v24+s12+$0x0] =	vst.idx.msk $0xffff, v17  }
0x1eb: {  	v6 =	vmul.f32 v6, v14;
	[tilespmem:v15+s12+$0x0] =	vst.idx.msk $0xffff, v22  }
0x1ec: {  	v14 =	vmul.f32 v20, v14;
	[tilespmem:v19+s12+$0x0] =	vst.idx.msk $0xffff, v13  }
0x1ed: {  	[tilespmem:v7+s12+$0x0] =	vst.idx.msk $0xffff, v6;
	v6 =	vshll.u32 v10, $0x2  }
0x1ee: {  	[tilespmem:v12+s12+$0x0] =	vst.idx.msk $0xffff, v14;
	v6 =	vadd.s32 v18, v6  }
0x1ef: {  	[tilespmem:s20+$0x0] =	vst v6;
	s20 =	smov.u32 s19  }
0x1f0: {  	v6 =	vld.idx.msk [tilespmem:v9+s6+$0x0], $0xffff  }
0x1f1: {  	v7 =	vld.idx.msk [tilespmem:v9+s8+$0x0], $0xffff  }
0x1f2: {  	v10 =	vld.idx.msk [tilespmem:v5+s6+$0x0], $0xffff  }
0x1f3: {  	v5 =	vld.idx.msk [tilespmem:v5+s8+$0x0], $0xffff  }
0x1f4: {  	v14 =	vld.idx.msk [tilespmem:v4+s8+$0x0], $0xffff  }
0x1f5: {  	v4 =	vld.idx.msk [tilespmem:v4+s6+$0x0], $0xffff;
	_ =	sdelay $0x1  }
0x1f6: {  	v12 =	vsub.f32 v7, v6;
	_ =	sdelay $0x1  }
0x1f7: {  	v13 =	vsub.f32 v5, v10;
	_ =	sdelay $0x1  }
0x1f8: {  	v14 =	vsub.f32 v14, v4;
	v4 =	vmul.f32 v12, v12;
	v5 =	vmul.f32 v13, v13;
	_ =	sdelay $0x1  }
0x1f9: {  	v4 =	vadd.f32 v5, v4;
	v5 =	vmul.f32 v14, v14  }
.Ltmp2:
0x1fa: {  	(pc) =	sbr.rel @p0 .LBB2_7-.Ltmp2, $4  }
0x1fb: {  	v4 =	vadd.f32 v5, v4  }
0x1fc: {  	v6 =	vor.u32 s22, v0  }
0x1fd: {  	v7 =	vand.u32 $0x78, v6;
	v10 =	vshll.u32 v6, $0x3;
	v15 =	vadd.f32 $9.999999960e-13, v4  }
0x1fe: {  	v5 =	vor.u32 $0x1, v10;
	v4 =	vor.u32 $0x2, v10  }
0x1ff: {  	v16 =	vshra.s32 v15, $0x1;
	v17 =	vmul.f32 $5.000000000e-01, v15  }
0x200: {  	v16 =	vsub.s32 $0x5F3759DF, v16  }
0x201: {  	v18 =	vmul.f32 v16, v17;
	_ =	sdelay $0x1  }
0x202: {  	v18 =	vmul.f32 v16, v18;
	_ =	sdelay $0x1  }
0x203: {  	v18 =	vsub.f32 $1.500000000e+00, v18;
	_ =	sdelay $0x1  }
0x204: {  	v16 =	vmul.f32 v16, v18;
	_ =	sdelay $0x1  }
0x205: {  	v18 =	vmul.f32 v16, v17;
	_ =	sdelay $0x1  }
0x206: {  	v18 =	vmul.f32 v18, v16;
	_ =	sdelay $0x1  }
0x207: {  	v18 =	vsub.f32 $1.500000000e+00, v18;
	_ =	sdelay $0x1  }
0x208: {  	v16 =	vmul.f32 v18, v16;
	_ =	sdelay $0x1  }
0x209: {  	v17 =	vmul.f32 v16, v17;
	_ =	sdelay $0x1  }
0x20a: {  	v17 =	vmul.f32 v17, v16;
	_ =	sdelay $0x1  }
0x20b: {  	v17 =	vsub.f32 $1.500000000e+00, v17;
	_ =	sdelay $0x1  }
0x20c: {  	v16 =	vmul.f32 v17, v16;
	_ =	sdelay $0x1  }
0x20d: {  	v31 =	vmul.f32 v16, v15;
	_ =	sdelay $0x1  }
0x20e: {  	v32 =	vmul.f32 $2.000000030e-01, v31;
	_ =	sdelay $0x1  }
0x20f: {  	v17 =	vmin.f32 v32, $1.000000000e+00  }
0x210: {  	v17 =	vadd.f32 $-5.000000000e-01, v17;
	_ =	sdelay $0x1  }
0x211: {  	v33 =	vmul.f32 v17, v17;
	_ =	sdelay $0x1  }
0x212: {  	v19 =	vmul.f32 $-7.370430980e-03, v33;
	_ =	sdelay $0x1  }
0x213: {  	v19 =	vadd.f32 $8.214588460e-02, v19;
	_ =	sdelay $0x1  }
0x214: {  	v19 =	vmul.f32 v19, v33;
	_ =	sdelay $0x1  }
0x215: {  	v19 =	vadd.f32 $-5.992645030e-01, v19  }
0x216: {  	v20 =	vadd.f32 $-5.000000000e+00, v31  }
0x217: {  	v21 =	vadd.f32 $-1.666666630e+00, v31;
	v19 =	vmul.f32 v19, v33  }
0x218: {  	v22 =	vadd.f32 $-3.333333250e+00, v31;
	v20 =	vmul.f32 v20, v20  }
0x219: {  	v23 =	vmul.f32 v31, v31;
	v21 =	vmul.f32 v21, v21;
	v19 =	vadd.f32 $2.550163980e+00, v19  }
0x21a: {  	v15 =	vadd.f32 $-2.500000000e+00, v31;
	v22 =	vmul.f32 v22, v22;
	v20 =	vsub.f32 $0.0e+00, v20  }
0x21b: {  	v23 =	vsub.f32 $0.0e+00, v23;
	v21 =	vsub.f32 $0.0e+00, v21;
	v19 =	vmul.f32 v19, v33  }
0x21c: {  	v15 =	vmul.f32 v15, v15;
	v22 =	vsub.f32 $0.0e+00, v22;
	v20 =	vmul.f32 $1.442695020e+00, v20  }
0x21d: {  	v23 =	vmul.f32 $1.442695020e+00, v23;
	v21 =	vmul.f32 $1.442695020e+00, v21;
	v19 =	vadd.f32 $-5.167712690e+00, v19  }
0x21e: {  	v22 =	vmul.f32 $1.442695020e+00, v22;
	(erf) = vpow2.f32 v20  }
0x21f: {  	(erf) = vpow2.f32 v23;
	v18 =	vmul.f32 v19, v33  }
0x220: {  	v15 =	vsub.f32 $0.0e+00, v15;
	(erf) = vpow2.f32 v21  }
0x221: {  	(erf) = vpow2.f32 v22;
	v18 =	vadd.f32 $3.141592740e+00, v18  }
0x222: {  	v15 =	vmul.f32 $1.442695020e+00, v15  }
0x223: {  	v17 =	vmul.f32 v18, v17  }
0x224: {  	(erf) = vpow2.f32 v15  }
0x225: {  	v34 =	vmul.f32 $5.000000000e-01, v17  }
0x226: {  	v8 =	vmul.u32 $0x18, v8  }
0x227: {  	v9 =	vor.u32 $0x3, v9;
	v35 =	vpop (erf);
	v15 =	vsub.f32 $5.000000000e-01, v34  }
0x228: {  	v11 =	vor.u32 v11, v3;
	v38 =	vor.u32 $0x1, v8;
	v13 =	vmul.f32 v16, v13;
	v36 =	vpop (erf)  }
0x229: {  	v41 =	vor.u32 $0x2, v8;
	v14 =	vmul.f32 v16, v14;
	v37 =	vpop (erf);
	v18 =	vmul.f32 v15, v36  }
0x22a: {  	v24 =	vor.u32 $0x3, v8;
	v12 =	vmul.f32 v16, v12;
	v40 =	vpop (erf);
	v16 =	vmul.f32 v15, v37  }
0x22b: {  	v25 =	vor.u32 $0x4, v8;
	v21 =	vmul.f32 v15, v40;
	v42 =	vmul.f32 $2.820947950e-02, v18  }
0x22c: {  	v43 =	vor.u32 $0x5, v8;
	v9 =	vld.idx.msk [tilespmem:v9+s8+$0x0], $0xffff;
	v17 =	vmul.f32 v15, v35;
	v16 =	vmul.f32 $2.820947950e-02, v16  }
0x22d: {  	v45 =	vor.u32 $0x6, v8;
	v11 =	vld.idx.msk [tilespmem:v11+s3+$0x0], $0xffff;
	v27 =	vmul.f32 $4.886025190e-02, v13;
	v26 =	vpop (erf);
	v21 =	vmul.f32 $2.820947950e-02, v21;
	[tilespmem:v8+s12+$0x0] =	vst.idx.msk $0xffff, v42  }
0x22e: {  	v47 =	vor.u32 $0x7, v8;
	v15 =	vmul.f32 v15, v26;
	v44 =	vmul.f32 $2.820947950e-02, v17;
	[tilespmem:v38+s12+$0x0] =	vst.idx.msk $0xffff, v16  }
0x22f: {  	v49 =	vadd.s32 $0x8, v8;
	v39 =	vmul.f32 $3.000000000e+00, v14;
	v28 =	vmul.f32 v18, v27;
	[tilespmem:v41+s12+$0x0] =	vst.idx.msk $0xffff, v21  }
0x230: {  	v51 =	vadd.s32 $0x9, v8;
	v48 =	vmul.f32 $4.886025190e-02, v14;
	v29 =	vmul.f32 v15, v27;
	[tilespmem:v24+s12+$0x0] =	vst.idx.msk $0xffff, v44  }
0x231: {  	v53 =	vadd.s32 $0xA, v8;
	v46 =	vmul.f32 v13, v12;
	v27 =	vmul.f32 v17, v27;
	[tilespmem:v25+s12+$0x0] =	vst.idx.msk $0xffff, v28  }
0x232: {  	v55 =	vadd.s32 $0xB, v8;
	v50 =	vmul.f32 v14, v13;
	v52 =	vmul.f32 v18, v48;
	[tilespmem:v43+s12+$0x0] =	vst.idx.msk $0xffff, v29  }
0x233: {  	v56 =	vadd.s32 $0xC, v8;
	v54 =	vmul.f32 $4.886025190e-02, v12;
	v30 =	vmul.f32 v15, v48;
	[tilespmem:v45+s12+$0x0] =	vst.idx.msk $0xffff, v27  }
0x234: {  	v58 =	vadd.s32 $0xD, v8;
	v13 =	vmul.f32 v13, v13;
	v22 =	vmul.f32 v17, v48;
	[tilespmem:v47+s12+$0x0] =	vst.idx.msk $0xffff, v52  }
0x235: {  	v59 =	vadd.s32 $0xE, v8;
	v20 =	vmul.f32 v39, v14;
	v57 =	vmul.f32 v18, v54;
	[tilespmem:v49+s12+$0x0] =	vst.idx.msk $0xffff, v30  }
0x236: {  	v61 =	vadd.s32 $0xF, v8;
	v19 =	vmul.f32 $1.092548440e-01, v46;
	v15 =	vmul.f32 v15, v54;
	[tilespmem:v51+s12+$0x0] =	vst.idx.msk $0xffff, v22  }
0x237: {  	v63 =	vadd.s32 $0x10, v8;
	v14 =	vmul.f32 v14, v12;
	v60 =	vmul.f32 v17, v54;
	[tilespmem:v53+s12+$0x0] =	vst.idx.msk $0xffff, v57  }
0x238: {  	v20 =	vadd.f32 $-1.000000000e+00, v20;
	v26 =	vmul.f32 $1.092548440e-01, v50;
	v62 =	vmul.f32 v18, v19;
	[tilespmem:v55+s12+$0x0] =	vst.idx.msk $0xffff, v15  }
0x239: {  	v12 =	vmul.f32 v12, v12;
	v28 =	vmul.f32 v17, v19;
	v29 =	vadd.s32 $0x11, v8;
	[tilespmem:v56+s12+$0x0] =	vst.idx.msk $0xffff, v60  }
0x23a: {  	v31 =	vadd.s32 $0x12, v8;
	v20 =	vmul.f32 $3.153915700e-02, v20;
	v30 =	vmul.f32 v18, v26;
	[tilespmem:v58+s12+$0x0] =	vst.idx.msk $0xffff, v62  }
0x23b: {  	v12 =	vsub.f32 v12, v13;
	v33 =	vadd.s32 $0x13, v8;
	v32 =	vmul.f32 v17, v26;
	[tilespmem:v59+s12+$0x0] =	vst.idx.msk $0xffff, v28  }
0x23c: {  	v14 =	vmul.f32 $1.092548440e-01, v14;
	v35 =	vadd.s32 $0x14, v8;
	v34 =	vmul.f32 v18, v20;
	[tilespmem:v61+s12+$0x0] =	vst.idx.msk $0xffff, v30  }
0x23d: {  	v36 =	vadd.s32 $0x15, v8;
	v20 =	vmul.f32 v17, v20;
	[tilespmem:v63+s12+$0x0] =	vst.idx.msk $0xffff, v32  }
0x23e: {  	v12 =	vmul.f32 $5.462742220e-02, v12;
	v37 =	vmul.f32 v18, v14;
	v8 =	vadd.s32 $0x16, v8;
	[tilespmem:v29+s12+$0x0] =	vst.idx.msk $0xffff, v34  }
0x23f: {  	v14 =	vmul.f32 v17, v14;
	[tilespmem:v31+s12+$0x0] =	vst.idx.msk $0xffff, v20  }
0x240: {  	v9 =	vtrunc.f32 v9;
	v18 =	vmul.f32 v18, v12;
	[tilespmem:v33+s12+$0x0] =	vst.idx.msk $0xffff, v37  }
0x241: {  	v9 =	vcvt.f32.s32 v9;
	v12 =	vmul.f32 v17, v12;
	[tilespmem:v35+s12+$0x0] =	vst.idx.msk $0xffff, v14  }
0x242: {  	v11 =	vshll.u32 v11, $0x2;
	[tilespmem:v36+s12+$0x0] =	vst.idx.msk $0xffff, v18  }
0x243: {  	v38 =	vadd.s32 v9, v11;
	[tilespmem:v8+s12+$0x0] =	vst.idx.msk $0xffff, v12  }
0x244: {  	[tilespmem:s20+$0x0] =	vst v38  }
0x245: {  	v8 =	vld.idx.msk [tilespmem:v10+s6+$0x0], $0xffff  }
0x246: {  	v39 =	vld.idx.msk [tilespmem:v10+s8+$0x0], $0xffff  }
0x247: {  	v40 =	vld.idx.msk [tilespmem:v5+s6+$0x0], $0xffff  }
0x248: {  	v41 =	vld.idx.msk [tilespmem:v5+s8+$0x0], $0xffff  }
0x249: {  	v12 =	vld.idx.msk [tilespmem:v4+s8+$0x0], $0xffff  }
0x24a: {  	v42 =	vld.idx.msk [tilespmem:v4+s6+$0x0], $0xffff;
	_ =	sdelay $0x2  }
0x24b: {  	v8 =	vsub.f32 v39, v8;
	v5 =	vsub.f32 v41, v40;
	_ =	sdelay $0x1  }
0x24c: {  	v4 =	vsub.f32 v12, v42;
	v9 =	vmul.f32 v8, v8;
	v11 =	vmul.f32 v5, v5;
	_ =	sdelay $0x1  }
0x24d: {  	v43 =	vmul.f32 v4, v4;
	v9 =	vadd.f32 v11, v9;
	_ =	sdelay $0x1  }
0x24e: {  	v9 =	vadd.f32 v43, v9;
	_ =	sdelay $0x1  }
0x24f: {  	v9 =	vadd.f32 $9.999999960e-13, v9;
	_ =	sdelay $0x1  }
0x250: {  	v44 =	vshra.s32 v9, $0x1;
	v45 =	vmul.f32 $5.000000000e-01, v9  }
0x251: {  	v11 =	vsub.s32 $0x5F3759DF, v44  }
0x252: {  	v46 =	vmul.f32 v11, v45;
	_ =	sdelay $0x1  }
0x253: {  	v13 =	vmul.f32 v11, v46;
	_ =	sdelay $0x1  }
0x254: {  	v13 =	vsub.f32 $1.500000000e+00, v13;
	_ =	sdelay $0x1  }
0x255: {  	v11 =	vmul.f32 v11, v13;
	_ =	sdelay $0x1  }
0x256: {  	v13 =	vmul.f32 v11, v45;
	_ =	sdelay $0x1  }
0x257: {  	v13 =	vmul.f32 v13, v11;
	_ =	sdelay $0x1  }
0x258: {  	v13 =	vsub.f32 $1.500000000e+00, v13;
	_ =	sdelay $0x1  }
0x259: {  	v11 =	vmul.f32 v13, v11;
	_ =	sdelay $0x1  }
0x25a: {  	v12 =	vmul.f32 v11, v45;
	_ =	sdelay $0x1  }
0x25b: {  	v12 =	vmul.f32 v12, v11;
	_ =	sdelay $0x1  }
0x25c: {  	v12 =	vsub.f32 $1.500000000e+00, v12;
	_ =	sdelay $0x1  }
0x25d: {  	v11 =	vmul.f32 v12, v11;
	_ =	sdelay $0x1  }
0x25e: {  	v9 =	vmul.f32 v11, v9;
	_ =	sdelay $0x1  }
0x25f: {  	v47 =	vmul.f32 $2.000000030e-01, v9;
	_ =	sdelay $0x1  }
0x260: {  	v12 =	vmin.f32 v47, $1.000000000e+00  }
0x261: {  	v12 =	vadd.f32 $-5.000000000e-01, v12;
	_ =	sdelay $0x1  }
0x262: {  	v48 =	vmul.f32 v12, v12;
	_ =	sdelay $0x1  }
0x263: {  	v49 =	vmul.f32 $-7.370430980e-03, v48;
	_ =	sdelay $0x1  }
0x264: {  	v14 =	vadd.f32 $8.214588460e-02, v49;
	_ =	sdelay $0x1  }
0x265: {  	v14 =	vmul.f32 v14, v48;
	_ =	sdelay $0x1  }
0x266: {  	v14 =	vadd.f32 $-5.992645030e-01, v14  }
0x267: {  	v50 =	vadd.f32 $-5.000000000e+00, v9  }
0x268: {  	v51 =	vadd.f32 $-1.666666630e+00, v9;
	v14 =	vmul.f32 v14, v48  }
0x269: {  	v52 =	vadd.f32 $-3.333333250e+00, v9;
	v15 =	vmul.f32 v50, v50  }
0x26a: {  	v53 =	vmul.f32 v9, v9;
	v16 =	vmul.f32 v51, v51;
	v14 =	vadd.f32 $2.550163980e+00, v14  }
0x26b: {  	v9 =	vadd.f32 $-2.500000000e+00, v9;
	v17 =	vmul.f32 v52, v52;
	v15 =	vsub.f32 $0.0e+00, v15  }
0x26c: {  	v18 =	vsub.f32 $0.0e+00, v53;
	v16 =	vsub.f32 $0.0e+00, v16;
	v14 =	vmul.f32 v14, v48  }
0x26d: {  	v9 =	vmul.f32 v9, v9;
	v17 =	vsub.f32 $0.0e+00, v17;
	v15 =	vmul.f32 $1.442695020e+00, v15  }
0x26e: {  	v18 =	vmul.f32 $1.442695020e+00, v18;
	v16 =	vmul.f32 $1.442695020e+00, v16;
	v14 =	vadd.f32 $-5.167712690e+00, v14  }
0x26f: {  	v17 =	vmul.f32 $1.442695020e+00, v17;
	(erf) = vpow2.f32 v15  }
0x270: {  	(erf) = vpow2.f32 v18;
	v13 =	vmul.f32 v14, v48  }
0x271: {  	v9 =	vsub.f32 $0.0e+00, v9;
	(erf) = vpow2.f32 v16  }
0x272: {  	(erf) = vpow2.f32 v17;
	v13 =	vadd.f32 $3.141592740e+00, v13  }
0x273: {  	v9 =	vmul.f32 $1.442695020e+00, v9  }
0x274: {  	v12 =	vmul.f32 v13, v12  }
0x275: {  	(erf) = vpow2.f32 v9  }
0x276: {  	v54 =	vmul.f32 $5.000000000e-01, v12  }
0x277: {  	v6 =	vmul.u32 $0x18, v6  }
0x278: {  	v55 =	vor.u32 $0x3, v10;
	v56 =	vpop (erf);
	v57 =	vsub.f32 $5.000000000e-01, v54  }
0x279: {  	v3 =	vor.u32 v7, v3;
	v25 =	vor.u32 $0x3, v6;
	v5 =	vmul.f32 v11, v5;
	v58 =	vpop (erf)  }
0x27a: {  	v60 =	vor.u32 $0x1, v6;
	v4 =	vmul.f32 v11, v4;
	v59 =	vpop (erf);
	v9 =	vmul.f32 v57, v58  }
0x27b: {  	v63 =	vor.u32 $0x2, v6;
	v8 =	vmul.f32 v11, v8;
	v62 =	vpop (erf);
	v11 =	vmul.f32 v57, v59  }
0x27c: {  	v26 =	vor.u32 $0x4, v6;
	v15 =	vmul.f32 v57, v62;
	v24 =	vmul.f32 $2.820947950e-02, v9  }
0x27d: {  	v29 =	vor.u32 $0x5, v6;
	v10 =	vld.idx.msk [tilespmem:v55+s8+$0x0], $0xffff;
	v12 =	vmul.f32 v57, v56;
	v11 =	vmul.f32 $2.820947950e-02, v11  }
0x27e: {  	v34 =	vor.u32 $0x7, v6;
	v3 =	vld.idx.msk [tilespmem:v3+s3+$0x0], $0xffff;
	v28 =	vmul.f32 $4.886025190e-02, v5;
	v27 =	vpop (erf);
	v15 =	vmul.f32 $2.820947950e-02, v15;
	[tilespmem:v6+s12+$0x0] =	vst.idx.msk $0xffff, v24  }
0x27f: {  	v31 =	vor.u32 $0x6, v6;
	v7 =	vmul.f32 v57, v27;
	v30 =	vmul.f32 $2.820947950e-02, v12;
	[tilespmem:v60+s12+$0x0] =	vst.idx.msk $0xffff, v11  }
0x280: {  	v37 =	vadd.s32 $0x8, v6;
	v61 =	vmul.f32 $3.000000000e+00, v4;
	v33 =	vmul.f32 v9, v28;
	[tilespmem:v63+s12+$0x0] =	vst.idx.msk $0xffff, v15  }
0x281: {  	v39 =	vadd.s32 $0x9, v6;
	v35 =	vmul.f32 $4.886025190e-02, v4;
	v36 =	vmul.f32 v7, v28;
	[tilespmem:v25+s12+$0x0] =	vst.idx.msk $0xffff, v30  }
0x282: {  	v41 =	vadd.s32 $0xA, v6;
	v32 =	vmul.f32 v5, v8;
	v21 =	vmul.f32 v12, v28;
	[tilespmem:v26+s12+$0x0] =	vst.idx.msk $0xffff, v33  }
0x283: {  	v44 =	vadd.s32 $0xB, v6;
	v38 =	vmul.f32 v4, v5;
	v40 =	vmul.f32 v9, v35;
	[tilespmem:v29+s12+$0x0] =	vst.idx.msk $0xffff, v36  }
0x284: {  	v45 =	vadd.s32 $0xC, v6;
	v42 =	vmul.f32 $4.886025190e-02, v8;
	v43 =	vmul.f32 v7, v35;
	[tilespmem:v31+s12+$0x0] =	vst.idx.msk $0xffff, v21  }
0x285: {  	v5 =	vmul.f32 v5, v5;
	v47 =	vadd.s32 $0xD, v6;
	v16 =	vmul.f32 v12, v35;
	[tilespmem:v34+s12+$0x0] =	vst.idx.msk $0xffff, v40  }
0x286: {  	v50 =	vadd.s32 $0xF, v6;
	v14 =	vmul.f32 v61, v4;
	v46 =	vmul.f32 v9, v42;
	[tilespmem:v37+s12+$0x0] =	vst.idx.msk $0xffff, v43  }
0x287: {  	v48 =	vadd.s32 $0xE, v6;
	v13 =	vmul.f32 $1.092548440e-01, v32;
	v7 =	vmul.f32 v7, v42;
	[tilespmem:v39+s12+$0x0] =	vst.idx.msk $0xffff, v16  }
0x288: {  	v20 =	vmul.f32 $1.092548440e-01, v38;
	v52 =	vadd.s32 $0x10, v6;
	v49 =	vmul.f32 v12, v42;
	[tilespmem:v41+s12+$0x0] =	vst.idx.msk $0xffff, v46  }
0x289: {  	v4 =	vmul.f32 v4, v8;
	v14 =	vadd.f32 $-1.000000000e+00, v14;
	v51 =	vmul.f32 v9, v13;
	[tilespmem:v44+s12+$0x0] =	vst.idx.msk $0xffff, v7  }
0x28a: {  	v8 =	vmul.f32 v8, v8;
	v54 =	vadd.s32 $0x11, v6;
	v53 =	vmul.f32 v12, v13;
	[tilespmem:v45+s12+$0x0] =	vst.idx.msk $0xffff, v49  }
0x28b: {  	v14 =	vmul.f32 $3.153915700e-02, v14;
	v56 =	vadd.s32 $0x12, v6;
	v55 =	vmul.f32 v9, v20;
	[tilespmem:v47+s12+$0x0] =	vst.idx.msk $0xffff, v51  }
0x28c: {  	v5 =	vsub.f32 v8, v5;
	v58 =	vadd.s32 $0x13, v6;
	v57 =	vmul.f32 v12, v20;
	[tilespmem:v48+s12+$0x0] =	vst.idx.msk $0xffff, v53  }
0x28d: {  	v4 =	vmul.f32 $1.092548440e-01, v4;
	v59 =	vmul.f32 v9, v14;
	v60 =	vadd.s32 $0x14, v6;
	[tilespmem:v50+s12+$0x0] =	vst.idx.msk $0xffff, v55  }
0x28e: {  	v61 =	vadd.s32 $0x15, v6;
	v14 =	vmul.f32 v12, v14;
	[tilespmem:v52+s12+$0x0] =	vst.idx.msk $0xffff, v57  }
0x28f: {  	v5 =	vmul.f32 $5.462742220e-02, v5;
	v62 =	vmul.f32 v9, v4;
	v6 =	vadd.s32 $0x16, v6;
	[tilespmem:v54+s12+$0x0] =	vst.idx.msk $0xffff, v59  }
0x290: {  	s18 =	sadd.s32 $0x1, s18;
	v4 =	vmul.f32 v12, v4;
	[tilespmem:v56+s12+$0x0] =	vst.idx.msk $0xffff, v14  }
0x291: {  	p0 =	sne.s32 s18, $0x14;
	v10 =	vtrunc.f32 v10;
	v9 =	vmul.f32 v9, v5;
	[tilespmem:v58+s12+$0x0] =	vst.idx.msk $0xffff, v62  }
.Ltmp3:
0x292: {  	v5 =	vmul.f32 v12, v5;
	v63 =	vcvt.f32.s32 v10;
	[tilespmem:v60+s12+$0x0] =	vst.idx.msk $0xffff, v4;
	(pc) =	sbr.rel @p0 .LBB2_4-.Ltmp3, $4  }
0x293: {  	v3 =	vshll.u32 v3, $0x2;
	[tilespmem:v61+s12+$0x0] =	vst.idx.msk $0xffff, v9  }
0x294: {  	s19 =	sadd.s32 $0x10, s19;
	v3 =	vadd.s32 v63, v3;
	[tilespmem:v6+s12+$0x0] =	vst.idx.msk $0xffff, v5  }
0x295: {  	[tilespmem:s19+$0x0] =	vst v3  }
0x296: {  	[spmem:s2] =	stream.indirect.scatter.add.f32 [tilespmem:s12], [sflag:$0x4], $0x18, s13, s1, $0xb8;
	[tilespmem:$0x14100] =	vst v63  }
0x297: {  	_ =	swait.ge [sflag:s14], $0xC00  }
0x298: {  	[sflag:s14] =	ssyncset.done $0x0  }
0x299: {  	[sflag:s14] =	ssyncadd.s32 $0xFFFFF400  }
0x29a: {  	s17 =	stileid.u32;
	_ =	swait.ge [sflag:s15], $0xC00  }
0x29b: {  	s18 =	sshrl.u32 s7, $0x3;
	s16 =	sadd.s32 $0x1, s16;
	[sflag:s15] =	ssyncset.done $0x0  }
0x29c: {  	s17 =	sshll.u32 s17, $0x6;
	p0 =	sne.s32 s16, s29;
	[sflag:s15] =	ssyncadd.s32 $0xFFFFF400  }
.Ltmp4:
0x29d: {  	s17 =	sor.u32 $0x1C05, s17;
	[bflag:$0x0] =	sbarrier.arrive $0xFFFF;
	(pc) =	sbr.rel @p0 .LBB2_1-.Ltmp4, $4  }
0x29e: {  	[hbm:s28], [sflag:s17] =	dma.local [spmem:s18], $0x1E00  }
0x29f: {  	_ =	swait.ge [sflag:s30], $0x1E00  }
0x2a0: {  	[sflag:s30] =	ssyncset.done $0x0  }
0x2a1: {  	s20 =	simm.s32 $0x1400;
	[sflag:s30] =	ssyncadd.s32 $0xFFFFE200  }
0x2a2: {  	_ =	sfence.sel $0x180000  }
0x2a3: {  	[bflag:$0x0] =	sbarrier.arrive $0xFFFF  }
0x2a4: {  	_ =	strace $0x90000047  }
0x2a5: {  	s0 =	stileid.u32;
	[bflag:$0x2] =	sbarrier.arrive $0xFFFF  }
0x2a6: {  	p0 =	sne.s32 s0, $0x0;
	s0 =	rddreg [dreg:$0x2]  }
0x2a7: {  	s0 =	sadd.s32 @!p0 $0x100000, s0  }
0x2a8: {  	[sflag:s0] =	ssyncadd.tile.s32 @!p0 $0x1;
	_ =	shalt  }
.Lfunc_end2:
_tile_overlayer_lowered:
.L_overlay_start_2:
0x2a9: {  	(tag) =	ssettag $0x2  }
0x2aa: {  	s0 =	rddreg [dreg:$0x0];
	s2 =	stileid.u32  }
0x2ab: {  	s1 =	rddreg [dreg:$0x1];
	p0 =	sne.s32 s2, $0x0  }
0x2ac: {  	s3 =	rddreg [dreg:$0x2];
	[bflag:$0x3] =	sbarrier.arrive $0xFFFF;
	s2 =	simm.s32 @!p0 $0x1C05  }
0x2ad: {  	[timem:s3], [sflag:s2] =	dma.local @!p0 [hbm:s0], s1  }
0x2ae: {  	s0 =	simm.s32 @!p0 $0x5  }
0x2af: {  	_ =	swait.ge @!p0 [sflag:s0], s1  }
0x2b0: {  	s1 =	ssub.s32 @!p0 $0x0, s1;
	[sflag:s0] =	ssyncset.done @!p0 $0x0  }
0x2b1: {  	[sflag:s0] =	ssyncadd.s32 @!p0 s1  }
0x2b2: {  	[bflag:$0x3] =	sbarrier.arrive $0xFFFF  }
0x2b3: {  	_ =	shalt  }

</sc_bundles>
